<compile_context>
chip_gen: v7x
topology: tpu7x:2x2x1
jax: 0.10.2.dev20260603
libtpu: 0.0.44.dev20260713+nightly
codegen_flags: <defaults>
</compile_context>

<pallas_src>
import functools

import jax
import jax.numpy as jnp
from jax import lax
from jax.experimental import pallas as pl
from jax.experimental.pallas import tpu as pltpu
from jax.experimental.pallas import tpu_sc as plsc

N = 10000
E = 320000
D = 128
ALPHA1 = 0.005
ALPHA2 = 1.0
BETA1 = 1.0
BETA2 = 0.1
EPS = 1e-15

_INFO = plsc.get_sparse_core_info()
NC = _INFO.num_cores
NS = _INFO.num_subcores
L = _INFO.num_lanes
NW = NC * NS
EW = E // NW
NV = EW // L
GROUP = 25
NG = NV // GROUP

assert E % NW == 0 and EW % L == 0 and NV % GROUP == 0

_PIB = jax.lax.GatherScatterMode.PROMISE_IN_BOUNDS
_GDN = lax.GatherDimensionNumbers(
    offset_dims=(), collapsed_slice_dims=(0,), start_index_map=(0,))


def _splat(vec, j):
    idx = jnp.full((L, 1), j, jnp.int32)
    return lax.gather(vec, idx, _GDN, slice_sizes=(1,), mode=_PIB)


def _sc_scan_kernel(ei_hbm, em_hbm, feat_hbm, xy_hbm,
                    out_hbm, dstv, xyv, s16, e16, rows, accv,
                    dsem, sem):
    wid = lax.axis_index("s") * NC + lax.axis_index("c")
    base = wid * EW
    dcp = pltpu.async_copy(ei_hbm.at[1, pl.ds(base, EW)], dstv, dsem)
    pltpu.sync_copy(xy_hbm, xyv.at[pl.ds(0, 2)])
    v = xyv[...]
    xvec = _splat(v, 0)
    yvec = _splat(v, 1)
    thr = jnp.max(jnp.maximum(xvec, yvec))

    for k in range(4):
        for b in range(D // L):
            accv[k, pl.ds(b * L, L)] = jnp.zeros((L,), jnp.float32)

    def handle_vec(off):
        scp = pltpu.async_copy(ei_hbm.at[0, pl.ds(base + off, L)], s16, dsem)
        ecp = pltpu.async_copy(em_hbm.at[pl.ds(base + off, L)], e16, sem)
        scp.wait()
        rcp = pltpu.async_copy(feat_hbm.at[s16], rows, dsem)
        ecp.wait()
        rcp.wait()
        d16 = dstv[pl.ds(off, L)]
        e16v = e16[...]
        wfx = (d16 == xvec).astype(jnp.float32)
        wfy = (d16 == yvec).astype(jnp.float32)
        kp = (e16v >= 0.0).astype(jnp.float32)
        wmx = wfx * kp
        wmy = wfy * kp
        parts = [[jnp.zeros((L,), jnp.float32) for _ in range(D // L)]
                 for _ in range(4)]
        for j in range(L):
            ws = (_splat(wfx, j), _splat(wfy, j), _splat(wmx, j), _splat(wmy, j))
            for b in range(D // L):
                row_v = rows[j, pl.ds(b * L, L)]
                for k in range(4):
                    parts[k][b] = parts[k][b] + ws[k] * row_v
        for k in range(4):
            for b in range(D // L):
                accv[k, pl.ds(b * L, L)] = (accv[k, pl.ds(b * L, L)]
                                            + parts[k][b])

    def fine_body(j, goff):
        off = goff + j * L
        d16 = dstv[pl.ds(off, L)]
        hit = (d16 == xvec) | (d16 == yvec)
        cnt = jnp.max(hit.astype(jnp.int32))

        @pl.when(cnt > 0)
        def _():
            handle_vec(off)

        return goff

    def group_body(g, _):
        goff = g * (GROUP * L)
        mn = dstv[pl.ds(goff, L)]
        for j in range(1, GROUP):
            mn = jnp.minimum(mn, dstv[pl.ds(goff + j * L, L)])
        gmin = jnp.min(mn)

        @pl.when(gmin <= thr)
        def _():
            lax.fori_loop(0, GROUP, fine_body, goff)

        return 0

    dcp.wait()
    lax.fori_loop(0, NG, group_body, 0)
    pltpu.sync_copy(accv, out_hbm.at[wid])


def _sc_scan(ei, em, feat, xy):
    mesh = plsc.VectorSubcoreMesh(core_axis_name="c", subcore_axis_name="s")
    f = functools.partial(
        pl.kernel,
        mesh=mesh,
        compiler_params=pltpu.CompilerParams(
            needs_layout_passes=False, use_tc_tiling_on_sc=False),
        out_type=jax.ShapeDtypeStruct((NW, 4, D), jnp.float32),
        scratch_types=[
            pltpu.VMEM((EW,), jnp.int32),
            pltpu.VMEM((L,), jnp.int32),
            pltpu.VMEM((L,), jnp.int32),
            pltpu.VMEM((L,), jnp.float32),
            pltpu.VMEM((L, D), jnp.float32),
            pltpu.VMEM((4, D), jnp.float32),
            pltpu.SemaphoreType.DMA,
            pltpu.SemaphoreType.DMA,
        ],
    )(_sc_scan_kernel)
    return f(ei, em, feat, xy)


def _tc_em_kernel(em_ref, out_ref):
    m = em_ref[...]
    em = jax.nn.sigmoid(m)
    ent_e = -em * jnp.log(em + EPS) - (1.0 - em) * jnp.log(1.0 - em + EPS)
    out_ref[0, 0] = jnp.sum(em)
    out_ref[0, 1] = jnp.sum(ent_e)


def _tc_em(edge_mask):
    return pl.pallas_call(
        _tc_em_kernel,
        out_shape=jax.ShapeDtypeStruct((1, 2), jnp.float32),
        out_specs=pl.BlockSpec(memory_space=pltpu.SMEM),
    )(edge_mask)


def _tc_combine_kernel(sums_ref, fm_ref, w_ref, part_ref, out_ref):
    fm = jax.nn.sigmoid(fm_ref[...])
    ent_f = -fm * jnp.log(fm + EPS) - (1.0 - fm) * jnp.log(1.0 - fm + EPS)
    s = jnp.sum(part_ref[...], axis=0)
    rsel = (lax.broadcasted_iota(jnp.int32, (4, 1), 0) >= 2).astype(jnp.float32)
    scale = 1.0 + rsel * (fm - 1.0)
    logits = jnp.dot(s * scale, w_ref[...],
                     preferred_element_type=jnp.float32)
    pred = jnp.sum(logits[0:1] * logits[1:2])
    lp = jnp.sum(logits[2:3] * logits[3:4])
    loss = (lp - pred
            + ALPHA1 * sums_ref[0, 0]
            + ALPHA2 * (sums_ref[0, 1] / E)
            + BETA1 * jnp.mean(fm)
            + BETA2 * jnp.mean(ent_f))
    out_ref[0, 0] = loss


def _tc_combine(sums, feat_mask, W, partials):
    return pl.pallas_call(
        _tc_combine_kernel,
        out_shape=jax.ShapeDtypeStruct((1, 1), jnp.float32),
        in_specs=[
            pl.BlockSpec(memory_space=pltpu.SMEM),
            pl.BlockSpec(memory_space=pltpu.VMEM),
            pl.BlockSpec(memory_space=pltpu.VMEM),
            pl.BlockSpec(memory_space=pltpu.VMEM),
        ],
        out_specs=pl.BlockSpec(memory_space=pltpu.SMEM),
    )(sums, feat_mask, W, partials)


def kernel(feat, feat_mask, edge_mask, W, edge_index, x, y):
    xy = jnp.stack([jnp.asarray(x, jnp.int32), jnp.asarray(y, jnp.int32)])
    partials = _sc_scan(edge_index, edge_mask, feat, xy)
    sums = _tc_em(edge_mask)
    loss = _tc_combine(sums, feat_mask, W, partials)
    return loss[0, 0]

# --- scband reference (transcript-rebuilt; emitter-appended) ---
"""Pipeline reference for scband-hgtexp-5050881540690 (READ-ONLY COPY).

The authoritative reference and input builder live on the scoring server;
editing this copy changes nothing except your own understanding.
"""

import jax, jax.numpy as jnp
import numpy as np

N = 10000
E = 320000
D = 128
ALPHA1 = 0.005
ALPHA2 = 1.0
BETA1 = 1.0
BETA2 = 0.1


def setup_inputs(seed: int = 0) -> dict:
    key = jax.random.key(seed)
    k1, k2, k3, k4, k5 = jax.random.split(key, 5)
    feat = jax.random.normal(k1, (N, D), dtype=jnp.float32)
    edge_index = jax.random.randint(k2, (2, E), 0, N, dtype=jnp.int32)
    # feat_mask init: randn * 0.1 (per _init_masks)
    feat_mask = jax.random.normal(k3, (1, D), dtype=jnp.float32) * 0.1
    # edge_mask init: randn * gain('relu') * sqrt(2 / (2*N))
    std = float(np.sqrt(2.0) * np.sqrt(2.0 / (2 * N)))
    edge_mask = jax.random.normal(k4, (E,), dtype=jnp.float32) * std
    # inner model param (one-layer linear GNN standing in for the HGT model)
    W = jax.random.normal(k5, (D, D), dtype=jnp.float32) * (1.0 / np.sqrt(D))
    return {"feat": feat, "feat_mask": feat_mask, "edge_mask": edge_mask,
            "W": W, "edge_index": edge_index, "x": 0, "y": 1}


def _model(feat, W, src, dst):
    # one hop of mean-free sum aggregation followed by a linear projection
    msgs = feat[src]
    agg = jax.ops.segment_sum(msgs, dst, num_segments=N)
    return agg @ W


def reference(feat, feat_mask, edge_mask, W, edge_index, x, y):
    src = edge_index[0]
    dst = edge_index[1]
    eps = 1e-15
    # pred_label on the full graph (treated as a constant, mirrors torch.no_grad())
    logits_full = _model(feat, W, src, dst)
    pred_label = jax.lax.stop_gradient(jnp.dot(logits_full[x], logits_full[y]))
    # masked features
    new_feat = feat * jax.nn.sigmoid(feat_mask)
    # edge removal: edges with sigmoid(edge_mask) < 0.5 are dropped (non-differentiable,
    # exactly as in the torch code where dgl.remove_edges is used)
    h = jax.nn.sigmoid(edge_mask)
    keep = jax.lax.stop_gradient((h >= 0.5).astype(feat.dtype))
    msgs = new_feat[src] * keep[:, None]
    agg = jax.ops.segment_sum(msgs, dst, num_segments=N)
    logits = agg @ W
    logit_probs = jnp.dot(logits[x], logits[y])
    loss = logit_probs - pred_label
    # _loss_regularize
    em = jax.nn.sigmoid(edge_mask)
    loss = loss + ALPHA1 * jnp.sum(em)
    ent_e = -em * jnp.log(em + eps) - (1 - em) * jnp.log(1 - em + eps)
    loss = loss + ALPHA2 * ent_e.mean()
    fm = jax.nn.sigmoid(feat_mask)
    loss = loss + BETA1 * jnp.mean(fm)
    ent_f = -fm * jnp.log(fm + eps) - (1 - fm) * jnp.log(1 - fm + eps)
    loss = loss + BETA2 * ent_f.mean()
    return loss


if False:  # reference __main__ guard neutralized (emitter)
    out = reference(**setup_inputs())
    print(out)

if __name__ == "__main__":
    import jax
    _d = setup_inputs()
    print(jax.jit(kernel)(*tuple(_d.values())))

</pallas_src>

<mosaic_0001>
#map = affine_map<(d0, d1) -> (0, 0)>
#map1 = affine_map<(d0, d1) -> (0)>
#map2 = affine_map<(d0, d1) -> (0, 0, 0)>
module attributes {stable_mosaic.version = 14 : i64} {
  func.func @_sc_scan_kernel(%arg0: i32, %arg1: i32, %arg2: memref<2x320000xi32, #tpu.memory_space<hbm>>, %arg3: memref<320000xf32, #tpu.memory_space<hbm>>, %arg4: memref<10000x128xf32, #tpu.memory_space<hbm>>, %arg5: memref<2xi32, #tpu.memory_space<hbm>>, %arg6: memref<32x4x128xf32, #tpu.memory_space<hbm>>, %arg7: memref<10000xi32, #tpu.memory_space<vmem>>, %arg8: memref<16xi32, #tpu.memory_space<vmem>>, %arg9: memref<16xi32, #tpu.memory_space<vmem>>, %arg10: memref<16xf32, #tpu.memory_space<vmem>>, %arg11: memref<16x128xf32, #tpu.memory_space<vmem>>, %arg12: memref<4x128xf32, #tpu.memory_space<vmem>>, %arg13: memref<!tpu.dma_semaphore, #tpu.memory_space<semaphore_mem>>, %arg14: memref<!tpu.dma_semaphore, #tpu.memory_space<semaphore_mem>>) attributes {dimension_semantics = [#tpu.dimension_semantics<core_parallel>, #tpu.dimension_semantics<subcore_parallel>], iteration_bounds = array<i64: 2, 16>, scalar_prefetch = 0 : i64, scratch_operands = 8 : i64, tpu.core_type = #tpu.core_type<sc_vector_subcore>, window_params = [{transform_indices = #map}, {transform_indices = #map1}, {transform_indices = #map}, {transform_indices = #map1}, {transform_indices = #map2}]} {
    %mul3A = arith.constant 2 : i32
    %mul3A_0 = arith.muli %arg1, %mul3A : i32
    %add3A = arith.addi %mul3A_0, %arg0 : i32
    %mul3A_1 = arith.constant 10000 : i32
    %mul3A_2 = arith.muli %add3A, %mul3A_1 : i32
    %dma_start3A = arith.constant 1 : i32
    %dma_start3A_3 = tpu.memref_slice %arg2[%dma_start3A, %mul3A_2] : memref<2x320000xi32, #tpu.memory_space<hbm>> -> memref<1x10000xi32, #tpu.memory_space<hbm>>
    %dma_start3A_4 = tpu.memref_squeeze %dma_start3A_3 : memref<1x10000xi32, #tpu.memory_space<hbm>> -> memref<10000xi32, #tpu.memory_space<hbm>>
    %dma_start3A_5 = tpu.memref_slice %arg2[%dma_start3A, %mul3A_2] : memref<2x320000xi32, #tpu.memory_space<hbm>> -> memref<1x10000xi32, #tpu.memory_space<hbm>>
    %dma_start3A_6 = tpu.memref_squeeze %dma_start3A_5 : memref<1x10000xi32, #tpu.memory_space<hbm>> -> memref<10000xi32, #tpu.memory_space<hbm>>
    tpu.enqueue_dma source(%dma_start3A_6 : memref<10000xi32, #tpu.memory_space<hbm>>) target(%arg7 : memref<10000xi32, #tpu.memory_space<vmem>>) target_semaphore(%arg13 : memref<!tpu.dma_semaphore, #tpu.memory_space<semaphore_mem>>)
    "tpu.region"() ({
      %run_scoped3A = tpu.sem_alloc : memref<!tpu.dma_semaphore, #tpu.memory_space<semaphore_mem>>
      %dma_start3A_222 = arith.constant 0 : i32
      %dma_start3A_223 = tpu.memref_slice %arg8[%dma_start3A_222] : memref<16xi32, #tpu.memory_space<vmem>> -> memref<2xi32, #tpu.memory_space<vmem>>
      %dma_start3A_224 = arith.constant 0 : i32
      %dma_start3A_225 = tpu.memref_slice %arg8[%dma_start3A_224] : memref<16xi32, #tpu.memory_space<vmem>> -> memref<2xi32, #tpu.memory_space<vmem>>
      tpu.enqueue_dma source(%arg5 : memref<2xi32, #tpu.memory_space<hbm>>) target(%dma_start3A_225 : memref<2xi32, #tpu.memory_space<vmem>>) target_semaphore(%run_scoped3A : memref<!tpu.dma_semaphore, #tpu.memory_space<semaphore_mem>>)
      %dma_wait3A_226 = arith.constant 0 : i32
      %dma_wait3A_227 = tpu.memref_slice %arg8[%dma_wait3A_226] : memref<16xi32, #tpu.memory_space<vmem>> -> memref<2xi32, #tpu.memory_space<vmem>>
      %dma_wait3A_228 = arith.constant 0 : i32
      %dma_wait3A_229 = tpu.memref_slice %arg8[%dma_wait3A_228] : memref<16xi32, #tpu.memory_space<vmem>> -> memref<2xi32, #tpu.memory_space<vmem>>
      tpu.wait_dma2 semaphore(%run_scoped3A : memref<!tpu.dma_semaphore, #tpu.memory_space<semaphore_mem>>) src(%arg5 : memref<2xi32, #tpu.memory_space<hbm>>) dst(%dma_wait3A_229 : memref<2xi32, #tpu.memory_space<vmem>>)
      tpu.yield
    }) : () -> ()
    %get3A = arith.constant 0 : index
    %get3A_7 = tpu.vector_load %arg8[%get3A] {strides = array<i32>} : memref<16xi32, #tpu.memory_space<vmem>>, vector<16xi32>,
    %broadcast_in_dim3A = arith.constant 0 : i32
    %broadcast_in_dim3A_8 = vector.broadcast %broadcast_in_dim3A : i32 to vector<16x1xi32>
    %gather3A = vector.shape_cast %broadcast_in_dim3A_8 : vector<16x1xi32> to vector<16xi32>
    %gather3A_9 = tpu.dynamic_gather %get3A_7[%gather3A] in [0] : vector<16xi32>, vector<16xi32> -> vector<16xi32>
    %broadcast_in_dim3A_10 = arith.constant 1 : i32
    %broadcast_in_dim3A_11 = vector.broadcast %broadcast_in_dim3A_10 : i32 to vector<16x1xi32>
    %gather3A_12 = vector.shape_cast %broadcast_in_dim3A_11 : vector<16x1xi32> to vector<16xi32>
    %gather3A_13 = tpu.dynamic_gather %get3A_7[%gather3A_12] in [0] : vector<16xi32>, vector<16xi32> -> vector<16xi32>
    %max3A = arith.maxsi %gather3A_9, %gather3A_13 : vector<16xi32>
    %reduce_max3A = arith.constant true
    %reduce_max3A_14 = vector.broadcast %reduce_max3A : i1 to vector<16xi1>
    %reduce_max3A_15 = arith.constant -2147483648 : i32
    %reduce_max3A_16 = vector.broadcast %reduce_max3A_15 : i32 to vector<16xi32>
    %reduce_max3A_17 = arith.xori %max3A, %reduce_max3A_16 : vector<16xi32>
    %reduce_max3A_18 = tpu.scan <max>, %reduce_max3A_17 masked %reduce_max3A_14 : vector<16xi32>, vector<16xi1> -> vector<16xi32>
    %reduce_max3A_19 = arith.xori %reduce_max3A_18, %reduce_max3A_16 : vector<16xi32>
    %reduce_max3A_20 = vector.extract %reduce_max3A_19[15] : i32 from vector<16xi32>
    %broadcast_in_dim3A_21 = arith.constant 0.000000e+00 : f32
    %broadcast_in_dim3A_22 = vector.broadcast %broadcast_in_dim3A_21 : f32 to vector<16xf32>
    %swap3A = arith.constant 0 : i32
    %swap3A_23 = arith.index_cast %swap3A : i32 to index
    %swap3A_24 = arith.constant 0 : index
    %swap3A_25 = tpu.vector_load %arg12[%swap3A_23, %swap3A_24] {strides = array<i32>} : memref<4x128xf32, #tpu.memory_space<vmem>>, vector<16xf32>,
    tpu.vector_store %arg12[%swap3A_23, %swap3A_24], %broadcast_in_dim3A_22 {strides = array<i32>} : memref<4x128xf32, #tpu.memory_space<vmem>>, vector<16xf32>,
    %broadcast_in_dim3A_26 = arith.constant 0.000000e+00 : f32
    %broadcast_in_dim3A_27 = vector.broadcast %broadcast_in_dim3A_26 : f32 to vector<16xf32>
    %swap3A_28 = arith.constant 0 : i32
    %swap3A_29 = arith.index_cast %swap3A_28 : i32 to index
    %swap3A_30 = arith.constant 16 : index
    %swap3A_31 = tpu.vector_load %arg12[%swap3A_29, %swap3A_30] {strides = array<i32>} : memref<4x128xf32, #tpu.memory_space<vmem>>, vector<16xf32>,
    tpu.vector_store %arg12[%swap3A_29, %swap3A_30], %broadcast_in_dim3A_27 {strides = array<i32>} : memref<4x128xf32, #tpu.memory_space<vmem>>, vector<16xf32>,
    %broadcast_in_dim3A_32 = arith.constant 0.000000e+00 : f32
    %broadcast_in_dim3A_33 = vector.broadcast %broadcast_in_dim3A_32 : f32 to vector<16xf32>
    %swap3A_34 = arith.constant 0 : i32
    %swap3A_35 = arith.index_cast %swap3A_34 : i32 to index
    %swap3A_36 = arith.constant 32 : index
    %swap3A_37 = tpu.vector_load %arg12[%swap3A_35, %swap3A_36] {strides = array<i32>} : memref<4x128xf32, #tpu.memory_space<vmem>>, vector<16xf32>,
    tpu.vector_store %arg12[%swap3A_35, %swap3A_36], %broadcast_in_dim3A_33 {strides = array<i32>} : memref<4x128xf32, #tpu.memory_space<vmem>>, vector<16xf32>,
    %broadcast_in_dim3A_38 = arith.constant 0.000000e+00 : f32
    %broadcast_in_dim3A_39 = vector.broadcast %broadcast_in_dim3A_38 : f32 to vector<16xf32>
    %swap3A_40 = arith.constant 0 : i32
    %swap3A_41 = arith.index_cast %swap3A_40 : i32 to index
    %swap3A_42 = arith.constant 48 : index
    %swap3A_43 = tpu.vector_load %arg12[%swap3A_41, %swap3A_42] {strides = array<i32>} : memref<4x128xf32, #tpu.memory_space<vmem>>, vector<16xf32>,
    tpu.vector_store %arg12[%swap3A_41, %swap3A_42], %broadcast_in_dim3A_39 {strides = array<i32>} : memref<4x128xf32, #tpu.memory_space<vmem>>, vector<16xf32>,
    %broadcast_in_dim3A_44 = arith.constant 0.000000e+00 : f32
    %broadcast_in_dim3A_45 = vector.broadcast %broadcast_in_dim3A_44 : f32 to vector<16xf32>
    %swap3A_46 = arith.constant 0 : i32
    %swap3A_47 = arith.index_cast %swap3A_46 : i32 to index
    %swap3A_48 = arith.constant 64 : index
    %swap3A_49 = tpu.vector_load %arg12[%swap3A_47, %swap3A_48] {strides = array<i32>} : memref<4x128xf32, #tpu.memory_space<vmem>>, vector<16xf32>,
    tpu.vector_store %arg12[%swap3A_47, %swap3A_48], %broadcast_in_dim3A_45 {strides = array<i32>} : memref<4x128xf32, #tpu.memory_space<vmem>>, vector<16xf32>,
    %broadcast_in_dim3A_50 = arith.constant 0.000000e+00 : f32
    %broadcast_in_dim3A_51 = vector.broadcast %broadcast_in_dim3A_50 : f32 to vector<16xf32>
    %swap3A_52 = arith.constant 0 : i32
    %swap3A_53 = arith.index_cast %swap3A_52 : i32 to index
    %swap3A_54 = arith.constant 80 : index
    %swap3A_55 = tpu.vector_load %arg12[%swap3A_53, %swap3A_54] {strides = array<i32>} : memref<4x128xf32, #tpu.memory_space<vmem>>, vector<16xf32>,
    tpu.vector_store %arg12[%swap3A_53, %swap3A_54], %broadcast_in_dim3A_51 {strides = array<i32>} : memref<4x128xf32, #tpu.memory_space<vmem>>, vector<16xf32>,
    %broadcast_in_dim3A_56 = arith.constant 0.000000e+00 : f32
    %broadcast_in_dim3A_57 = vector.broadcast %broadcast_in_dim3A_56 : f32 to vector<16xf32>
    %swap3A_58 = arith.constant 0 : i32
    %swap3A_59 = arith.index_cast %swap3A_58 : i32 to index
    %swap3A_60 = arith.constant 96 : index
    %swap3A_61 = tpu.vector_load %arg12[%swap3A_59, %swap3A_60] {strides = array<i32>} : memref<4x128xf32, #tpu.memory_space<vmem>>, vector<16xf32>,
    tpu.vector_store %arg12[%swap3A_59, %swap3A_60], %broadcast_in_dim3A_57 {strides = array<i32>} : memref<4x128xf32, #tpu.memory_space<vmem>>, vector<16xf32>,
    %broadcast_in_dim3A_62 = arith.constant 0.000000e+00 : f32
    %broadcast_in_dim3A_63 = vector.broadcast %broadcast_in_dim3A_62 : f32 to vector<16xf32>
    %swap3A_64 = arith.constant 0 : i32
    %swap3A_65 = arith.index_cast %swap3A_64 : i32 to index
    %swap3A_66 = arith.constant 112 : index
    %swap3A_67 = tpu.vector_load %arg12[%swap3A_65, %swap3A_66] {strides = array<i32>} : memref<4x128xf32, #tpu.memory_space<vmem>>, vector<16xf32>,
    tpu.vector_store %arg12[%swap3A_65, %swap3A_66], %broadcast_in_dim3A_63 {strides = array<i32>} : memref<4x128xf32, #tpu.memory_space<vmem>>, vector<16xf32>,
    %broadcast_in_dim3A_68 = arith.constant 0.000000e+00 : f32
    %broadcast_in_dim3A_69 = vector.broadcast %broadcast_in_dim3A_68 : f32 to vector<16xf32>
    %swap3A_70 = arith.constant 1 : i32
    %swap3A_71 = arith.index_cast %swap3A_70 : i32 to index
    %swap3A_72 = arith.constant 0 : index
    %swap3A_73 = tpu.vector_load %arg12[%swap3A_71, %swap3A_72] {strides = array<i32>} : memref<4x128xf32, #tpu.memory_space<vmem>>, vector<16xf32>,
    tpu.vector_store %arg12[%swap3A_71, %swap3A_72], %broadcast_in_dim3A_69 {strides = array<i32>} : memref<4x128xf32, #tpu.memory_space<vmem>>, vector<16xf32>,
    %broadcast_in_dim3A_74 = arith.constant 0.000000e+00 : f32
    %broadcast_in_dim3A_75 = vector.broadcast %broadcast_in_dim3A_74 : f32 to vector<16xf32>
    %swap3A_76 = arith.constant 1 : i32
    %swap3A_77 = arith.index_cast %swap3A_76 : i32 to index
    %swap3A_78 = arith.constant 16 : index
    %swap3A_79 = tpu.vector_load %arg12[%swap3A_77, %swap3A_78] {strides = array<i32>} : memref<4x128xf32, #tpu.memory_space<vmem>>, vector<16xf32>,
    tpu.vector_store %arg12[%swap3A_77, %swap3A_78], %broadcast_in_dim3A_75 {strides = array<i32>} : memref<4x128xf32, #tpu.memory_space<vmem>>, vector<16xf32>,
    %broadcast_in_dim3A_80 = arith.constant 0.000000e+00 : f32
    %broadcast_in_dim3A_81 = vector.broadcast %broadcast_in_dim3A_80 : f32 to vector<16xf32>
    %swap3A_82 = arith.constant 1 : i32
    %swap3A_83 = arith.index_cast %swap3A_82 : i32 to index
    %swap3A_84 = arith.constant 32 : index
    %swap3A_85 = tpu.vector_load %arg12[%swap3A_83, %swap3A_84] {strides = array<i32>} : memref<4x128xf32, #tpu.memory_space<vmem>>, vector<16xf32>,
    tpu.vector_store %arg12[%swap3A_83, %swap3A_84], %broadcast_in_dim3A_81 {strides = array<i32>} : memref<4x128xf32, #tpu.memory_space<vmem>>, vector<16xf32>,
    %broadcast_in_dim3A_86 = arith.constant 0.000000e+00 : f32
    %broadcast_in_dim3A_87 = vector.broadcast %broadcast_in_dim3A_86 : f32 to vector<16xf32>
    %swap3A_88 = arith.constant 1 : i32
    %swap3A_89 = arith.index_cast %swap3A_88 : i32 to index
    %swap3A_90 = arith.constant 48 : index
    %swap3A_91 = tpu.vector_load %arg12[%swap3A_89, %swap3A_90] {strides = array<i32>} : memref<4x128xf32, #tpu.memory_space<vmem>>, vector<16xf32>,
    tpu.vector_store %arg12[%swap3A_89, %swap3A_90], %broadcast_in_dim3A_87 {strides = array<i32>} : memref<4x128xf32, #tpu.memory_space<vmem>>, vector<16xf32>,
    %broadcast_in_dim3A_92 = arith.constant 0.000000e+00 : f32
    %broadcast_in_dim3A_93 = vector.broadcast %broadcast_in_dim3A_92 : f32 to vector<16xf32>
    %swap3A_94 = arith.constant 1 : i32
    %swap3A_95 = arith.index_cast %swap3A_94 : i32 to index
    %swap3A_96 = arith.constant 64 : index
    %swap3A_97 = tpu.vector_load %arg12[%swap3A_95, %swap3A_96] {strides = array<i32>} : memref<4x128xf32, #tpu.memory_space<vmem>>, vector<16xf32>,
    tpu.vector_store %arg12[%swap3A_95, %swap3A_96], %broadcast_in_dim3A_93 {strides = array<i32>} : memref<4x128xf32, #tpu.memory_space<vmem>>, vector<16xf32>,
    %broadcast_in_dim3A_98 = arith.constant 0.000000e+00 : f32
    %broadcast_in_dim3A_99 = vector.broadcast %broadcast_in_dim3A_98 : f32 to vector<16xf32>
    %swap3A_100 = arith.constant 1 : i32
    %swap3A_101 = arith.index_cast %swap3A_100 : i32 to index
    %swap3A_102 = arith.constant 80 : index
    %swap3A_103 = tpu.vector_load %arg12[%swap3A_101, %swap3A_102] {strides = array<i32>} : memref<4x128xf32, #tpu.memory_space<vmem>>, vector<16xf32>,
    tpu.vector_store %arg12[%swap3A_101, %swap3A_102], %broadcast_in_dim3A_99 {strides = array<i32>} : memref<4x128xf32, #tpu.memory_space<vmem>>, vector<16xf32>,
    %broadcast_in_dim3A_104 = arith.constant 0.000000e+00 : f32
    %broadcast_in_dim3A_105 = vector.broadcast %broadcast_in_dim3A_104 : f32 to vector<16xf32>
    %swap3A_106 = arith.constant 1 : i32
    %swap3A_107 = arith.index_cast %swap3A_106 : i32 to index
    %swap3A_108 = arith.constant 96 : index
    %swap3A_109 = tpu.vector_load %arg12[%swap3A_107, %swap3A_108] {strides = array<i32>} : memref<4x128xf32, #tpu.memory_space<vmem>>, vector<16xf32>,
    tpu.vector_store %arg12[%swap3A_107, %swap3A_108], %broadcast_in_dim3A_105 {strides = array<i32>} : memref<4x128xf32, #tpu.memory_space<vmem>>, vector<16xf32>,
    %broadcast_in_dim3A_110 = arith.constant 0.000000e+00 : f32
    %broadcast_in_dim3A_111 = vector.broadcast %broadcast_in_dim3A_110 : f32 to vector<16xf32>
    %swap3A_112 = arith.constant 1 : i32
    %swap3A_113 = arith.index_cast %swap3A_112 : i32 to index
    %swap3A_114 = arith.constant 112 : index
    %swap3A_115 = tpu.vector_load %arg12[%swap3A_113, %swap3A_114] {strides = array<i32>} : memref<4x128xf32, #tpu.memory_space<vmem>>, vector<16xf32>,
    tpu.vector_store %arg12[%swap3A_113, %swap3A_114], %broadcast_in_dim3A_111 {strides = array<i32>} : memref<4x128xf32, #tpu.memory_space<vmem>>, vector<16xf32>,
    %broadcast_in_dim3A_116 = arith.constant 0.000000e+00 : f32
    %broadcast_in_dim3A_117 = vector.broadcast %broadcast_in_dim3A_116 : f32 to vector<16xf32>
    %swap3A_118 = arith.constant 2 : i32
    %swap3A_119 = arith.index_cast %swap3A_118 : i32 to index
    %swap3A_120 = arith.constant 0 : index
    %swap3A_121 = tpu.vector_load %arg12[%swap3A_119, %swap3A_120] {strides = array<i32>} : memref<4x128xf32, #tpu.memory_space<vmem>>, vector<16xf32>,
    tpu.vector_store %arg12[%swap3A_119, %swap3A_120], %broadcast_in_dim3A_117 {strides = array<i32>} : memref<4x128xf32, #tpu.memory_space<vmem>>, vector<16xf32>,
    %broadcast_in_dim3A_122 = arith.constant 0.000000e+00 : f32
    %broadcast_in_dim3A_123 = vector.broadcast %broadcast_in_dim3A_122 : f32 to vector<16xf32>
    %swap3A_124 = arith.constant 2 : i32
    %swap3A_125 = arith.index_cast %swap3A_124 : i32 to index
    %swap3A_126 = arith.constant 16 : index
    %swap3A_127 = tpu.vector_load %arg12[%swap3A_125, %swap3A_126] {strides = array<i32>} : memref<4x128xf32, #tpu.memory_space<vmem>>, vector<16xf32>,
    tpu.vector_store %arg12[%swap3A_125, %swap3A_126], %broadcast_in_dim3A_123 {strides = array<i32>} : memref<4x128xf32, #tpu.memory_space<vmem>>, vector<16xf32>,
    %broadcast_in_dim3A_128 = arith.constant 0.000000e+00 : f32
    %broadcast_in_dim3A_129 = vector.broadcast %broadcast_in_dim3A_128 : f32 to vector<16xf32>
    %swap3A_130 = arith.constant 2 : i32
    %swap3A_131 = arith.index_cast %swap3A_130 : i32 to index
    %swap3A_132 = arith.constant 32 : index
    %swap3A_133 = tpu.vector_load %arg12[%swap3A_131, %swap3A_132] {strides = array<i32>} : memref<4x128xf32, #tpu.memory_space<vmem>>, vector<16xf32>,
    tpu.vector_store %arg12[%swap3A_131, %swap3A_132], %broadcast_in_dim3A_129 {strides = array<i32>} : memref<4x128xf32, #tpu.memory_space<vmem>>, vector<16xf32>,
    %broadcast_in_dim3A_134 = arith.constant 0.000000e+00 : f32
    %broadcast_in_dim3A_135 = vector.broadcast %broadcast_in_dim3A_134 : f32 to vector<16xf32>
    %swap3A_136 = arith.constant 2 : i32
    %swap3A_137 = arith.index_cast %swap3A_136 : i32 to index
    %swap3A_138 = arith.constant 48 : index
    %swap3A_139 = tpu.vector_load %arg12[%swap3A_137, %swap3A_138] {strides = array<i32>} : memref<4x128xf32, #tpu.memory_space<vmem>>, vector<16xf32>,
    tpu.vector_store %arg12[%swap3A_137, %swap3A_138], %broadcast_in_dim3A_135 {strides = array<i32>} : memref<4x128xf32, #tpu.memory_space<vmem>>, vector<16xf32>,
    %broadcast_in_dim3A_140 = arith.constant 0.000000e+00 : f32
    %broadcast_in_dim3A_141 = vector.broadcast %broadcast_in_dim3A_140 : f32 to vector<16xf32>
    %swap3A_142 = arith.constant 2 : i32
    %swap3A_143 = arith.index_cast %swap3A_142 : i32 to index
    %swap3A_144 = arith.constant 64 : index
    %swap3A_145 = tpu.vector_load %arg12[%swap3A_143, %swap3A_144] {strides = array<i32>} : memref<4x128xf32, #tpu.memory_space<vmem>>, vector<16xf32>,
    tpu.vector_store %arg12[%swap3A_143, %swap3A_144], %broadcast_in_dim3A_141 {strides = array<i32>} : memref<4x128xf32, #tpu.memory_space<vmem>>, vector<16xf32>,
    %broadcast_in_dim3A_146 = arith.constant 0.000000e+00 : f32
    %broadcast_in_dim3A_147 = vector.broadcast %broadcast_in_dim3A_146 : f32 to vector<16xf32>
    %swap3A_148 = arith.constant 2 : i32
    %swap3A_149 = arith.index_cast %swap3A_148 : i32 to index
    %swap3A_150 = arith.constant 80 : index
    %swap3A_151 = tpu.vector_load %arg12[%swap3A_149, %swap3A_150] {strides = array<i32>} : memref<4x128xf32, #tpu.memory_space<vmem>>, vector<16xf32>,
    tpu.vector_store %arg12[%swap3A_149, %swap3A_150], %broadcast_in_dim3A_147 {strides = array<i32>} : memref<4x128xf32, #tpu.memory_space<vmem>>, vector<16xf32>,
    %broadcast_in_dim3A_152 = arith.constant 0.000000e+00 : f32
    %broadcast_in_dim3A_153 = vector.broadcast %broadcast_in_dim3A_152 : f32 to vector<16xf32>
    %swap3A_154 = arith.constant 2 : i32
    %swap3A_155 = arith.index_cast %swap3A_154 : i32 to index
    %swap3A_156 = arith.constant 96 : index
    %swap3A_157 = tpu.vector_load %arg12[%swap3A_155, %swap3A_156] {strides = array<i32>} : memref<4x128xf32, #tpu.memory_space<vmem>>, vector<16xf32>,
    tpu.vector_store %arg12[%swap3A_155, %swap3A_156], %broadcast_in_dim3A_153 {strides = array<i32>} : memref<4x128xf32, #tpu.memory_space<vmem>>, vector<16xf32>,
    %broadcast_in_dim3A_158 = arith.constant 0.000000e+00 : f32
    %broadcast_in_dim3A_159 = vector.broadcast %broadcast_in_dim3A_158 : f32 to vector<16xf32>
    %swap3A_160 = arith.constant 2 : i32
    %swap3A_161 = arith.index_cast %swap3A_160 : i32 to index
    %swap3A_162 = arith.constant 112 : index
    %swap3A_163 = tpu.vector_load %arg12[%swap3A_161, %swap3A_162] {strides = array<i32>} : memref<4x128xf32, #tpu.memory_space<vmem>>, vector<16xf32>,
    tpu.vector_store %arg12[%swap3A_161, %swap3A_162], %broadcast_in_dim3A_159 {strides = array<i32>} : memref<4x128xf32, #tpu.memory_space<vmem>>, vector<16xf32>,
    %broadcast_in_dim3A_164 = arith.constant 0.000000e+00 : f32
    %broadcast_in_dim3A_165 = vector.broadcast %broadcast_in_dim3A_164 : f32 to vector<16xf32>
    %swap3A_166 = arith.constant 3 : i32
    %swap3A_167 = arith.index_cast %swap3A_166 : i32 to index
    %swap3A_168 = arith.constant 0 : index
    %swap3A_169 = tpu.vector_load %arg12[%swap3A_167, %swap3A_168] {strides = array<i32>} : memref<4x128xf32, #tpu.memory_space<vmem>>, vector<16xf32>,
    tpu.vector_store %arg12[%swap3A_167, %swap3A_168], %broadcast_in_dim3A_165 {strides = array<i32>} : memref<4x128xf32, #tpu.memory_space<vmem>>, vector<16xf32>,
    %broadcast_in_dim3A_170 = arith.constant 0.000000e+00 : f32
    %broadcast_in_dim3A_171 = vector.broadcast %broadcast_in_dim3A_170 : f32 to vector<16xf32>
    %swap3A_172 = arith.constant 3 : i32
    %swap3A_173 = arith.index_cast %swap3A_172 : i32 to index
    %swap3A_174 = arith.constant 16 : index
    %swap3A_175 = tpu.vector_load %arg12[%swap3A_173, %swap3A_174] {strides = array<i32>} : memref<4x128xf32, #tpu.memory_space<vmem>>, vector<16xf32>,
    tpu.vector_store %arg12[%swap3A_173, %swap3A_174], %broadcast_in_dim3A_171 {strides = array<i32>} : memref<4x128xf32, #tpu.memory_space<vmem>>, vector<16xf32>,
    %broadcast_in_dim3A_176 = arith.constant 0.000000e+00 : f32
    %broadcast_in_dim3A_177 = vector.broadcast %broadcast_in_dim3A_176 : f32 to vector<16xf32>
    %swap3A_178 = arith.constant 3 : i32
    %swap3A_179 = arith.index_cast %swap3A_178 : i32 to index
    %swap3A_180 = arith.constant 32 : index
    %swap3A_181 = tpu.vector_load %arg12[%swap3A_179, %swap3A_180] {strides = array<i32>} : memref<4x128xf32, #tpu.memory_space<vmem>>, vector<16xf32>,
    tpu.vector_store %arg12[%swap3A_179, %swap3A_180], %broadcast_in_dim3A_177 {strides = array<i32>} : memref<4x128xf32, #tpu.memory_space<vmem>>, vector<16xf32>,
    %broadcast_in_dim3A_182 = arith.constant 0.000000e+00 : f32
    %broadcast_in_dim3A_183 = vector.broadcast %broadcast_in_dim3A_182 : f32 to vector<16xf32>
    %swap3A_184 = arith.constant 3 : i32
    %swap3A_185 = arith.index_cast %swap3A_184 : i32 to index
    %swap3A_186 = arith.constant 48 : index
    %swap3A_187 = tpu.vector_load %arg12[%swap3A_185, %swap3A_186] {strides = array<i32>} : memref<4x128xf32, #tpu.memory_space<vmem>>, vector<16xf32>,
    tpu.vector_store %arg12[%swap3A_185, %swap3A_186], %broadcast_in_dim3A_183 {strides = array<i32>} : memref<4x128xf32, #tpu.memory_space<vmem>>, vector<16xf32>,
    %broadcast_in_dim3A_188 = arith.constant 0.000000e+00 : f32
    %broadcast_in_dim3A_189 = vector.broadcast %broadcast_in_dim3A_188 : f32 to vector<16xf32>
    %swap3A_190 = arith.constant 3 : i32
    %swap3A_191 = arith.index_cast %swap3A_190 : i32 to index
    %swap3A_192 = arith.constant 64 : index
    %swap3A_193 = tpu.vector_load %arg12[%swap3A_191, %swap3A_192] {strides = array<i32>} : memref<4x128xf32, #tpu.memory_space<vmem>>, vector<16xf32>,
    tpu.vector_store %arg12[%swap3A_191, %swap3A_192], %broadcast_in_dim3A_189 {strides = array<i32>} : memref<4x128xf32, #tpu.memory_space<vmem>>, vector<16xf32>,
    %broadcast_in_dim3A_194 = arith.constant 0.000000e+00 : f32
    %broadcast_in_dim3A_195 = vector.broadcast %broadcast_in_dim3A_194 : f32 to vector<16xf32>
    %swap3A_196 = arith.constant 3 : i32
    %swap3A_197 = arith.index_cast %swap3A_196 : i32 to index
    %swap3A_198 = arith.constant 80 : index
    %swap3A_199 = tpu.vector_load %arg12[%swap3A_197, %swap3A_198] {strides = array<i32>} : memref<4x128xf32, #tpu.memory_space<vmem>>, vector<16xf32>,
    tpu.vector_store %arg12[%swap3A_197, %swap3A_198], %broadcast_in_dim3A_195 {strides = array<i32>} : memref<4x128xf32, #tpu.memory_space<vmem>>, vector<16xf32>,
    %broadcast_in_dim3A_200 = arith.constant 0.000000e+00 : f32
    %broadcast_in_dim3A_201 = vector.broadcast %broadcast_in_dim3A_200 : f32 to vector<16xf32>
    %swap3A_202 = arith.constant 3 : i32
    %swap3A_203 = arith.index_cast %swap3A_202 : i32 to index
    %swap3A_204 = arith.constant 96 : index
    %swap3A_205 = tpu.vector_load %arg12[%swap3A_203, %swap3A_204] {strides = array<i32>} : memref<4x128xf32, #tpu.memory_space<vmem>>, vector<16xf32>,
    tpu.vector_store %arg12[%swap3A_203, %swap3A_204], %broadcast_in_dim3A_201 {strides = array<i32>} : memref<4x128xf32, #tpu.memory_space<vmem>>, vector<16xf32>,
    %broadcast_in_dim3A_206 = arith.constant 0.000000e+00 : f32
    %broadcast_in_dim3A_207 = vector.broadcast %broadcast_in_dim3A_206 : f32 to vector<16xf32>
    %swap3A_208 = arith.constant 3 : i32
    %swap3A_209 = arith.index_cast %swap3A_208 : i32 to index
    %swap3A_210 = arith.constant 112 : index
    %swap3A_211 = tpu.vector_load %arg12[%swap3A_209, %swap3A_210] {strides = array<i32>} : memref<4x128xf32, #tpu.memory_space<vmem>>, vector<16xf32>,
    tpu.vector_store %arg12[%swap3A_209, %swap3A_210], %broadcast_in_dim3A_207 {strides = array<i32>} : memref<4x128xf32, #tpu.memory_space<vmem>>, vector<16xf32>,
    %dma_wait3A = arith.constant 1 : i32
    %dma_wait3A_212 = tpu.memref_slice %arg2[%dma_wait3A, %mul3A_2] : memref<2x320000xi32, #tpu.memory_space<hbm>> -> memref<1x10000xi32, #tpu.memory_space<hbm>>
    %dma_wait3A_213 = tpu.memref_squeeze %dma_wait3A_212 : memref<1x10000xi32, #tpu.memory_space<hbm>> -> memref<10000xi32, #tpu.memory_space<hbm>>
    %dma_wait3A_214 = tpu.memref_slice %arg2[%dma_wait3A, %mul3A_2] : memref<2x320000xi32, #tpu.memory_space<hbm>> -> memref<1x10000xi32, #tpu.memory_space<hbm>>
    %dma_wait3A_215 = tpu.memref_squeeze %dma_wait3A_214 : memref<1x10000xi32, #tpu.memory_space<hbm>> -> memref<10000xi32, #tpu.memory_space<hbm>>
    tpu.wait_dma2 semaphore(%arg13 : memref<!tpu.dma_semaphore, #tpu.memory_space<semaphore_mem>>) src(%dma_wait3A_215 : memref<10000xi32, #tpu.memory_space<hbm>>) dst(%arg7 : memref<10000xi32, #tpu.memory_space<vmem>>)
    %scan3A = arith.constant 0 : i32
    %scan3A_216 = arith.constant 0 : i32
    %scan3A_217 = arith.constant 25 : i32
    %scan3A_218 = arith.addi %scan3A_216, %scan3A_217 : i32
    %scan3A_219 = arith.constant 1 : i32
    %scan3A_220 = scf.for %scan3A_222 = %scan3A_216 to %scan3A_218 step %scan3A_219 iter_args(%scan3A_223 = %scan3A) -> (i32)  : i32 {
      %mul3A_224 = arith.constant 400 : i32
      %mul3A_225 = arith.muli %scan3A_222, %mul3A_224 : i32
      %get3A_226 = arith.index_cast %mul3A_225 : i32 to index
      %get3A_227 = tpu.vector_load %arg7[%get3A_226] {strides = array<i32>} : memref<10000xi32, #tpu.memory_space<vmem>>, vector<16xi32>,
      %add3A_228 = arith.constant 16 : i32
      %add3A_229 = arith.addi %mul3A_225, %add3A_228 : i32
      %get3A_230 = arith.index_cast %add3A_229 : i32 to index
      %get3A_231 = tpu.vector_load %arg7[%get3A_230] {strides = array<i32>} : memref<10000xi32, #tpu.memory_space<vmem>>, vector<16xi32>,
      %min3A = arith.minsi %get3A_227, %get3A_231 : vector<16xi32>
      %add3A_232 = arith.constant 32 : i32
      %add3A_233 = arith.addi %mul3A_225, %add3A_232 : i32
      %get3A_234 = arith.index_cast %add3A_233 : i32 to index
      %get3A_235 = tpu.vector_load %arg7[%get3A_234] {strides = array<i32>} : memref<10000xi32, #tpu.memory_space<vmem>>, vector<16xi32>,
      %min3A_236 = arith.minsi %min3A, %get3A_235 : vector<16xi32>
      %add3A_237 = arith.constant 48 : i32
      %add3A_238 = arith.addi %mul3A_225, %add3A_237 : i32
      %get3A_239 = arith.index_cast %add3A_238 : i32 to index
      %get3A_240 = tpu.vector_load %arg7[%get3A_239] {strides = array<i32>} : memref<10000xi32, #tpu.memory_space<vmem>>, vector<16xi32>,
      %min3A_241 = arith.minsi %min3A_236, %get3A_240 : vector<16xi32>
      %add3A_242 = arith.constant 64 : i32
      %add3A_243 = arith.addi %mul3A_225, %add3A_242 : i32
      %get3A_244 = arith.index_cast %add3A_243 : i32 to index
      %get3A_245 = tpu.vector_load %arg7[%get3A_244] {strides = array<i32>} : memref<10000xi32, #tpu.memory_space<vmem>>, vector<16xi32>,
      %min3A_246 = arith.minsi %min3A_241, %get3A_245 : vector<16xi32>
      %add3A_247 = arith.constant 80 : i32
      %add3A_248 = arith.addi %mul3A_225, %add3A_247 : i32
      %get3A_249 = arith.index_cast %add3A_248 : i32 to index
      %get3A_250 = tpu.vector_load %arg7[%get3A_249] {strides = array<i32>} : memref<10000xi32, #tpu.memory_space<vmem>>, vector<16xi32>,
      %min3A_251 = arith.minsi %min3A_246, %get3A_250 : vector<16xi32>
      %add3A_252 = arith.constant 96 : i32
      %add3A_253 = arith.addi %mul3A_225, %add3A_252 : i32
      %get3A_254 = arith.index_cast %add3A_253 : i32 to index
      %get3A_255 = tpu.vector_load %arg7[%get3A_254] {strides = array<i32>} : memref<10000xi32, #tpu.memory_space<vmem>>, vector<16xi32>,
      %min3A_256 = arith.minsi %min3A_251, %get3A_255 : vector<16xi32>
      %add3A_257 = arith.constant 112 : i32
      %add3A_258 = arith.addi %mul3A_225, %add3A_257 : i32
      %get3A_259 = arith.index_cast %add3A_258 : i32 to index
      %get3A_260 = tpu.vector_load %arg7[%get3A_259] {strides = array<i32>} : memref<10000xi32, #tpu.memory_space<vmem>>, vector<16xi32>,
      %min3A_261 = arith.minsi %min3A_256, %get3A_260 : vector<16xi32>
      %add3A_262 = arith.constant 128 : i32
      %add3A_263 = arith.addi %mul3A_225, %add3A_262 : i32
      %get3A_264 = arith.index_cast %add3A_263 : i32 to index
      %get3A_265 = tpu.vector_load %arg7[%get3A_264] {strides = array<i32>} : memref<10000xi32, #tpu.memory_space<vmem>>, vector<16xi32>,
      %min3A_266 = arith.minsi %min3A_261, %get3A_265 : vector<16xi32>
      %add3A_267 = arith.constant 144 : i32
      %add3A_268 = arith.addi %mul3A_225, %add3A_267 : i32
      %get3A_269 = arith.index_cast %add3A_268 : i32 to index
      %get3A_270 = tpu.vector_load %arg7[%get3A_269] {strides = array<i32>} : memref<10000xi32, #tpu.memory_space<vmem>>, vector<16xi32>,
      %min3A_271 = arith.minsi %min3A_266, %get3A_270 : vector<16xi32>
      %add3A_272 = arith.constant 160 : i32
      %add3A_273 = arith.addi %mul3A_225, %add3A_272 : i32
      %get3A_274 = arith.index_cast %add3A_273 : i32 to index
      %get3A_275 = tpu.vector_load %arg7[%get3A_274] {strides = array<i32>} : memref<10000xi32, #tpu.memory_space<vmem>>, vector<16xi32>,
      %min3A_276 = arith.minsi %min3A_271, %get3A_275 : vector<16xi32>
      %add3A_277 = arith.constant 176 : i32
      %add3A_278 = arith.addi %mul3A_225, %add3A_277 : i32
      %get3A_279 = arith.index_cast %add3A_278 : i32 to index
      %get3A_280 = tpu.vector_load %arg7[%get3A_279] {strides = array<i32>} : memref<10000xi32, #tpu.memory_space<vmem>>, vector<16xi32>,
      %min3A_281 = arith.minsi %min3A_276, %get3A_280 : vector<16xi32>
      %add3A_282 = arith.constant 192 : i32
      %add3A_283 = arith.addi %mul3A_225, %add3A_282 : i32
      %get3A_284 = arith.index_cast %add3A_283 : i32 to index
      %get3A_285 = tpu.vector_load %arg7[%get3A_284] {strides = array<i32>} : memref<10000xi32, #tpu.memory_space<vmem>>, vector<16xi32>,
      %min3A_286 = arith.minsi %min3A_281, %get3A_285 : vector<16xi32>
      %add3A_287 = arith.constant 208 : i32
      %add3A_288 = arith.addi %mul3A_225, %add3A_287 : i32
      %get3A_289 = arith.index_cast %add3A_288 : i32 to index
      %get3A_290 = tpu.vector_load %arg7[%get3A_289] {strides = array<i32>} : memref<10000xi32, #tpu.memory_space<vmem>>, vector<16xi32>,
      %min3A_291 = arith.minsi %min3A_286, %get3A_290 : vector<16xi32>
      %add3A_292 = arith.constant 224 : i32
      %add3A_293 = arith.addi %mul3A_225, %add3A_292 : i32
      %get3A_294 = arith.index_cast %add3A_293 : i32 to index
      %get3A_295 = tpu.vector_load %arg7[%get3A_294] {strides = array<i32>} : memref<10000xi32, #tpu.memory_space<vmem>>, vector<16xi32>,
      %min3A_296 = arith.minsi %min3A_291, %get3A_295 : vector<16xi32>
      %add3A_297 = arith.constant 240 : i32
      %add3A_298 = arith.addi %mul3A_225, %add3A_297 : i32
      %get3A_299 = arith.index_cast %add3A_298 : i32 to index
      %get3A_300 = tpu.vector_load %arg7[%get3A_299] {strides = array<i32>} : memref<10000xi32, #tpu.memory_space<vmem>>, vector<16xi32>,
      %min3A_301 = arith.minsi %min3A_296, %get3A_300 : vector<16xi32>
      %add3A_302 = arith.constant 256 : i32
      %add3A_303 = arith.addi %mul3A_225, %add3A_302 : i32
      %get3A_304 = arith.index_cast %add3A_303 : i32 to index
      %get3A_305 = tpu.vector_load %arg7[%get3A_304] {strides = array<i32>} : memref<10000xi32, #tpu.memory_space<vmem>>, vector<16xi32>,
      %min3A_306 = arith.minsi %min3A_301, %get3A_305 : vector<16xi32>
      %add3A_307 = arith.constant 272 : i32
      %add3A_308 = arith.addi %mul3A_225, %add3A_307 : i32
      %get3A_309 = arith.index_cast %add3A_308 : i32 to index
      %get3A_310 = tpu.vector_load %arg7[%get3A_309] {strides = array<i32>} : memref<10000xi32, #tpu.memory_space<vmem>>, vector<16xi32>,
      %min3A_311 = arith.minsi %min3A_306, %get3A_310 : vector<16xi32>
      %add3A_312 = arith.constant 288 : i32
      %add3A_313 = arith.addi %mul3A_225, %add3A_312 : i32
      %get3A_314 = arith.index_cast %add3A_313 : i32 to index
      %get3A_315 = tpu.vector_load %arg7[%get3A_314] {strides = array<i32>} : memref<10000xi32, #tpu.memory_space<vmem>>, vector<16xi32>,
      %min3A_316 = arith.minsi %min3A_311, %get3A_315 : vector<16xi32>
      %add3A_317 = arith.constant 304 : i32
      %add3A_318 = arith.addi %mul3A_225, %add3A_317 : i32
      %get3A_319 = arith.index_cast %add3A_318 : i32 to index
      %get3A_320 = tpu.vector_load %arg7[%get3A_319] {strides = array<i32>} : memref<10000xi32, #tpu.memory_space<vmem>>, vector<16xi32>,
      %min3A_321 = arith.minsi %min3A_316, %get3A_320 : vector<16xi32>
      %add3A_322 = arith.constant 320 : i32
      %add3A_323 = arith.addi %mul3A_225, %add3A_322 : i32
      %get3A_324 = arith.index_cast %add3A_323 : i32 to index
      %get3A_325 = tpu.vector_load %arg7[%get3A_324] {strides = array<i32>} : memref<10000xi32, #tpu.memory_space<vmem>>, vector<16xi32>,
      %min3A_326 = arith.minsi %min3A_321, %get3A_325 : vector<16xi32>
      %add3A_327 = arith.constant 336 : i32
      %add3A_328 = arith.addi %mul3A_225, %add3A_327 : i32
      %get3A_329 = arith.index_cast %add3A_328 : i32 to index
      %get3A_330 = tpu.vector_load %arg7[%get3A_329] {strides = array<i32>} : memref<10000xi32, #tpu.memory_space<vmem>>, vector<16xi32>,
      %min3A_331 = arith.minsi %min3A_326, %get3A_330 : vector<16xi32>
      %add3A_332 = arith.constant 352 : i32
      %add3A_333 = arith.addi %mul3A_225, %add3A_332 : i32
      %get3A_334 = arith.index_cast %add3A_333 : i32 to index
      %get3A_335 = tpu.vector_load %arg7[%get3A_334] {strides = array<i32>} : memref<10000xi32, #tpu.memory_space<vmem>>, vector<16xi32>,
      %min3A_336 = arith.minsi %min3A_331, %get3A_335 : vector<16xi32>
      %add3A_337 = arith.constant 368 : i32
      %add3A_338 = arith.addi %mul3A_225, %add3A_337 : i32
      %get3A_339 = arith.index_cast %add3A_338 : i32 to index
      %get3A_340 = tpu.vector_load %arg7[%get3A_339] {strides = array<i32>} : memref<10000xi32, #tpu.memory_space<vmem>>, vector<16xi32>,
      %min3A_341 = arith.minsi %min3A_336, %get3A_340 : vector<16xi32>
      %add3A_342 = arith.constant 384 : i32
      %add3A_343 = arith.addi %mul3A_225, %add3A_342 : i32
      %get3A_344 = arith.index_cast %add3A_343 : i32 to index
      %get3A_345 = tpu.vector_load %arg7[%get3A_344] {strides = array<i32>} : memref<10000xi32, #tpu.memory_space<vmem>>, vector<16xi32>,
      %min3A_346 = arith.minsi %min3A_341, %get3A_345 : vector<16xi32>
      %reduce_min3A = arith.constant true
      %reduce_min3A_347 = vector.broadcast %reduce_min3A : i1 to vector<16xi1>
      %reduce_min3A_348 = arith.constant -2147483648 : i32
      %reduce_min3A_349 = vector.broadcast %reduce_min3A_348 : i32 to vector<16xi32>
      %reduce_min3A_350 = arith.xori %min3A_346, %reduce_min3A_349 : vector<16xi32>
      %reduce_min3A_351 = tpu.scan <min>, %reduce_min3A_350 masked %reduce_min3A_347 : vector<16xi32>, vector<16xi1> -> vector<16xi32>
      %reduce_min3A_352 = arith.xori %reduce_min3A_351, %reduce_min3A_349 : vector<16xi32>
      %reduce_min3A_353 = vector.extract %reduce_min3A_352[15] : i32 from vector<16xi32>
      %le3A = arith.cmpi sle, %reduce_min3A_353, %reduce_max3A_20 : i32
      %convert_element_type3A = arith.extui %le3A : i1 to i32
      %cond3A = arith.constant 0 : i32
      %cond3A_354 = arith.cmpi ne, %convert_element_type3A, %cond3A : i32
      scf.if %cond3A_354 {
        %scan3A_356 = arith.constant 0 : i32
        %scan3A_357 = arith.constant 25 : i32
        %scan3A_358 = arith.addi %scan3A_356, %scan3A_357 : i32
        %scan3A_359 = arith.constant 1 : i32
        scf.for %scan3A_361 = %scan3A_356 to %scan3A_358 step %scan3A_359  : i32 {
          %mul3A_362 = arith.constant 16 : i32
          %mul3A_363 = arith.muli %scan3A_361, %mul3A_362 : i32
          %add3A_364 = arith.addi %mul3A_225, %mul3A_363 : i32
          %get3A_365 = arith.index_cast %add3A_364 : i32 to index
          %get3A_366 = tpu.vector_load %arg7[%get3A_365] {strides = array<i32>} : memref<10000xi32, #tpu.memory_space<vmem>>, vector<16xi32>,
          %eq3A = arith.cmpi eq, %get3A_366, %gather3A_9 : vector<16xi32>
          %eq3A_367 = arith.cmpi eq, %get3A_366, %gather3A_13 : vector<16xi32>
          %or3A = arith.ori %eq3A, %eq3A_367 : vector<16xi1>
          %convert_element_type3A_368 = arith.extui %or3A : vector<16xi1> to vector<16xi32>
          %reduce_max3A_369 = arith.constant true
          %reduce_max3A_370 = vector.broadcast %reduce_max3A_369 : i1 to vector<16xi1>
          %reduce_max3A_371 = arith.constant -2147483648 : i32
          %reduce_max3A_372 = vector.broadcast %reduce_max3A_371 : i32 to vector<16xi32>
          %reduce_max3A_373 = arith.xori %convert_element_type3A_368, %reduce_max3A_372 : vector<16xi32>
          %reduce_max3A_374 = tpu.scan <max>, %reduce_max3A_373 masked %reduce_max3A_370 : vector<16xi32>, vector<16xi1> -> vector<16xi32>
          %reduce_max3A_375 = arith.xori %reduce_max3A_374, %reduce_max3A_372 : vector<16xi32>
          %reduce_max3A_376 = vector.extract %reduce_max3A_375[15] : i32 from vector<16xi32>
          %gt3A = arith.constant 0 : i32
          %gt3A_377 = arith.cmpi sgt, %reduce_max3A_376, %gt3A : i32
          %convert_element_type3A_378 = arith.extui %gt3A_377 : i1 to i32
          %cond3A_379 = arith.constant 0 : i32
          %cond3A_380 = arith.cmpi ne, %convert_element_type3A_378, %cond3A_379 : i32
          scf.if %cond3A_380 {
            %add3A_381 = arith.addi %mul3A_2, %add3A_364 : i32
            %dma_start3A_382 = arith.constant 0 : i32
            %dma_start3A_383 = tpu.memref_slice %arg2[%dma_start3A_382, %add3A_381] : memref<2x320000xi32, #tpu.memory_space<hbm>> -> memref<1x16xi32, #tpu.memory_space<hbm>>
            %dma_start3A_384 = tpu.memref_squeeze %dma_start3A_383 : memref<1x16xi32, #tpu.memory_space<hbm>> -> memref<16xi32, #tpu.memory_space<hbm>>
            %dma_start3A_385 = tpu.memref_slice %arg2[%dma_start3A_382, %add3A_381] : memref<2x320000xi32, #tpu.memory_space<hbm>> -> memref<1x16xi32, #tpu.memory_space<hbm>>
            %dma_start3A_386 = tpu.memref_squeeze %dma_start3A_385 : memref<1x16xi32, #tpu.memory_space<hbm>> -> memref<16xi32, #tpu.memory_space<hbm>>
            tpu.enqueue_dma source(%dma_start3A_386 : memref<16xi32, #tpu.memory_space<hbm>>) target(%arg9 : memref<16xi32, #tpu.memory_space<vmem>>) target_semaphore(%arg13 : memref<!tpu.dma_semaphore, #tpu.memory_space<semaphore_mem>>)
            %add3A_387 = arith.addi %mul3A_2, %add3A_364 : i32
            %dma_start3A_388 = tpu.memref_slice %arg3[%add3A_387] : memref<320000xf32, #tpu.memory_space<hbm>> -> memref<16xf32, #tpu.memory_space<hbm>>
            %dma_start3A_389 = tpu.memref_slice %arg3[%add3A_387] : memref<320000xf32, #tpu.memory_space<hbm>> -> memref<16xf32, #tpu.memory_space<hbm>>
            tpu.enqueue_dma source(%dma_start3A_389 : memref<16xf32, #tpu.memory_space<hbm>>) target(%arg10 : memref<16xf32, #tpu.memory_space<vmem>>) target_semaphore(%arg14 : memref<!tpu.dma_semaphore, #tpu.memory_space<semaphore_mem>>)
            %dma_wait3A_390 = arith.constant 0 : i32
            %dma_wait3A_391 = tpu.memref_slice %arg2[%dma_wait3A_390, %add3A_381] : memref<2x320000xi32, #tpu.memory_space<hbm>> -> memref<1x16xi32, #tpu.memory_space<hbm>>
            %dma_wait3A_392 = tpu.memref_squeeze %dma_wait3A_391 : memref<1x16xi32, #tpu.memory_space<hbm>> -> memref<16xi32, #tpu.memory_space<hbm>>
            %dma_wait3A_393 = tpu.memref_slice %arg2[%dma_wait3A_390, %add3A_381] : memref<2x320000xi32, #tpu.memory_space<hbm>> -> memref<1x16xi32, #tpu.memory_space<hbm>>
            %dma_wait3A_394 = tpu.memref_squeeze %dma_wait3A_393 : memref<1x16xi32, #tpu.memory_space<hbm>> -> memref<16xi32, #tpu.memory_space<hbm>>
            tpu.wait_dma2 semaphore(%arg13 : memref<!tpu.dma_semaphore, #tpu.memory_space<semaphore_mem>>) src(%dma_wait3A_394 : memref<16xi32, #tpu.memory_space<hbm>>) dst(%arg9 : memref<16xi32, #tpu.memory_space<vmem>>)
            %dma_start3A_395 = arith.constant 0 : i32
            %dma_start3A_396 = arith.constant 0 : i32
            %dma_start3A_397 = tpu.memref_slice %arg4[%dma_start3A_395, %dma_start3A_396] : memref<10000x128xf32, #tpu.memory_space<hbm>> -> memref<10000x128xf32, #tpu.memory_space<hbm>>
            tpu.enqueue_indirect_dma source(%dma_start3A_397 : memref<10000x128xf32, #tpu.memory_space<hbm>>) target(%arg11 : memref<16x128xf32, #tpu.memory_space<vmem>>) offsets(%arg9 : memref<16xi32, #tpu.memory_space<vmem>>) semaphore(%arg13 : memref<!tpu.dma_semaphore, #tpu.memory_space<semaphore_mem>>)
            %dma_wait3A_398 = tpu.memref_slice %arg3[%add3A_387] : memref<320000xf32, #tpu.memory_space<hbm>> -> memref<16xf32, #tpu.memory_space<hbm>>
            %dma_wait3A_399 = tpu.memref_slice %arg3[%add3A_387] : memref<320000xf32, #tpu.memory_space<hbm>> -> memref<16xf32, #tpu.memory_space<hbm>>
            tpu.wait_dma2 semaphore(%arg14 : memref<!tpu.dma_semaphore, #tpu.memory_space<semaphore_mem>>) src(%dma_wait3A_399 : memref<16xf32, #tpu.memory_space<hbm>>) dst(%arg10 : memref<16xf32, #tpu.memory_space<vmem>>)
            %dma_wait3A_400 = arith.constant 0 : i32
            %dma_wait3A_401 = arith.constant 0 : i32
            %dma_wait3A_402 = tpu.memref_slice %arg4[%dma_wait3A_400, %dma_wait3A_401] : memref<10000x128xf32, #tpu.memory_space<hbm>> -> memref<10000x128xf32, #tpu.memory_space<hbm>>
            tpu.wait_indirect_dma semaphore(%arg13 : memref<!tpu.dma_semaphore, #tpu.memory_space<semaphore_mem>>) src(%dma_wait3A_402 : memref<10000x128xf32, #tpu.memory_space<hbm>>) dst(%arg11 : memref<16x128xf32, #tpu.memory_space<vmem>>)
            %get3A_403 = arith.index_cast %add3A_364 : i32 to index
            %get3A_404 = tpu.vector_load %arg7[%get3A_403] {strides = array<i32>} : memref<10000xi32, #tpu.memory_space<vmem>>, vector<16xi32>,
            %get3A_405 = arith.constant 0 : index
            %get3A_406 = tpu.vector_load %arg10[%get3A_405] {strides = array<i32>} : memref<16xf32, #tpu.memory_space<vmem>>, vector<16xf32>,
            %eq3A_407 = arith.cmpi eq, %get3A_404, %gather3A_9 : vector<16xi32>
            %convert_element_type3A_408 = arith.extui %eq3A_407 : vector<16xi1> to vector<16xi32>
            %convert_element_type3A_409 = arith.sitofp %convert_element_type3A_408 : vector<16xi32> to vector<16xf32>
            %eq3A_410 = arith.cmpi eq, %get3A_404, %gather3A_13 : vector<16xi32>
            %convert_element_type3A_411 = arith.extui %eq3A_410 : vector<16xi1> to vector<16xi32>
            %convert_element_type3A_412 = arith.sitofp %convert_element_type3A_411 : vector<16xi32> to vector<16xf32>
            %ge3A = arith.constant 0.000000e+00 : f32
            %ge3A_413 = vector.broadcast %ge3A : f32 to vector<16xf32>
            %ge3A_414 = arith.cmpf oge, %get3A_406, %ge3A_413 : vector<16xf32>
            %convert_element_type3A_415 = arith.extui %ge3A_414 : vector<16xi1> to vector<16xi32>
            %convert_element_type3A_416 = arith.sitofp %convert_element_type3A_415 : vector<16xi32> to vector<16xf32>
            %mul3A_417 = arith.mulf %convert_element_type3A_409, %convert_element_type3A_416 : vector<16xf32>
            %mul3A_418 = arith.mulf %convert_element_type3A_412, %convert_element_type3A_416 : vector<16xf32>
            %broadcast_in_dim3A_419 = arith.constant 0.000000e+00 : f32
            %broadcast_in_dim3A_420 = vector.broadcast %broadcast_in_dim3A_419 : f32 to vector<16xf32>
            %broadcast_in_dim3A_421 = arith.constant 0.000000e+00 : f32
            %broadcast_in_dim3A_422 = vector.broadcast %broadcast_in_dim3A_421 : f32 to vector<16xf32>
            %broadcast_in_dim3A_423 = arith.constant 0.000000e+00 : f32
            %broadcast_in_dim3A_424 = vector.broadcast %broadcast_in_dim3A_423 : f32 to vector<16xf32>
            %broadcast_in_dim3A_425 = arith.constant 0.000000e+00 : f32
            %broadcast_in_dim3A_426 = vector.broadcast %broadcast_in_dim3A_425 : f32 to vector<16xf32>
            %broadcast_in_dim3A_427 = arith.constant 0.000000e+00 : f32
            %broadcast_in_dim3A_428 = vector.broadcast %broadcast_in_dim3A_427 : f32 to vector<16xf32>
            %broadcast_in_dim3A_429 = arith.constant 0.000000e+00 : f32
            %broadcast_in_dim3A_430 = vector.broadcast %broadcast_in_dim3A_429 : f32 to vector<16xf32>
            %broadcast_in_dim3A_431 = arith.constant 0.000000e+00 : f32
            %broadcast_in_dim3A_432 = vector.broadcast %broadcast_in_dim3A_431 : f32 to vector<16xf32>
            %broadcast_in_dim3A_433 = arith.constant 0.000000e+00 : f32
            %broadcast_in_dim3A_434 = vector.broadcast %broadcast_in_dim3A_433 : f32 to vector<16xf32>
            %broadcast_in_dim3A_435 = arith.constant 0.000000e+00 : f32
            %broadcast_in_dim3A_436 = vector.broadcast %broadcast_in_dim3A_435 : f32 to vector<16xf32>
            %broadcast_in_dim3A_437 = arith.constant 0.000000e+00 : f32
            %broadcast_in_dim3A_438 = vector.broadcast %broadcast_in_dim3A_437 : f32 to vector<16xf32>
            %broadcast_in_dim3A_439 = arith.constant 0.000000e+00 : f32
            %broadcast_in_dim3A_440 = vector.broadcast %broadcast_in_dim3A_439 : f32 to vector<16xf32>
            %broadcast_in_dim3A_441 = arith.constant 0.000000e+00 : f32
            %broadcast_in_dim3A_442 = vector.broadcast %broadcast_in_dim3A_441 : f32 to vector<16xf32>
            %broadcast_in_dim3A_443 = arith.constant 0.000000e+00 : f32
            %broadcast_in_dim3A_444 = vector.broadcast %broadcast_in_dim3A_443 : f32 to vector<16xf32>
            %broadcast_in_dim3A_445 = arith.constant 0.000000e+00 : f32
            %broadcast_in_dim3A_446 = vector.broadcast %broadcast_in_dim3A_445 : f32 to vector<16xf32>
            %broadcast_in_dim3A_447 = arith.constant 0.000000e+00 : f32
            %broadcast_in_dim3A_448 = vector.broadcast %broadcast_in_dim3A_447 : f32 to vector<16xf32>
            %broadcast_in_dim3A_449 = arith.constant 0.000000e+00 : f32
            %broadcast_in_dim3A_450 = vector.broadcast %broadcast_in_dim3A_449 : f32 to vector<16xf32>
            %broadcast_in_dim3A_451 = arith.constant 0.000000e+00 : f32
            %broadcast_in_dim3A_452 = vector.broadcast %broadcast_in_dim3A_451 : f32 to vector<16xf32>
            %broadcast_in_dim3A_453 = arith.constant 0.000000e+00 : f32
            %broadcast_in_dim3A_454 = vector.broadcast %broadcast_in_dim3A_453 : f32 to vector<16xf32>
            %broadcast_in_dim3A_455 = arith.constant 0.000000e+00 : f32
            %broadcast_in_dim3A_456 = vector.broadcast %broadcast_in_dim3A_455 : f32 to vector<16xf32>
            %broadcast_in_dim3A_457 = arith.constant 0.000000e+00 : f32
            %broadcast_in_dim3A_458 = vector.broadcast %broadcast_in_dim3A_457 : f32 to vector<16xf32>
            %broadcast_in_dim3A_459 = arith.constant 0.000000e+00 : f32
            %broadcast_in_dim3A_460 = vector.broadcast %broadcast_in_dim3A_459 : f32 to vector<16xf32>
            %broadcast_in_dim3A_461 = arith.constant 0.000000e+00 : f32
            %broadcast_in_dim3A_462 = vector.broadcast %broadcast_in_dim3A_461 : f32 to vector<16xf32>
            %broadcast_in_dim3A_463 = arith.constant 0.000000e+00 : f32
            %broadcast_in_dim3A_464 = vector.broadcast %broadcast_in_dim3A_463 : f32 to vector<16xf32>
            %broadcast_in_dim3A_465 = arith.constant 0.000000e+00 : f32
            %broadcast_in_dim3A_466 = vector.broadcast %broadcast_in_dim3A_465 : f32 to vector<16xf32>
            %broadcast_in_dim3A_467 = arith.constant 0.000000e+00 : f32
            %broadcast_in_dim3A_468 = vector.broadcast %broadcast_in_dim3A_467 : f32 to vector<16xf32>
            %broadcast_in_dim3A_469 = arith.constant 0.000000e+00 : f32
            %broadcast_in_dim3A_470 = vector.broadcast %broadcast_in_dim3A_469 : f32 to vector<16xf32>
            %broadcast_in_dim3A_471 = arith.constant 0.000000e+00 : f32
            %broadcast_in_dim3A_472 = vector.broadcast %broadcast_in_dim3A_471 : f32 to vector<16xf32>
            %broadcast_in_dim3A_473 = arith.constant 0.000000e+00 : f32
            %broadcast_in_dim3A_474 = vector.broadcast %broadcast_in_dim3A_473 : f32 to vector<16xf32>
            %broadcast_in_dim3A_475 = arith.constant 0.000000e+00 : f32
            %broadcast_in_dim3A_476 = vector.broadcast %broadcast_in_dim3A_475 : f32 to vector<16xf32>
            %broadcast_in_dim3A_477 = arith.constant 0.000000e+00 : f32
            %broadcast_in_dim3A_478 = vector.broadcast %broadcast_in_dim3A_477 : f32 to vector<16xf32>
            %broadcast_in_dim3A_479 = arith.constant 0.000000e+00 : f32
            %broadcast_in_dim3A_480 = vector.broadcast %broadcast_in_dim3A_479 : f32 to vector<16xf32>
            %broadcast_in_dim3A_481 = arith.constant 0.000000e+00 : f32
            %broadcast_in_dim3A_482 = vector.broadcast %broadcast_in_dim3A_481 : f32 to vector<16xf32>
            %broadcast_in_dim3A_483 = arith.constant 0 : i32
            %broadcast_in_dim3A_484 = vector.broadcast %broadcast_in_dim3A_483 : i32 to vector<16x1xi32>
            %gather3A_485 = vector.shape_cast %broadcast_in_dim3A_484 : vector<16x1xi32> to vector<16xi32>
            %gather3A_486 = tpu.dynamic_gather %convert_element_type3A_409[%gather3A_485] in [0] : vector<16xf32>, vector<16xi32> -> vector<16xf32>
            %broadcast_in_dim3A_487 = arith.constant 0 : i32
            %broadcast_in_dim3A_488 = vector.broadcast %broadcast_in_dim3A_487 : i32 to vector<16x1xi32>
            %gather3A_489 = vector.shape_cast %broadcast_in_dim3A_488 : vector<16x1xi32> to vector<16xi32>
            %gather3A_490 = tpu.dynamic_gather %convert_element_type3A_412[%gather3A_489] in [0] : vector<16xf32>, vector<16xi32> -> vector<16xf32>
            %broadcast_in_dim3A_491 = arith.constant 0 : i32
            %broadcast_in_dim3A_492 = vector.broadcast %broadcast_in_dim3A_491 : i32 to vector<16x1xi32>
            %gather3A_493 = vector.shape_cast %broadcast_in_dim3A_492 : vector<16x1xi32> to vector<16xi32>
            %gather3A_494 = tpu.dynamic_gather %mul3A_417[%gather3A_493] in [0] : vector<16xf32>, vector<16xi32> -> vector<16xf32>
            %broadcast_in_dim3A_495 = arith.constant 0 : i32
            %broadcast_in_dim3A_496 = vector.broadcast %broadcast_in_dim3A_495 : i32 to vector<16x1xi32>
            %gather3A_497 = vector.shape_cast %broadcast_in_dim3A_496 : vector<16x1xi32> to vector<16xi32>
            %gather3A_498 = tpu.dynamic_gather %mul3A_418[%gather3A_497] in [0] : vector<16xf32>, vector<16xi32> -> vector<16xf32>
            %get3A_499 = arith.constant 0 : i32
            %get3A_500 = arith.index_cast %get3A_499 : i32 to index
            %get3A_501 = arith.constant 0 : index
            %get3A_502 = tpu.vector_load %arg11[%get3A_500, %get3A_501] {strides = array<i32>} : memref<16x128xf32, #tpu.memory_space<vmem>>, vector<16xf32>,
            %mul3A_503 = arith.mulf %gather3A_486, %get3A_502 : vector<16xf32>
            %add3A_504 = arith.addf %broadcast_in_dim3A_420, %mul3A_503 : vector<16xf32>
            %mul3A_505 = arith.mulf %gather3A_490, %get3A_502 : vector<16xf32>
            %add3A_506 = arith.addf %broadcast_in_dim3A_436, %mul3A_505 : vector<16xf32>
            %mul3A_507 = arith.mulf %gather3A_494, %get3A_502 : vector<16xf32>
            %add3A_508 = arith.addf %broadcast_in_dim3A_452, %mul3A_507 : vector<16xf32>
            %mul3A_509 = arith.mulf %gather3A_498, %get3A_502 : vector<16xf32>
            %add3A_510 = arith.addf %broadcast_in_dim3A_468, %mul3A_509 : vector<16xf32>
            %get3A_511 = arith.constant 0 : i32
            %get3A_512 = arith.index_cast %get3A_511 : i32 to index
            %get3A_513 = arith.constant 16 : index
            %get3A_514 = tpu.vector_load %arg11[%get3A_512, %get3A_513] {strides = array<i32>} : memref<16x128xf32, #tpu.memory_space<vmem>>, vector<16xf32>,
            %mul3A_515 = arith.mulf %gather3A_486, %get3A_514 : vector<16xf32>
            %add3A_516 = arith.addf %broadcast_in_dim3A_422, %mul3A_515 : vector<16xf32>
            %mul3A_517 = arith.mulf %gather3A_490, %get3A_514 : vector<16xf32>
            %add3A_518 = arith.addf %broadcast_in_dim3A_438, %mul3A_517 : vector<16xf32>
            %mul3A_519 = arith.mulf %gather3A_494, %get3A_514 : vector<16xf32>
            %add3A_520 = arith.addf %broadcast_in_dim3A_454, %mul3A_519 : vector<16xf32>
            %mul3A_521 = arith.mulf %gather3A_498, %get3A_514 : vector<16xf32>
            %add3A_522 = arith.addf %broadcast_in_dim3A_470, %mul3A_521 : vector<16xf32>
            %get3A_523 = arith.constant 0 : i32
            %get3A_524 = arith.index_cast %get3A_523 : i32 to index
            %get3A_525 = arith.constant 32 : index
            %get3A_526 = tpu.vector_load %arg11[%get3A_524, %get3A_525] {strides = array<i32>} : memref<16x128xf32, #tpu.memory_space<vmem>>, vector<16xf32>,
            %mul3A_527 = arith.mulf %gather3A_486, %get3A_526 : vector<16xf32>
            %add3A_528 = arith.addf %broadcast_in_dim3A_424, %mul3A_527 : vector<16xf32>
            %mul3A_529 = arith.mulf %gather3A_490, %get3A_526 : vector<16xf32>
            %add3A_530 = arith.addf %broadcast_in_dim3A_440, %mul3A_529 : vector<16xf32>
            %mul3A_531 = arith.mulf %gather3A_494, %get3A_526 : vector<16xf32>
            %add3A_532 = arith.addf %broadcast_in_dim3A_456, %mul3A_531 : vector<16xf32>
            %mul3A_533 = arith.mulf %gather3A_498, %get3A_526 : vector<16xf32>
            %add3A_534 = arith.addf %broadcast_in_dim3A_472, %mul3A_533 : vector<16xf32>
            %get3A_535 = arith.constant 0 : i32
            %get3A_536 = arith.index_cast %get3A_535 : i32 to index
            %get3A_537 = arith.constant 48 : index
            %get3A_538 = tpu.vector_load %arg11[%get3A_536, %get3A_537] {strides = array<i32>} : memref<16x128xf32, #tpu.memory_space<vmem>>, vector<16xf32>,
            %mul3A_539 = arith.mulf %gather3A_486, %get3A_538 : vector<16xf32>
            %add3A_540 = arith.addf %broadcast_in_dim3A_426, %mul3A_539 : vector<16xf32>
            %mul3A_541 = arith.mulf %gather3A_490, %get3A_538 : vector<16xf32>
            %add3A_542 = arith.addf %broadcast_in_dim3A_442, %mul3A_541 : vector<16xf32>
            %mul3A_543 = arith.mulf %gather3A_494, %get3A_538 : vector<16xf32>
            %add3A_544 = arith.addf %broadcast_in_dim3A_458, %mul3A_543 : vector<16xf32>
            %mul3A_545 = arith.mulf %gather3A_498, %get3A_538 : vector<16xf32>
            %add3A_546 = arith.addf %broadcast_in_dim3A_474, %mul3A_545 : vector<16xf32>
            %get3A_547 = arith.constant 0 : i32
            %get3A_548 = arith.index_cast %get3A_547 : i32 to index
            %get3A_549 = arith.constant 64 : index
            %get3A_550 = tpu.vector_load %arg11[%get3A_548, %get3A_549] {strides = array<i32>} : memref<16x128xf32, #tpu.memory_space<vmem>>, vector<16xf32>,
            %mul3A_551 = arith.mulf %gather3A_486, %get3A_550 : vector<16xf32>
            %add3A_552 = arith.addf %broadcast_in_dim3A_428, %mul3A_551 : vector<16xf32>
            %mul3A_553 = arith.mulf %gather3A_490, %get3A_550 : vector<16xf32>
            %add3A_554 = arith.addf %broadcast_in_dim3A_444, %mul3A_553 : vector<16xf32>
            %mul3A_555 = arith.mulf %gather3A_494, %get3A_550 : vector<16xf32>
            %add3A_556 = arith.addf %broadcast_in_dim3A_460, %mul3A_555 : vector<16xf32>
            %mul3A_557 = arith.mulf %gather3A_498, %get3A_550 : vector<16xf32>
            %add3A_558 = arith.addf %broadcast_in_dim3A_476, %mul3A_557 : vector<16xf32>
            %get3A_559 = arith.constant 0 : i32
            %get3A_560 = arith.index_cast %get3A_559 : i32 to index
            %get3A_561 = arith.constant 80 : index
            %get3A_562 = tpu.vector_load %arg11[%get3A_560, %get3A_561] {strides = array<i32>} : memref<16x128xf32, #tpu.memory_space<vmem>>, vector<16xf32>,
            %mul3A_563 = arith.mulf %gather3A_486, %get3A_562 : vector<16xf32>
            %add3A_564 = arith.addf %broadcast_in_dim3A_430, %mul3A_563 : vector<16xf32>
            %mul3A_565 = arith.mulf %gather3A_490, %get3A_562 : vector<16xf32>
            %add3A_566 = arith.addf %broadcast_in_dim3A_446, %mul3A_565 : vector<16xf32>
            %mul3A_567 = arith.mulf %gather3A_494, %get3A_562 : vector<16xf32>
            %add3A_568 = arith.addf %broadcast_in_dim3A_462, %mul3A_567 : vector<16xf32>
            %mul3A_569 = arith.mulf %gather3A_498, %get3A_562 : vector<16xf32>
            %add3A_570 = arith.addf %broadcast_in_dim3A_478, %mul3A_569 : vector<16xf32>
            %get3A_571 = arith.constant 0 : i32
            %get3A_572 = arith.index_cast %get3A_571 : i32 to index
            %get3A_573 = arith.constant 96 : index
            %get3A_574 = tpu.vector_load %arg11[%get3A_572, %get3A_573] {strides = array<i32>} : memref<16x128xf32, #tpu.memory_space<vmem>>, vector<16xf32>,
            %mul3A_575 = arith.mulf %gather3A_486, %get3A_574 : vector<16xf32>
            %add3A_576 = arith.addf %broadcast_in_dim3A_432, %mul3A_575 : vector<16xf32>
            %mul3A_577 = arith.mulf %gather3A_490, %get3A_574 : vector<16xf32>
            %add3A_578 = arith.addf %broadcast_in_dim3A_448, %mul3A_577 : vector<16xf32>
            %mul3A_579 = arith.mulf %gather3A_494, %get3A_574 : vector<16xf32>
            %add3A_580 = arith.addf %broadcast_in_dim3A_464, %mul3A_579 : vector<16xf32>
            %mul3A_581 = arith.mulf %gather3A_498, %get3A_574 : vector<16xf32>
            %add3A_582 = arith.addf %broadcast_in_dim3A_480, %mul3A_581 : vector<16xf32>
            %get3A_583 = arith.constant 0 : i32
            %get3A_584 = arith.index_cast %get3A_583 : i32 to index
            %get3A_585 = arith.constant 112 : index
            %get3A_586 = tpu.vector_load %arg11[%get3A_584, %get3A_585] {strides = array<i32>} : memref<16x128xf32, #tpu.memory_space<vmem>>, vector<16xf32>,
            %mul3A_587 = arith.mulf %gather3A_486, %get3A_586 : vector<16xf32>
            %add3A_588 = arith.addf %broadcast_in_dim3A_434, %mul3A_587 : vector<16xf32>
            %mul3A_589 = arith.mulf %gather3A_490, %get3A_586 : vector<16xf32>
            %add3A_590 = arith.addf %broadcast_in_dim3A_450, %mul3A_589 : vector<16xf32>
            %mul3A_591 = arith.mulf %gather3A_494, %get3A_586 : vector<16xf32>
            %add3A_592 = arith.addf %broadcast_in_dim3A_466, %mul3A_591 : vector<16xf32>
            %mul3A_593 = arith.mulf %gather3A_498, %get3A_586 : vector<16xf32>
            %add3A_594 = arith.addf %broadcast_in_dim3A_482, %mul3A_593 : vector<16xf32>
            %broadcast_in_dim3A_595 = arith.constant 1 : i32
            %broadcast_in_dim3A_596 = vector.broadcast %broadcast_in_dim3A_595 : i32 to vector<16x1xi32>
            %gather3A_597 = vector.shape_cast %broadcast_in_dim3A_596 : vector<16x1xi32> to vector<16xi32>
            %gather3A_598 = tpu.dynamic_gather %convert_element_type3A_409[%gather3A_597] in [0] : vector<16xf32>, vector<16xi32> -> vector<16xf32>
            %broadcast_in_dim3A_599 = arith.constant 1 : i32
            %broadcast_in_dim3A_600 = vector.broadcast %broadcast_in_dim3A_599 : i32 to vector<16x1xi32>
            %gather3A_601 = vector.shape_cast %broadcast_in_dim3A_600 : vector<16x1xi32> to vector<16xi32>
            %gather3A_602 = tpu.dynamic_gather %convert_element_type3A_412[%gather3A_601] in [0] : vector<16xf32>, vector<16xi32> -> vector<16xf32>
            %broadcast_in_dim3A_603 = arith.constant 1 : i32
            %broadcast_in_dim3A_604 = vector.broadcast %broadcast_in_dim3A_603 : i32 to vector<16x1xi32>
            %gather3A_605 = vector.shape_cast %broadcast_in_dim3A_604 : vector<16x1xi32> to vector<16xi32>
            %gather3A_606 = tpu.dynamic_gather %mul3A_417[%gather3A_605] in [0] : vector<16xf32>, vector<16xi32> -> vector<16xf32>
            %broadcast_in_dim3A_607 = arith.constant 1 : i32
            %broadcast_in_dim3A_608 = vector.broadcast %broadcast_in_dim3A_607 : i32 to vector<16x1xi32>
            %gather3A_609 = vector.shape_cast %broadcast_in_dim3A_608 : vector<16x1xi32> to vector<16xi32>
            %gather3A_610 = tpu.dynamic_gather %mul3A_418[%gather3A_609] in [0] : vector<16xf32>, vector<16xi32> -> vector<16xf32>
            %get3A_611 = arith.constant 1 : i32
            %get3A_612 = arith.index_cast %get3A_611 : i32 to index
            %get3A_613 = arith.constant 0 : index
            %get3A_614 = tpu.vector_load %arg11[%get3A_612, %get3A_613] {strides = array<i32>} : memref<16x128xf32, #tpu.memory_space<vmem>>, vector<16xf32>,
            %mul3A_615 = arith.mulf %gather3A_598, %get3A_614 : vector<16xf32>
            %add3A_616 = arith.addf %add3A_504, %mul3A_615 : vector<16xf32>
            %mul3A_617 = arith.mulf %gather3A_602, %get3A_614 : vector<16xf32>
            %add3A_618 = arith.addf %add3A_506, %mul3A_617 : vector<16xf32>
            %mul3A_619 = arith.mulf %gather3A_606, %get3A_614 : vector<16xf32>
            %add3A_620 = arith.addf %add3A_508, %mul3A_619 : vector<16xf32>
            %mul3A_621 = arith.mulf %gather3A_610, %get3A_614 : vector<16xf32>
            %add3A_622 = arith.addf %add3A_510, %mul3A_621 : vector<16xf32>
            %get3A_623 = arith.constant 1 : i32
            %get3A_624 = arith.index_cast %get3A_623 : i32 to index
            %get3A_625 = arith.constant 16 : index
            %get3A_626 = tpu.vector_load %arg11[%get3A_624, %get3A_625] {strides = array<i32>} : memref<16x128xf32, #tpu.memory_space<vmem>>, vector<16xf32>,
            %mul3A_627 = arith.mulf %gather3A_598, %get3A_626 : vector<16xf32>
            %add3A_628 = arith.addf %add3A_516, %mul3A_627 : vector<16xf32>
            %mul3A_629 = arith.mulf %gather3A_602, %get3A_626 : vector<16xf32>
            %add3A_630 = arith.addf %add3A_518, %mul3A_629 : vector<16xf32>
            %mul3A_631 = arith.mulf %gather3A_606, %get3A_626 : vector<16xf32>
            %add3A_632 = arith.addf %add3A_520, %mul3A_631 : vector<16xf32>
            %mul3A_633 = arith.mulf %gather3A_610, %get3A_626 : vector<16xf32>
            %add3A_634 = arith.addf %add3A_522, %mul3A_633 : vector<16xf32>
            %get3A_635 = arith.constant 1 : i32
            %get3A_636 = arith.index_cast %get3A_635 : i32 to index
            %get3A_637 = arith.constant 32 : index
            %get3A_638 = tpu.vector_load %arg11[%get3A_636, %get3A_637] {strides = array<i32>} : memref<16x128xf32, #tpu.memory_space<vmem>>, vector<16xf32>,
            %mul3A_639 = arith.mulf %gather3A_598, %get3A_638 : vector<16xf32>
            %add3A_640 = arith.addf %add3A_528, %mul3A_639 : vector<16xf32>
            %mul3A_641 = arith.mulf %gather3A_602, %get3A_638 : vector<16xf32>
            %add3A_642 = arith.addf %add3A_530, %mul3A_641 : vector<16xf32>
            %mul3A_643 = arith.mulf %gather3A_606, %get3A_638 : vector<16xf32>
            %add3A_644 = arith.addf %add3A_532, %mul3A_643 : vector<16xf32>
            %mul3A_645 = arith.mulf %gather3A_610, %get3A_638 : vector<16xf32>
            %add3A_646 = arith.addf %add3A_534, %mul3A_645 : vector<16xf32>
            %get3A_647 = arith.constant 1 : i32
            %get3A_648 = arith.index_cast %get3A_647 : i32 to index
            %get3A_649 = arith.constant 48 : index
            %get3A_650 = tpu.vector_load %arg11[%get3A_648, %get3A_649] {strides = array<i32>} : memref<16x128xf32, #tpu.memory_space<vmem>>, vector<16xf32>,
            %mul3A_651 = arith.mulf %gather3A_598, %get3A_650 : vector<16xf32>
            %add3A_652 = arith.addf %add3A_540, %mul3A_651 : vector<16xf32>
            %mul3A_653 = arith.mulf %gather3A_602, %get3A_650 : vector<16xf32>
            %add3A_654 = arith.addf %add3A_542, %mul3A_653 : vector<16xf32>
            %mul3A_655 = arith.mulf %gather3A_606, %get3A_650 : vector<16xf32>
            %add3A_656 = arith.addf %add3A_544, %mul3A_655 : vector<16xf32>
            %mul3A_657 = arith.mulf %gather3A_610, %get3A_650 : vector<16xf32>
            %add3A_658 = arith.addf %add3A_546, %mul3A_657 : vector<16xf32>
            %get3A_659 = arith.constant 1 : i32
            %get3A_660 = arith.index_cast %get3A_659 : i32 to index
            %get3A_661 = arith.constant 64 : index
            %get3A_662 = tpu.vector_load %arg11[%get3A_660, %get3A_661] {strides = array<i32>} : memref<16x128xf32, #tpu.memory_space<vmem>>, vector<16xf32>,
            %mul3A_663 = arith.mulf %gather3A_598, %get3A_662 : vector<16xf32>
            %add3A_664 = arith.addf %add3A_552, %mul3A_663 : vector<16xf32>
            %mul3A_665 = arith.mulf %gather3A_602, %get3A_662 : vector<16xf32>
            %add3A_666 = arith.addf %add3A_554, %mul3A_665 : vector<16xf32>
            %mul3A_667 = arith.mulf %gather3A_606, %get3A_662 : vector<16xf32>
            %add3A_668 = arith.addf %add3A_556, %mul3A_667 : vector<16xf32>
            %mul3A_669 = arith.mulf %gather3A_610, %get3A_662 : vector<16xf32>
            %add3A_670 = arith.addf %add3A_558, %mul3A_669 : vector<16xf32>
            %get3A_671 = arith.constant 1 : i32
            %get3A_672 = arith.index_cast %get3A_671 : i32 to index
            %get3A_673 = arith.constant 80 : index
            %get3A_674 = tpu.vector_load %arg11[%get3A_672, %get3A_673] {strides = array<i32>} : memref<16x128xf32, #tpu.memory_space<vmem>>, vector<16xf32>,
            %mul3A_675 = arith.mulf %gather3A_598, %get3A_674 : vector<16xf32>
            %add3A_676 = arith.addf %add3A_564, %mul3A_675 : vector<16xf32>
            %mul3A_677 = arith.mulf %gather3A_602, %get3A_674 : vector<16xf32>
            %add3A_678 = arith.addf %add3A_566, %mul3A_677 : vector<16xf32>
            %mul3A_679 = arith.mulf %gather3A_606, %get3A_674 : vector<16xf32>
            %add3A_680 = arith.addf %add3A_568, %mul3A_679 : vector<16xf32>
            %mul3A_681 = arith.mulf %gather3A_610, %get3A_674 : vector<16xf32>
            %add3A_682 = arith.addf %add3A_570, %mul3A_681 : vector<16xf32>
            %get3A_683 = arith.constant 1 : i32
            %get3A_684 = arith.index_cast %get3A_683 : i32 to index
            %get3A_685 = arith.constant 96 : index
            %get3A_686 = tpu.vector_load %arg11[%get3A_684, %get3A_685] {strides = array<i32>} : memref<16x128xf32, #tpu.memory_space<vmem>>, vector<16xf32>,
            %mul3A_687 = arith.mulf %gather3A_598, %get3A_686 : vector<16xf32>
            %add3A_688 = arith.addf %add3A_576, %mul3A_687 : vector<16xf32>
            %mul3A_689 = arith.mulf %gather3A_602, %get3A_686 : vector<16xf32>
            %add3A_690 = arith.addf %add3A_578, %mul3A_689 : vector<16xf32>
            %mul3A_691 = arith.mulf %gather3A_606, %get3A_686 : vector<16xf32>
            %add3A_692 = arith.addf %add3A_580, %mul3A_691 : vector<16xf32>
            %mul3A_693 = arith.mulf %gather3A_610, %get3A_686 : vector<16xf32>
            %add3A_694 = arith.addf %add3A_582, %mul3A_693 : vector<16xf32>
            %get3A_695 = arith.constant 1 : i32
            %get3A_696 = arith.index_cast %get3A_695 : i32 to index
            %get3A_697 = arith.constant 112 : index
            %get3A_698 = tpu.vector_load %arg11[%get3A_696, %get3A_697] {strides = array<i32>} : memref<16x128xf32, #tpu.memory_space<vmem>>, vector<16xf32>,
            %mul3A_699 = arith.mulf %gather3A_598, %get3A_698 : vector<16xf32>
            %add3A_700 = arith.addf %add3A_588, %mul3A_699 : vector<16xf32>
            %mul3A_701 = arith.mulf %gather3A_602, %get3A_698 : vector<16xf32>
            %add3A_702 = arith.addf %add3A_590, %mul3A_701 : vector<16xf32>
            %mul3A_703 = arith.mulf %gather3A_606, %get3A_698 : vector<16xf32>
            %add3A_704 = arith.addf %add3A_592, %mul3A_703 : vector<16xf32>
            %mul3A_705 = arith.mulf %gather3A_610, %get3A_698 : vector<16xf32>
            %add3A_706 = arith.addf %add3A_594, %mul3A_705 : vector<16xf32>
            %broadcast_in_dim3A_707 = arith.constant 2 : i32
            %broadcast_in_dim3A_708 = vector.broadcast %broadcast_in_dim3A_707 : i32 to vector<16x1xi32>
            %gather3A_709 = vector.shape_cast %broadcast_in_dim3A_708 : vector<16x1xi32> to vector<16xi32>
            %gather3A_710 = tpu.dynamic_gather %convert_element_type3A_409[%gather3A_709] in [0] : vector<16xf32>, vector<16xi32> -> vector<16xf32>
            %broadcast_in_dim3A_711 = arith.constant 2 : i32
            %broadcast_in_dim3A_712 = vector.broadcast %broadcast_in_dim3A_711 : i32 to vector<16x1xi32>
            %gather3A_713 = vector.shape_cast %broadcast_in_dim3A_712 : vector<16x1xi32> to vector<16xi32>
            %gather3A_714 = tpu.dynamic_gather %convert_element_type3A_412[%gather3A_713] in [0] : vector<16xf32>, vector<16xi32> -> vector<16xf32>
            %broadcast_in_dim3A_715 = arith.constant 2 : i32
            %broadcast_in_dim3A_716 = vector.broadcast %broadcast_in_dim3A_715 : i32 to vector<16x1xi32>
            %gather3A_717 = vector.shape_cast %broadcast_in_dim3A_716 : vector<16x1xi32> to vector<16xi32>
            %gather3A_718 = tpu.dynamic_gather %mul3A_417[%gather3A_717] in [0] : vector<16xf32>, vector<16xi32> -> vector<16xf32>
            %broadcast_in_dim3A_719 = arith.constant 2 : i32
            %broadcast_in_dim3A_720 = vector.broadcast %broadcast_in_dim3A_719 : i32 to vector<16x1xi32>
            %gather3A_721 = vector.shape_cast %broadcast_in_dim3A_720 : vector<16x1xi32> to vector<16xi32>
            %gather3A_722 = tpu.dynamic_gather %mul3A_418[%gather3A_721] in [0] : vector<16xf32>, vector<16xi32> -> vector<16xf32>
            %get3A_723 = arith.constant 2 : i32
            %get3A_724 = arith.index_cast %get3A_723 : i32 to index
            %get3A_725 = arith.constant 0 : index
            %get3A_726 = tpu.vector_load %arg11[%get3A_724, %get3A_725] {strides = array<i32>} : memref<16x128xf32, #tpu.memory_space<vmem>>, vector<16xf32>,
            %mul3A_727 = arith.mulf %gather3A_710, %get3A_726 : vector<16xf32>
            %add3A_728 = arith.addf %add3A_616, %mul3A_727 : vector<16xf32>
            %mul3A_729 = arith.mulf %gather3A_714, %get3A_726 : vector<16xf32>
            %add3A_730 = arith.addf %add3A_618, %mul3A_729 : vector<16xf32>
            %mul3A_731 = arith.mulf %gather3A_718, %get3A_726 : vector<16xf32>
            %add3A_732 = arith.addf %add3A_620, %mul3A_731 : vector<16xf32>
            %mul3A_733 = arith.mulf %gather3A_722, %get3A_726 : vector<16xf32>
            %add3A_734 = arith.addf %add3A_622, %mul3A_733 : vector<16xf32>
            %get3A_735 = arith.constant 2 : i32
            %get3A_736 = arith.index_cast %get3A_735 : i32 to index
            %get3A_737 = arith.constant 16 : index
            %get3A_738 = tpu.vector_load %arg11[%get3A_736, %get3A_737] {strides = array<i32>} : memref<16x128xf32, #tpu.memory_space<vmem>>, vector<16xf32>,
            %mul3A_739 = arith.mulf %gather3A_710, %get3A_738 : vector<16xf32>
            %add3A_740 = arith.addf %add3A_628, %mul3A_739 : vector<16xf32>
            %mul3A_741 = arith.mulf %gather3A_714, %get3A_738 : vector<16xf32>
            %add3A_742 = arith.addf %add3A_630, %mul3A_741 : vector<16xf32>
            %mul3A_743 = arith.mulf %gather3A_718, %get3A_738 : vector<16xf32>
            %add3A_744 = arith.addf %add3A_632, %mul3A_743 : vector<16xf32>
            %mul3A_745 = arith.mulf %gather3A_722, %get3A_738 : vector<16xf32>
            %add3A_746 = arith.addf %add3A_634, %mul3A_745 : vector<16xf32>
            %get3A_747 = arith.constant 2 : i32
            %get3A_748 = arith.index_cast %get3A_747 : i32 to index
            %get3A_749 = arith.constant 32 : index
            %get3A_750 = tpu.vector_load %arg11[%get3A_748, %get3A_749] {strides = array<i32>} : memref<16x128xf32, #tpu.memory_space<vmem>>, vector<16xf32>,
            %mul3A_751 = arith.mulf %gather3A_710, %get3A_750 : vector<16xf32>
            %add3A_752 = arith.addf %add3A_640, %mul3A_751 : vector<16xf32>
            %mul3A_753 = arith.mulf %gather3A_714, %get3A_750 : vector<16xf32>
            %add3A_754 = arith.addf %add3A_642, %mul3A_753 : vector<16xf32>
            %mul3A_755 = arith.mulf %gather3A_718, %get3A_750 : vector<16xf32>
            %add3A_756 = arith.addf %add3A_644, %mul3A_755 : vector<16xf32>
            %mul3A_757 = arith.mulf %gather3A_722, %get3A_750 : vector<16xf32>
            %add3A_758 = arith.addf %add3A_646, %mul3A_757 : vector<16xf32>
            %get3A_759 = arith.constant 2 : i32
            %get3A_760 = arith.index_cast %get3A_759 : i32 to index
            %get3A_761 = arith.constant 48 : index
            %get3A_762 = tpu.vector_load %arg11[%get3A_760, %get3A_761] {strides = array<i32>} : memref<16x128xf32, #tpu.memory_space<vmem>>, vector<16xf32>,
            %mul3A_763 = arith.mulf %gather3A_710, %get3A_762 : vector<16xf32>
            %add3A_764 = arith.addf %add3A_652, %mul3A_763 : vector<16xf32>
            %mul3A_765 = arith.mulf %gather3A_714, %get3A_762 : vector<16xf32>
            %add3A_766 = arith.addf %add3A_654, %mul3A_765 : vector<16xf32>
            %mul3A_767 = arith.mulf %gather3A_718, %get3A_762 : vector<16xf32>
            %add3A_768 = arith.addf %add3A_656, %mul3A_767 : vector<16xf32>
            %mul3A_769 = arith.mulf %gather3A_722, %get3A_762 : vector<16xf32>
            %add3A_770 = arith.addf %add3A_658, %mul3A_769 : vector<16xf32>
            %get3A_771 = arith.constant 2 : i32
            %get3A_772 = arith.index_cast %get3A_771 : i32 to index
            %get3A_773 = arith.constant 64 : index
            %get3A_774 = tpu.vector_load %arg11[%get3A_772, %get3A_773] {strides = array<i32>} : memref<16x128xf32, #tpu.memory_space<vmem>>, vector<16xf32>,
            %mul3A_775 = arith.mulf %gather3A_710, %get3A_774 : vector<16xf32>
            %add3A_776 = arith.addf %add3A_664, %mul3A_775 : vector<16xf32>
            %mul3A_777 = arith.mulf %gather3A_714, %get3A_774 : vector<16xf32>
            %add3A_778 = arith.addf %add3A_666, %mul3A_777 : vector<16xf32>
            %mul3A_779 = arith.mulf %gather3A_718, %get3A_774 : vector<16xf32>
            %add3A_780 = arith.addf %add3A_668, %mul3A_779 : vector<16xf32>
            %mul3A_781 = arith.mulf %gather3A_722, %get3A_774 : vector<16xf32>
            %add3A_782 = arith.addf %add3A_670, %mul3A_781 : vector<16xf32>
            %get3A_783 = arith.constant 2 : i32
            %get3A_784 = arith.index_cast %get3A_783 : i32 to index
            %get3A_785 = arith.constant 80 : index
            %get3A_786 = tpu.vector_load %arg11[%get3A_784, %get3A_785] {strides = array<i32>} : memref<16x128xf32, #tpu.memory_space<vmem>>, vector<16xf32>,
            %mul3A_787 = arith.mulf %gather3A_710, %get3A_786 : vector<16xf32>
            %add3A_788 = arith.addf %add3A_676, %mul3A_787 : vector<16xf32>
            %mul3A_789 = arith.mulf %gather3A_714, %get3A_786 : vector<16xf32>
            %add3A_790 = arith.addf %add3A_678, %mul3A_789 : vector<16xf32>
            %mul3A_791 = arith.mulf %gather3A_718, %get3A_786 : vector<16xf32>
            %add3A_792 = arith.addf %add3A_680, %mul3A_791 : vector<16xf32>
            %mul3A_793 = arith.mulf %gather3A_722, %get3A_786 : vector<16xf32>
            %add3A_794 = arith.addf %add3A_682, %mul3A_793 : vector<16xf32>
            %get3A_795 = arith.constant 2 : i32
            %get3A_796 = arith.index_cast %get3A_795 : i32 to index
            %get3A_797 = arith.constant 96 : index
            %get3A_798 = tpu.vector_load %arg11[%get3A_796, %get3A_797] {strides = array<i32>} : memref<16x128xf32, #tpu.memory_space<vmem>>, vector<16xf32>,
            %mul3A_799 = arith.mulf %gather3A_710, %get3A_798 : vector<16xf32>
            %add3A_800 = arith.addf %add3A_688, %mul3A_799 : vector<16xf32>
            %mul3A_801 = arith.mulf %gather3A_714, %get3A_798 : vector<16xf32>
            %add3A_802 = arith.addf %add3A_690, %mul3A_801 : vector<16xf32>
            %mul3A_803 = arith.mulf %gather3A_718, %get3A_798 : vector<16xf32>
            %add3A_804 = arith.addf %add3A_692, %mul3A_803 : vector<16xf32>
            %mul3A_805 = arith.mulf %gather3A_722, %get3A_798 : vector<16xf32>
            %add3A_806 = arith.addf %add3A_694, %mul3A_805 : vector<16xf32>
            %get3A_807 = arith.constant 2 : i32
            %get3A_808 = arith.index_cast %get3A_807 : i32 to index
            %get3A_809 = arith.constant 112 : index
            %get3A_810 = tpu.vector_load %arg11[%get3A_808, %get3A_809] {strides = array<i32>} : memref<16x128xf32, #tpu.memory_space<vmem>>, vector<16xf32>,
            %mul3A_811 = arith.mulf %gather3A_710, %get3A_810 : vector<16xf32>
            %add3A_812 = arith.addf %add3A_700, %mul3A_811 : vector<16xf32>
            %mul3A_813 = arith.mulf %gather3A_714, %get3A_810 : vector<16xf32>
            %add3A_814 = arith.addf %add3A_702, %mul3A_813 : vector<16xf32>
            %mul3A_815 = arith.mulf %gather3A_718, %get3A_810 : vector<16xf32>
            %add3A_816 = arith.addf %add3A_704, %mul3A_815 : vector<16xf32>
            %mul3A_817 = arith.mulf %gather3A_722, %get3A_810 : vector<16xf32>
            %add3A_818 = arith.addf %add3A_706, %mul3A_817 : vector<16xf32>
            %broadcast_in_dim3A_819 = arith.constant 3 : i32
            %broadcast_in_dim3A_820 = vector.broadcast %broadcast_in_dim3A_819 : i32 to vector<16x1xi32>
            %gather3A_821 = vector.shape_cast %broadcast_in_dim3A_820 : vector<16x1xi32> to vector<16xi32>
            %gather3A_822 = tpu.dynamic_gather %convert_element_type3A_409[%gather3A_821] in [0] : vector<16xf32>, vector<16xi32> -> vector<16xf32>
            %broadcast_in_dim3A_823 = arith.constant 3 : i32
            %broadcast_in_dim3A_824 = vector.broadcast %broadcast_in_dim3A_823 : i32 to vector<16x1xi32>
            %gather3A_825 = vector.shape_cast %broadcast_in_dim3A_824 : vector<16x1xi32> to vector<16xi32>
            %gather3A_826 = tpu.dynamic_gather %convert_element_type3A_412[%gather3A_825] in [0] : vector<16xf32>, vector<16xi32> -> vector<16xf32>
            %broadcast_in_dim3A_827 = arith.constant 3 : i32
            %broadcast_in_dim3A_828 = vector.broadcast %broadcast_in_dim3A_827 : i32 to vector<16x1xi32>
            %gather3A_829 = vector.shape_cast %broadcast_in_dim3A_828 : vector<16x1xi32> to vector<16xi32>
            %gather3A_830 = tpu.dynamic_gather %mul3A_417[%gather3A_829] in [0] : vector<16xf32>, vector<16xi32> -> vector<16xf32>
            %broadcast_in_dim3A_831 = arith.constant 3 : i32
            %broadcast_in_dim3A_832 = vector.broadcast %broadcast_in_dim3A_831 : i32 to vector<16x1xi32>
            %gather3A_833 = vector.shape_cast %broadcast_in_dim3A_832 : vector<16x1xi32> to vector<16xi32>
            %gather3A_834 = tpu.dynamic_gather %mul3A_418[%gather3A_833] in [0] : vector<16xf32>, vector<16xi32> -> vector<16xf32>
            %get3A_835 = arith.constant 3 : i32
            %get3A_836 = arith.index_cast %get3A_835 : i32 to index
            %get3A_837 = arith.constant 0 : index
            %get3A_838 = tpu.vector_load %arg11[%get3A_836, %get3A_837] {strides = array<i32>} : memref<16x128xf32, #tpu.memory_space<vmem>>, vector<16xf32>,
            %mul3A_839 = arith.mulf %gather3A_822, %get3A_838 : vector<16xf32>
            %add3A_840 = arith.addf %add3A_728, %mul3A_839 : vector<16xf32>
            %mul3A_841 = arith.mulf %gather3A_826, %get3A_838 : vector<16xf32>
            %add3A_842 = arith.addf %add3A_730, %mul3A_841 : vector<16xf32>
            %mul3A_843 = arith.mulf %gather3A_830, %get3A_838 : vector<16xf32>
            %add3A_844 = arith.addf %add3A_732, %mul3A_843 : vector<16xf32>
            %mul3A_845 = arith.mulf %gather3A_834, %get3A_838 : vector<16xf32>
            %add3A_846 = arith.addf %add3A_734, %mul3A_845 : vector<16xf32>
            %get3A_847 = arith.constant 3 : i32
            %get3A_848 = arith.index_cast %get3A_847 : i32 to index
            %get3A_849 = arith.constant 16 : index
            %get3A_850 = tpu.vector_load %arg11[%get3A_848, %get3A_849] {strides = array<i32>} : memref<16x128xf32, #tpu.memory_space<vmem>>, vector<16xf32>,
            %mul3A_851 = arith.mulf %gather3A_822, %get3A_850 : vector<16xf32>
            %add3A_852 = arith.addf %add3A_740, %mul3A_851 : vector<16xf32>
            %mul3A_853 = arith.mulf %gather3A_826, %get3A_850 : vector<16xf32>
            %add3A_854 = arith.addf %add3A_742, %mul3A_853 : vector<16xf32>
            %mul3A_855 = arith.mulf %gather3A_830, %get3A_850 : vector<16xf32>
            %add3A_856 = arith.addf %add3A_744, %mul3A_855 : vector<16xf32>
            %mul3A_857 = arith.mulf %gather3A_834, %get3A_850 : vector<16xf32>
            %add3A_858 = arith.addf %add3A_746, %mul3A_857 : vector<16xf32>
            %get3A_859 = arith.constant 3 : i32
            %get3A_860 = arith.index_cast %get3A_859 : i32 to index
            %get3A_861 = arith.constant 32 : index
            %get3A_862 = tpu.vector_load %arg11[%get3A_860, %get3A_861] {strides = array<i32>} : memref<16x128xf32, #tpu.memory_space<vmem>>, vector<16xf32>,
            %mul3A_863 = arith.mulf %gather3A_822, %get3A_862 : vector<16xf32>
            %add3A_864 = arith.addf %add3A_752, %mul3A_863 : vector<16xf32>
            %mul3A_865 = arith.mulf %gather3A_826, %get3A_862 : vector<16xf32>
            %add3A_866 = arith.addf %add3A_754, %mul3A_865 : vector<16xf32>
            %mul3A_867 = arith.mulf %gather3A_830, %get3A_862 : vector<16xf32>
            %add3A_868 = arith.addf %add3A_756, %mul3A_867 : vector<16xf32>
            %mul3A_869 = arith.mulf %gather3A_834, %get3A_862 : vector<16xf32>
            %add3A_870 = arith.addf %add3A_758, %mul3A_869 : vector<16xf32>
            %get3A_871 = arith.constant 3 : i32
            %get3A_872 = arith.index_cast %get3A_871 : i32 to index
            %get3A_873 = arith.constant 48 : index
            %get3A_874 = tpu.vector_load %arg11[%get3A_872, %get3A_873] {strides = array<i32>} : memref<16x128xf32, #tpu.memory_space<vmem>>, vector<16xf32>,
            %mul3A_875 = arith.mulf %gather3A_822, %get3A_874 : vector<16xf32>
            %add3A_876 = arith.addf %add3A_764, %mul3A_875 : vector<16xf32>
            %mul3A_877 = arith.mulf %gather3A_826, %get3A_874 : vector<16xf32>
            %add3A_878 = arith.addf %add3A_766, %mul3A_877 : vector<16xf32>
            %mul3A_879 = arith.mulf %gather3A_830, %get3A_874 : vector<16xf32>
            %add3A_880 = arith.addf %add3A_768, %mul3A_879 : vector<16xf32>
            %mul3A_881 = arith.mulf %gather3A_834, %get3A_874 : vector<16xf32>
            %add3A_882 = arith.addf %add3A_770, %mul3A_881 : vector<16xf32>
            %get3A_883 = arith.constant 3 : i32
            %get3A_884 = arith.index_cast %get3A_883 : i32 to index
            %get3A_885 = arith.constant 64 : index
            %get3A_886 = tpu.vector_load %arg11[%get3A_884, %get3A_885] {strides = array<i32>} : memref<16x128xf32, #tpu.memory_space<vmem>>, vector<16xf32>,
            %mul3A_887 = arith.mulf %gather3A_822, %get3A_886 : vector<16xf32>
            %add3A_888 = arith.addf %add3A_776, %mul3A_887 : vector<16xf32>
            %mul3A_889 = arith.mulf %gather3A_826, %get3A_886 : vector<16xf32>
            %add3A_890 = arith.addf %add3A_778, %mul3A_889 : vector<16xf32>
            %mul3A_891 = arith.mulf %gather3A_830, %get3A_886 : vector<16xf32>
            %add3A_892 = arith.addf %add3A_780, %mul3A_891 : vector<16xf32>
            %mul3A_893 = arith.mulf %gather3A_834, %get3A_886 : vector<16xf32>
            %add3A_894 = arith.addf %add3A_782, %mul3A_893 : vector<16xf32>
            %get3A_895 = arith.constant 3 : i32
            %get3A_896 = arith.index_cast %get3A_895 : i32 to index
            %get3A_897 = arith.constant 80 : index
            %get3A_898 = tpu.vector_load %arg11[%get3A_896, %get3A_897] {strides = array<i32>} : memref<16x128xf32, #tpu.memory_space<vmem>>, vector<16xf32>,
            %mul3A_899 = arith.mulf %gather3A_822, %get3A_898 : vector<16xf32>
            %add3A_900 = arith.addf %add3A_788, %mul3A_899 : vector<16xf32>
            %mul3A_901 = arith.mulf %gather3A_826, %get3A_898 : vector<16xf32>
            %add3A_902 = arith.addf %add3A_790, %mul3A_901 : vector<16xf32>
            %mul3A_903 = arith.mulf %gather3A_830, %get3A_898 : vector<16xf32>
            %add3A_904 = arith.addf %add3A_792, %mul3A_903 : vector<16xf32>
            %mul3A_905 = arith.mulf %gather3A_834, %get3A_898 : vector<16xf32>
            %add3A_906 = arith.addf %add3A_794, %mul3A_905 : vector<16xf32>
            %get3A_907 = arith.constant 3 : i32
            %get3A_908 = arith.index_cast %get3A_907 : i32 to index
            %get3A_909 = arith.constant 96 : index
            %get3A_910 = tpu.vector_load %arg11[%get3A_908, %get3A_909] {strides = array<i32>} : memref<16x128xf32, #tpu.memory_space<vmem>>, vector<16xf32>,
            %mul3A_911 = arith.mulf %gather3A_822, %get3A_910 : vector<16xf32>
            %add3A_912 = arith.addf %add3A_800, %mul3A_911 : vector<16xf32>
            %mul3A_913 = arith.mulf %gather3A_826, %get3A_910 : vector<16xf32>
            %add3A_914 = arith.addf %add3A_802, %mul3A_913 : vector<16xf32>
            %mul3A_915 = arith.mulf %gather3A_830, %get3A_910 : vector<16xf32>
            %add3A_916 = arith.addf %add3A_804, %mul3A_915 : vector<16xf32>
            %mul3A_917 = arith.mulf %gather3A_834, %get3A_910 : vector<16xf32>
            %add3A_918 = arith.addf %add3A_806, %mul3A_917 : vector<16xf32>
            %get3A_919 = arith.constant 3 : i32
            %get3A_920 = arith.index_cast %get3A_919 : i32 to index
            %get3A_921 = arith.constant 112 : index
            %get3A_922 = tpu.vector_load %arg11[%get3A_920, %get3A_921] {strides = array<i32>} : memref<16x128xf32, #tpu.memory_space<vmem>>, vector<16xf32>,
            %mul3A_923 = arith.mulf %gather3A_822, %get3A_922 : vector<16xf32>
            %add3A_924 = arith.addf %add3A_812, %mul3A_923 : vector<16xf32>
            %mul3A_925 = arith.mulf %gather3A_826, %get3A_922 : vector<16xf32>
            %add3A_926 = arith.addf %add3A_814, %mul3A_925 : vector<16xf32>
            %mul3A_927 = arith.mulf %gather3A_830, %get3A_922 : vector<16xf32>
            %add3A_928 = arith.addf %add3A_816, %mul3A_927 : vector<16xf32>
            %mul3A_929 = arith.mulf %gather3A_834, %get3A_922 : vector<16xf32>
            %add3A_930 = arith.addf %add3A_818, %mul3A_929 : vector<16xf32>
            %broadcast_in_dim3A_931 = arith.constant 4 : i32
            %broadcast_in_dim3A_932 = vector.broadcast %broadcast_in_dim3A_931 : i32 to vector<16x1xi32>
            %gather3A_933 = vector.shape_cast %broadcast_in_dim3A_932 : vector<16x1xi32> to vector<16xi32>
            %gather3A_934 = tpu.dynamic_gather %convert_element_type3A_409[%gather3A_933] in [0] : vector<16xf32>, vector<16xi32> -> vector<16xf32>
            %broadcast_in_dim3A_935 = arith.constant 4 : i32
            %broadcast_in_dim3A_936 = vector.broadcast %broadcast_in_dim3A_935 : i32 to vector<16x1xi32>
            %gather3A_937 = vector.shape_cast %broadcast_in_dim3A_936 : vector<16x1xi32> to vector<16xi32>
            %gather3A_938 = tpu.dynamic_gather %convert_element_type3A_412[%gather3A_937] in [0] : vector<16xf32>, vector<16xi32> -> vector<16xf32>
            %broadcast_in_dim3A_939 = arith.constant 4 : i32
            %broadcast_in_dim3A_940 = vector.broadcast %broadcast_in_dim3A_939 : i32 to vector<16x1xi32>
            %gather3A_941 = vector.shape_cast %broadcast_in_dim3A_940 : vector<16x1xi32> to vector<16xi32>
            %gather3A_942 = tpu.dynamic_gather %mul3A_417[%gather3A_941] in [0] : vector<16xf32>, vector<16xi32> -> vector<16xf32>
            %broadcast_in_dim3A_943 = arith.constant 4 : i32
            %broadcast_in_dim3A_944 = vector.broadcast %broadcast_in_dim3A_943 : i32 to vector<16x1xi32>
            %gather3A_945 = vector.shape_cast %broadcast_in_dim3A_944 : vector<16x1xi32> to vector<16xi32>
            %gather3A_946 = tpu.dynamic_gather %mul3A_418[%gather3A_945] in [0] : vector<16xf32>, vector<16xi32> -> vector<16xf32>
            %get3A_947 = arith.constant 4 : i32
            %get3A_948 = arith.index_cast %get3A_947 : i32 to index
            %get3A_949 = arith.constant 0 : index
            %get3A_950 = tpu.vector_load %arg11[%get3A_948, %get3A_949] {strides = array<i32>} : memref<16x128xf32, #tpu.memory_space<vmem>>, vector<16xf32>,
            %mul3A_951 = arith.mulf %gather3A_934, %get3A_950 : vector<16xf32>
            %add3A_952 = arith.addf %add3A_840, %mul3A_951 : vector<16xf32>
            %mul3A_953 = arith.mulf %gather3A_938, %get3A_950 : vector<16xf32>
            %add3A_954 = arith.addf %add3A_842, %mul3A_953 : vector<16xf32>
            %mul3A_955 = arith.mulf %gather3A_942, %get3A_950 : vector<16xf32>
            %add3A_956 = arith.addf %add3A_844, %mul3A_955 : vector<16xf32>
            %mul3A_957 = arith.mulf %gather3A_946, %get3A_950 : vector<16xf32>
            %add3A_958 = arith.addf %add3A_846, %mul3A_957 : vector<16xf32>
            %get3A_959 = arith.constant 4 : i32
            %get3A_960 = arith.index_cast %get3A_959 : i32 to index
            %get3A_961 = arith.constant 16 : index
            %get3A_962 = tpu.vector_load %arg11[%get3A_960, %get3A_961] {strides = array<i32>} : memref<16x128xf32, #tpu.memory_space<vmem>>, vector<16xf32>,
            %mul3A_963 = arith.mulf %gather3A_934, %get3A_962 : vector<16xf32>
            %add3A_964 = arith.addf %add3A_852, %mul3A_963 : vector<16xf32>
            %mul3A_965 = arith.mulf %gather3A_938, %get3A_962 : vector<16xf32>
            %add3A_966 = arith.addf %add3A_854, %mul3A_965 : vector<16xf32>
            %mul3A_967 = arith.mulf %gather3A_942, %get3A_962 : vector<16xf32>
            %add3A_968 = arith.addf %add3A_856, %mul3A_967 : vector<16xf32>
            %mul3A_969 = arith.mulf %gather3A_946, %get3A_962 : vector<16xf32>
            %add3A_970 = arith.addf %add3A_858, %mul3A_969 : vector<16xf32>
            %get3A_971 = arith.constant 4 : i32
            %get3A_972 = arith.index_cast %get3A_971 : i32 to index
            %get3A_973 = arith.constant 32 : index
            %get3A_974 = tpu.vector_load %arg11[%get3A_972, %get3A_973] {strides = array<i32>} : memref<16x128xf32, #tpu.memory_space<vmem>>, vector<16xf32>,
            %mul3A_975 = arith.mulf %gather3A_934, %get3A_974 : vector<16xf32>
            %add3A_976 = arith.addf %add3A_864, %mul3A_975 : vector<16xf32>
            %mul3A_977 = arith.mulf %gather3A_938, %get3A_974 : vector<16xf32>
            %add3A_978 = arith.addf %add3A_866, %mul3A_977 : vector<16xf32>
            %mul3A_979 = arith.mulf %gather3A_942, %get3A_974 : vector<16xf32>
            %add3A_980 = arith.addf %add3A_868, %mul3A_979 : vector<16xf32>
            %mul3A_981 = arith.mulf %gather3A_946, %get3A_974 : vector<16xf32>
            %add3A_982 = arith.addf %add3A_870, %mul3A_981 : vector<16xf32>
            %get3A_983 = arith.constant 4 : i32
            %get3A_984 = arith.index_cast %get3A_983 : i32 to index
            %get3A_985 = arith.constant 48 : index
            %get3A_986 = tpu.vector_load %arg11[%get3A_984, %get3A_985] {strides = array<i32>} : memref<16x128xf32, #tpu.memory_space<vmem>>, vector<16xf32>,
            %mul3A_987 = arith.mulf %gather3A_934, %get3A_986 : vector<16xf32>
            %add3A_988 = arith.addf %add3A_876, %mul3A_987 : vector<16xf32>
            %mul3A_989 = arith.mulf %gather3A_938, %get3A_986 : vector<16xf32>
            %add3A_990 = arith.addf %add3A_878, %mul3A_989 : vector<16xf32>
            %mul3A_991 = arith.mulf %gather3A_942, %get3A_986 : vector<16xf32>
            %add3A_992 = arith.addf %add3A_880, %mul3A_991 : vector<16xf32>
            %mul3A_993 = arith.mulf %gather3A_946, %get3A_986 : vector<16xf32>
            %add3A_994 = arith.addf %add3A_882, %mul3A_993 : vector<16xf32>
            %get3A_995 = arith.constant 4 : i32
            %get3A_996 = arith.index_cast %get3A_995 : i32 to index
            %get3A_997 = arith.constant 64 : index
            %get3A_998 = tpu.vector_load %arg11[%get3A_996, %get3A_997] {strides = array<i32>} : memref<16x128xf32, #tpu.memory_space<vmem>>, vector<16xf32>,
            %mul3A_999 = arith.mulf %gather3A_934, %get3A_998 : vector<16xf32>
            %add3A_1000 = arith.addf %add3A_888, %mul3A_999 : vector<16xf32>
            %mul3A_1001 = arith.mulf %gather3A_938, %get3A_998 : vector<16xf32>
            %add3A_1002 = arith.addf %add3A_890, %mul3A_1001 : vector<16xf32>
            %mul3A_1003 = arith.mulf %gather3A_942, %get3A_998 : vector<16xf32>
            %add3A_1004 = arith.addf %add3A_892, %mul3A_1003 : vector<16xf32>
            %mul3A_1005 = arith.mulf %gather3A_946, %get3A_998 : vector<16xf32>
            %add3A_1006 = arith.addf %add3A_894, %mul3A_1005 : vector<16xf32>
            %get3A_1007 = arith.constant 4 : i32
            %get3A_1008 = arith.index_cast %get3A_1007 : i32 to index
            %get3A_1009 = arith.constant 80 : index
            %get3A_1010 = tpu.vector_load %arg11[%get3A_1008, %get3A_1009] {strides = array<i32>} : memref<16x128xf32, #tpu.memory_space<vmem>>, vector<16xf32>,
            %mul3A_1011 = arith.mulf %gather3A_934, %get3A_1010 : vector<16xf32>
            %add3A_1012 = arith.addf %add3A_900, %mul3A_1011 : vector<16xf32>
            %mul3A_1013 = arith.mulf %gather3A_938, %get3A_1010 : vector<16xf32>
            %add3A_1014 = arith.addf %add3A_902, %mul3A_1013 : vector<16xf32>
            %mul3A_1015 = arith.mulf %gather3A_942, %get3A_1010 : vector<16xf32>
            %add3A_1016 = arith.addf %add3A_904, %mul3A_1015 : vector<16xf32>
            %mul3A_1017 = arith.mulf %gather3A_946, %get3A_1010 : vector<16xf32>
            %add3A_1018 = arith.addf %add3A_906, %mul3A_1017 : vector<16xf32>
            %get3A_1019 = arith.constant 4 : i32
            %get3A_1020 = arith.index_cast %get3A_1019 : i32 to index
            %get3A_1021 = arith.constant 96 : index
            %get3A_1022 = tpu.vector_load %arg11[%get3A_1020, %get3A_1021] {strides = array<i32>} : memref<16x128xf32, #tpu.memory_space<vmem>>, vector<16xf32>,
            %mul3A_1023 = arith.mulf %gather3A_934, %get3A_1022 : vector<16xf32>
            %add3A_1024 = arith.addf %add3A_912, %mul3A_1023 : vector<16xf32>
            %mul3A_1025 = arith.mulf %gather3A_938, %get3A_1022 : vector<16xf32>
            %add3A_1026 = arith.addf %add3A_914, %mul3A_1025 : vector<16xf32>
            %mul3A_1027 = arith.mulf %gather3A_942, %get3A_1022 : vector<16xf32>
            %add3A_1028 = arith.addf %add3A_916, %mul3A_1027 : vector<16xf32>
            %mul3A_1029 = arith.mulf %gather3A_946, %get3A_1022 : vector<16xf32>
            %add3A_1030 = arith.addf %add3A_918, %mul3A_1029 : vector<16xf32>
            %get3A_1031 = arith.constant 4 : i32
            %get3A_1032 = arith.index_cast %get3A_1031 : i32 to index
            %get3A_1033 = arith.constant 112 : index
            %get3A_1034 = tpu.vector_load %arg11[%get3A_1032, %get3A_1033] {strides = array<i32>} : memref<16x128xf32, #tpu.memory_space<vmem>>, vector<16xf32>,
            %mul3A_1035 = arith.mulf %gather3A_934, %get3A_1034 : vector<16xf32>
            %add3A_1036 = arith.addf %add3A_924, %mul3A_1035 : vector<16xf32>
            %mul3A_1037 = arith.mulf %gather3A_938, %get3A_1034 : vector<16xf32>
            %add3A_1038 = arith.addf %add3A_926, %mul3A_1037 : vector<16xf32>
            %mul3A_1039 = arith.mulf %gather3A_942, %get3A_1034 : vector<16xf32>
            %add3A_1040 = arith.addf %add3A_928, %mul3A_1039 : vector<16xf32>
            %mul3A_1041 = arith.mulf %gather3A_946, %get3A_1034 : vector<16xf32>
            %add3A_1042 = arith.addf %add3A_930, %mul3A_1041 : vector<16xf32>
            %broadcast_in_dim3A_1043 = arith.constant 5 : i32
            %broadcast_in_dim3A_1044 = vector.broadcast %broadcast_in_dim3A_1043 : i32 to vector<16x1xi32>
            %gather3A_1045 = vector.shape_cast %broadcast_in_dim3A_1044 : vector<16x1xi32> to vector<16xi32>
            %gather3A_1046 = tpu.dynamic_gather %convert_element_type3A_409[%gather3A_1045] in [0] : vector<16xf32>, vector<16xi32> -> vector<16xf32>
            %broadcast_in_dim3A_1047 = arith.constant 5 : i32
            %broadcast_in_dim3A_1048 = vector.broadcast %broadcast_in_dim3A_1047 : i32 to vector<16x1xi32>
            %gather3A_1049 = vector.shape_cast %broadcast_in_dim3A_1048 : vector<16x1xi32> to vector<16xi32>
            %gather3A_1050 = tpu.dynamic_gather %convert_element_type3A_412[%gather3A_1049] in [0] : vector<16xf32>, vector<16xi32> -> vector<16xf32>
            %broadcast_in_dim3A_1051 = arith.constant 5 : i32
            %broadcast_in_dim3A_1052 = vector.broadcast %broadcast_in_dim3A_1051 : i32 to vector<16x1xi32>
            %gather3A_1053 = vector.shape_cast %broadcast_in_dim3A_1052 : vector<16x1xi32> to vector<16xi32>
            %gather3A_1054 = tpu.dynamic_gather %mul3A_417[%gather3A_1053] in [0] : vector<16xf32>, vector<16xi32> -> vector<16xf32>
            %broadcast_in_dim3A_1055 = arith.constant 5 : i32
            %broadcast_in_dim3A_1056 = vector.broadcast %broadcast_in_dim3A_1055 : i32 to vector<16x1xi32>
            %gather3A_1057 = vector.shape_cast %broadcast_in_dim3A_1056 : vector<16x1xi32> to vector<16xi32>
            %gather3A_1058 = tpu.dynamic_gather %mul3A_418[%gather3A_1057] in [0] : vector<16xf32>, vector<16xi32> -> vector<16xf32>
            %get3A_1059 = arith.constant 5 : i32
            %get3A_1060 = arith.index_cast %get3A_1059 : i32 to index
            %get3A_1061 = arith.constant 0 : index
            %get3A_1062 = tpu.vector_load %arg11[%get3A_1060, %get3A_1061] {strides = array<i32>} : memref<16x128xf32, #tpu.memory_space<vmem>>, vector<16xf32>,
            %mul3A_1063 = arith.mulf %gather3A_1046, %get3A_1062 : vector<16xf32>
            %add3A_1064 = arith.addf %add3A_952, %mul3A_1063 : vector<16xf32>
            %mul3A_1065 = arith.mulf %gather3A_1050, %get3A_1062 : vector<16xf32>
            %add3A_1066 = arith.addf %add3A_954, %mul3A_1065 : vector<16xf32>
            %mul3A_1067 = arith.mulf %gather3A_1054, %get3A_1062 : vector<16xf32>
            %add3A_1068 = arith.addf %add3A_956, %mul3A_1067 : vector<16xf32>
            %mul3A_1069 = arith.mulf %gather3A_1058, %get3A_1062 : vector<16xf32>
            %add3A_1070 = arith.addf %add3A_958, %mul3A_1069 : vector<16xf32>
            %get3A_1071 = arith.constant 5 : i32
            %get3A_1072 = arith.index_cast %get3A_1071 : i32 to index
            %get3A_1073 = arith.constant 16 : index
            %get3A_1074 = tpu.vector_load %arg11[%get3A_1072, %get3A_1073] {strides = array<i32>} : memref<16x128xf32, #tpu.memory_space<vmem>>, vector<16xf32>,
            %mul3A_1075 = arith.mulf %gather3A_1046, %get3A_1074 : vector<16xf32>
            %add3A_1076 = arith.addf %add3A_964, %mul3A_1075 : vector<16xf32>
            %mul3A_1077 = arith.mulf %gather3A_1050, %get3A_1074 : vector<16xf32>
            %add3A_1078 = arith.addf %add3A_966, %mul3A_1077 : vector<16xf32>
            %mul3A_1079 = arith.mulf %gather3A_1054, %get3A_1074 : vector<16xf32>
            %add3A_1080 = arith.addf %add3A_968, %mul3A_1079 : vector<16xf32>
            %mul3A_1081 = arith.mulf %gather3A_1058, %get3A_1074 : vector<16xf32>
            %add3A_1082 = arith.addf %add3A_970, %mul3A_1081 : vector<16xf32>
            %get3A_1083 = arith.constant 5 : i32
            %get3A_1084 = arith.index_cast %get3A_1083 : i32 to index
            %get3A_1085 = arith.constant 32 : index
            %get3A_1086 = tpu.vector_load %arg11[%get3A_1084, %get3A_1085] {strides = array<i32>} : memref<16x128xf32, #tpu.memory_space<vmem>>, vector<16xf32>,
            %mul3A_1087 = arith.mulf %gather3A_1046, %get3A_1086 : vector<16xf32>
            %add3A_1088 = arith.addf %add3A_976, %mul3A_1087 : vector<16xf32>
            %mul3A_1089 = arith.mulf %gather3A_1050, %get3A_1086 : vector<16xf32>
            %add3A_1090 = arith.addf %add3A_978, %mul3A_1089 : vector<16xf32>
            %mul3A_1091 = arith.mulf %gather3A_1054, %get3A_1086 : vector<16xf32>
            %add3A_1092 = arith.addf %add3A_980, %mul3A_1091 : vector<16xf32>
            %mul3A_1093 = arith.mulf %gather3A_1058, %get3A_1086 : vector<16xf32>
            %add3A_1094 = arith.addf %add3A_982, %mul3A_1093 : vector<16xf32>
            %get3A_1095 = arith.constant 5 : i32
            %get3A_1096 = arith.index_cast %get3A_1095 : i32 to index
            %get3A_1097 = arith.constant 48 : index
            %get3A_1098 = tpu.vector_load %arg11[%get3A_1096, %get3A_1097] {strides = array<i32>} : memref<16x128xf32, #tpu.memory_space<vmem>>, vector<16xf32>,
            %mul3A_1099 = arith.mulf %gather3A_1046, %get3A_1098 : vector<16xf32>
            %add3A_1100 = arith.addf %add3A_988, %mul3A_1099 : vector<16xf32>
            %mul3A_1101 = arith.mulf %gather3A_1050, %get3A_1098 : vector<16xf32>
            %add3A_1102 = arith.addf %add3A_990, %mul3A_1101 : vector<16xf32>
            %mul3A_1103 = arith.mulf %gather3A_1054, %get3A_1098 : vector<16xf32>
            %add3A_1104 = arith.addf %add3A_992, %mul3A_1103 : vector<16xf32>
            %mul3A_1105 = arith.mulf %gather3A_1058, %get3A_1098 : vector<16xf32>
            %add3A_1106 = arith.addf %add3A_994, %mul3A_1105 : vector<16xf32>
            %get3A_1107 = arith.constant 5 : i32
            %get3A_1108 = arith.index_cast %get3A_1107 : i32 to index
            %get3A_1109 = arith.constant 64 : index
            %get3A_1110 = tpu.vector_load %arg11[%get3A_1108, %get3A_1109] {strides = array<i32>} : memref<16x128xf32, #tpu.memory_space<vmem>>, vector<16xf32>,
            %mul3A_1111 = arith.mulf %gather3A_1046, %get3A_1110 : vector<16xf32>
            %add3A_1112 = arith.addf %add3A_1000, %mul3A_1111 : vector<16xf32>
            %mul3A_1113 = arith.mulf %gather3A_1050, %get3A_1110 : vector<16xf32>
            %add3A_1114 = arith.addf %add3A_1002, %mul3A_1113 : vector<16xf32>
            %mul3A_1115 = arith.mulf %gather3A_1054, %get3A_1110 : vector<16xf32>
            %add3A_1116 = arith.addf %add3A_1004, %mul3A_1115 : vector<16xf32>
            %mul3A_1117 = arith.mulf %gather3A_1058, %get3A_1110 : vector<16xf32>
            %add3A_1118 = arith.addf %add3A_1006, %mul3A_1117 : vector<16xf32>
            %get3A_1119 = arith.constant 5 : i32
            %get3A_1120 = arith.index_cast %get3A_1119 : i32 to index
            %get3A_1121 = arith.constant 80 : index
            %get3A_1122 = tpu.vector_load %arg11[%get3A_1120, %get3A_1121] {strides = array<i32>} : memref<16x128xf32, #tpu.memory_space<vmem>>, vector<16xf32>,
            %mul3A_1123 = arith.mulf %gather3A_1046, %get3A_1122 : vector<16xf32>
            %add3A_1124 = arith.addf %add3A_1012, %mul3A_1123 : vector<16xf32>
            %mul3A_1125 = arith.mulf %gather3A_1050, %get3A_1122 : vector<16xf32>
            %add3A_1126 = arith.addf %add3A_1014, %mul3A_1125 : vector<16xf32>
            %mul3A_1127 = arith.mulf %gather3A_1054, %get3A_1122 : vector<16xf32>
            %add3A_1128 = arith.addf %add3A_1016, %mul3A_1127 : vector<16xf32>
            %mul3A_1129 = arith.mulf %gather3A_1058, %get3A_1122 : vector<16xf32>
            %add3A_1130 = arith.addf %add3A_1018, %mul3A_1129 : vector<16xf32>
            %get3A_1131 = arith.constant 5 : i32
            %get3A_1132 = arith.index_cast %get3A_1131 : i32 to index
            %get3A_1133 = arith.constant 96 : index
            %get3A_1134 = tpu.vector_load %arg11[%get3A_1132, %get3A_1133] {strides = array<i32>} : memref<16x128xf32, #tpu.memory_space<vmem>>, vector<16xf32>,
            %mul3A_1135 = arith.mulf %gather3A_1046, %get3A_1134 : vector<16xf32>
            %add3A_1136 = arith.addf %add3A_1024, %mul3A_1135 : vector<16xf32>
            %mul3A_1137 = arith.mulf %gather3A_1050, %get3A_1134 : vector<16xf32>
            %add3A_1138 = arith.addf %add3A_1026, %mul3A_1137 : vector<16xf32>
            %mul3A_1139 = arith.mulf %gather3A_1054, %get3A_1134 : vector<16xf32>
            %add3A_1140 = arith.addf %add3A_1028, %mul3A_1139 : vector<16xf32>
            %mul3A_1141 = arith.mulf %gather3A_1058, %get3A_1134 : vector<16xf32>
            %add3A_1142 = arith.addf %add3A_1030, %mul3A_1141 : vector<16xf32>
            %get3A_1143 = arith.constant 5 : i32
            %get3A_1144 = arith.index_cast %get3A_1143 : i32 to index
            %get3A_1145 = arith.constant 112 : index
            %get3A_1146 = tpu.vector_load %arg11[%get3A_1144, %get3A_1145] {strides = array<i32>} : memref<16x128xf32, #tpu.memory_space<vmem>>, vector<16xf32>,
            %mul3A_1147 = arith.mulf %gather3A_1046, %get3A_1146 : vector<16xf32>
            %add3A_1148 = arith.addf %add3A_1036, %mul3A_1147 : vector<16xf32>
            %mul3A_1149 = arith.mulf %gather3A_1050, %get3A_1146 : vector<16xf32>
            %add3A_1150 = arith.addf %add3A_1038, %mul3A_1149 : vector<16xf32>
            %mul3A_1151 = arith.mulf %gather3A_1054, %get3A_1146 : vector<16xf32>
            %add3A_1152 = arith.addf %add3A_1040, %mul3A_1151 : vector<16xf32>
            %mul3A_1153 = arith.mulf %gather3A_1058, %get3A_1146 : vector<16xf32>
            %add3A_1154 = arith.addf %add3A_1042, %mul3A_1153 : vector<16xf32>
            %broadcast_in_dim3A_1155 = arith.constant 6 : i32
            %broadcast_in_dim3A_1156 = vector.broadcast %broadcast_in_dim3A_1155 : i32 to vector<16x1xi32>
            %gather3A_1157 = vector.shape_cast %broadcast_in_dim3A_1156 : vector<16x1xi32> to vector<16xi32>
            %gather3A_1158 = tpu.dynamic_gather %convert_element_type3A_409[%gather3A_1157] in [0] : vector<16xf32>, vector<16xi32> -> vector<16xf32>
            %broadcast_in_dim3A_1159 = arith.constant 6 : i32
            %broadcast_in_dim3A_1160 = vector.broadcast %broadcast_in_dim3A_1159 : i32 to vector<16x1xi32>
            %gather3A_1161 = vector.shape_cast %broadcast_in_dim3A_1160 : vector<16x1xi32> to vector<16xi32>
            %gather3A_1162 = tpu.dynamic_gather %convert_element_type3A_412[%gather3A_1161] in [0] : vector<16xf32>, vector<16xi32> -> vector<16xf32>
            %broadcast_in_dim3A_1163 = arith.constant 6 : i32
            %broadcast_in_dim3A_1164 = vector.broadcast %broadcast_in_dim3A_1163 : i32 to vector<16x1xi32>
            %gather3A_1165 = vector.shape_cast %broadcast_in_dim3A_1164 : vector<16x1xi32> to vector<16xi32>
            %gather3A_1166 = tpu.dynamic_gather %mul3A_417[%gather3A_1165] in [0] : vector<16xf32>, vector<16xi32> -> vector<16xf32>
            %broadcast_in_dim3A_1167 = arith.constant 6 : i32
            %broadcast_in_dim3A_1168 = vector.broadcast %broadcast_in_dim3A_1167 : i32 to vector<16x1xi32>
            %gather3A_1169 = vector.shape_cast %broadcast_in_dim3A_1168 : vector<16x1xi32> to vector<16xi32>
            %gather3A_1170 = tpu.dynamic_gather %mul3A_418[%gather3A_1169] in [0] : vector<16xf32>, vector<16xi32> -> vector<16xf32>
            %get3A_1171 = arith.constant 6 : i32
            %get3A_1172 = arith.index_cast %get3A_1171 : i32 to index
            %get3A_1173 = arith.constant 0 : index
            %get3A_1174 = tpu.vector_load %arg11[%get3A_1172, %get3A_1173] {strides = array<i32>} : memref<16x128xf32, #tpu.memory_space<vmem>>, vector<16xf32>,
            %mul3A_1175 = arith.mulf %gather3A_1158, %get3A_1174 : vector<16xf32>
            %add3A_1176 = arith.addf %add3A_1064, %mul3A_1175 : vector<16xf32>
            %mul3A_1177 = arith.mulf %gather3A_1162, %get3A_1174 : vector<16xf32>
            %add3A_1178 = arith.addf %add3A_1066, %mul3A_1177 : vector<16xf32>
            %mul3A_1179 = arith.mulf %gather3A_1166, %get3A_1174 : vector<16xf32>
            %add3A_1180 = arith.addf %add3A_1068, %mul3A_1179 : vector<16xf32>
            %mul3A_1181 = arith.mulf %gather3A_1170, %get3A_1174 : vector<16xf32>
            %add3A_1182 = arith.addf %add3A_1070, %mul3A_1181 : vector<16xf32>
            %get3A_1183 = arith.constant 6 : i32
            %get3A_1184 = arith.index_cast %get3A_1183 : i32 to index
            %get3A_1185 = arith.constant 16 : index
            %get3A_1186 = tpu.vector_load %arg11[%get3A_1184, %get3A_1185] {strides = array<i32>} : memref<16x128xf32, #tpu.memory_space<vmem>>, vector<16xf32>,
            %mul3A_1187 = arith.mulf %gather3A_1158, %get3A_1186 : vector<16xf32>
            %add3A_1188 = arith.addf %add3A_1076, %mul3A_1187 : vector<16xf32>
            %mul3A_1189 = arith.mulf %gather3A_1162, %get3A_1186 : vector<16xf32>
            %add3A_1190 = arith.addf %add3A_1078, %mul3A_1189 : vector<16xf32>
            %mul3A_1191 = arith.mulf %gather3A_1166, %get3A_1186 : vector<16xf32>
            %add3A_1192 = arith.addf %add3A_1080, %mul3A_1191 : vector<16xf32>
            %mul3A_1193 = arith.mulf %gather3A_1170, %get3A_1186 : vector<16xf32>
            %add3A_1194 = arith.addf %add3A_1082, %mul3A_1193 : vector<16xf32>
            %get3A_1195 = arith.constant 6 : i32
            %get3A_1196 = arith.index_cast %get3A_1195 : i32 to index
            %get3A_1197 = arith.constant 32 : index
            %get3A_1198 = tpu.vector_load %arg11[%get3A_1196, %get3A_1197] {strides = array<i32>} : memref<16x128xf32, #tpu.memory_space<vmem>>, vector<16xf32>,
            %mul3A_1199 = arith.mulf %gather3A_1158, %get3A_1198 : vector<16xf32>
            %add3A_1200 = arith.addf %add3A_1088, %mul3A_1199 : vector<16xf32>
            %mul3A_1201 = arith.mulf %gather3A_1162, %get3A_1198 : vector<16xf32>
            %add3A_1202 = arith.addf %add3A_1090, %mul3A_1201 : vector<16xf32>
            %mul3A_1203 = arith.mulf %gather3A_1166, %get3A_1198 : vector<16xf32>
            %add3A_1204 = arith.addf %add3A_1092, %mul3A_1203 : vector<16xf32>
            %mul3A_1205 = arith.mulf %gather3A_1170, %get3A_1198 : vector<16xf32>
            %add3A_1206 = arith.addf %add3A_1094, %mul3A_1205 : vector<16xf32>
            %get3A_1207 = arith.constant 6 : i32
            %get3A_1208 = arith.index_cast %get3A_1207 : i32 to index
            %get3A_1209 = arith.constant 48 : index
            %get3A_1210 = tpu.vector_load %arg11[%get3A_1208, %get3A_1209] {strides = array<i32>} : memref<16x128xf32, #tpu.memory_space<vmem>>, vector<16xf32>,
            %mul3A_1211 = arith.mulf %gather3A_1158, %get3A_1210 : vector<16xf32>
            %add3A_1212 = arith.addf %add3A_1100, %mul3A_1211 : vector<16xf32>
            %mul3A_1213 = arith.mulf %gather3A_1162, %get3A_1210 : vector<16xf32>
            %add3A_1214 = arith.addf %add3A_1102, %mul3A_1213 : vector<16xf32>
            %mul3A_1215 = arith.mulf %gather3A_1166, %get3A_1210 : vector<16xf32>
            %add3A_1216 = arith.addf %add3A_1104, %mul3A_1215 : vector<16xf32>
            %mul3A_1217 = arith.mulf %gather3A_1170, %get3A_1210 : vector<16xf32>
            %add3A_1218 = arith.addf %add3A_1106, %mul3A_1217 : vector<16xf32>
            %get3A_1219 = arith.constant 6 : i32
            %get3A_1220 = arith.index_cast %get3A_1219 : i32 to index
            %get3A_1221 = arith.constant 64 : index
            %get3A_1222 = tpu.vector_load %arg11[%get3A_1220, %get3A_1221] {strides = array<i32>} : memref<16x128xf32, #tpu.memory_space<vmem>>, vector<16xf32>,
            %mul3A_1223 = arith.mulf %gather3A_1158, %get3A_1222 : vector<16xf32>
            %add3A_1224 = arith.addf %add3A_1112, %mul3A_1223 : vector<16xf32>
            %mul3A_1225 = arith.mulf %gather3A_1162, %get3A_1222 : vector<16xf32>
            %add3A_1226 = arith.addf %add3A_1114, %mul3A_1225 : vector<16xf32>
            %mul3A_1227 = arith.mulf %gather3A_1166, %get3A_1222 : vector<16xf32>
            %add3A_1228 = arith.addf %add3A_1116, %mul3A_1227 : vector<16xf32>
            %mul3A_1229 = arith.mulf %gather3A_1170, %get3A_1222 : vector<16xf32>
            %add3A_1230 = arith.addf %add3A_1118, %mul3A_1229 : vector<16xf32>
            %get3A_1231 = arith.constant 6 : i32
            %get3A_1232 = arith.index_cast %get3A_1231 : i32 to index
            %get3A_1233 = arith.constant 80 : index
            %get3A_1234 = tpu.vector_load %arg11[%get3A_1232, %get3A_1233] {strides = array<i32>} : memref<16x128xf32, #tpu.memory_space<vmem>>, vector<16xf32>,
            %mul3A_1235 = arith.mulf %gather3A_1158, %get3A_1234 : vector<16xf32>
            %add3A_1236 = arith.addf %add3A_1124, %mul3A_1235 : vector<16xf32>
            %mul3A_1237 = arith.mulf %gather3A_1162, %get3A_1234 : vector<16xf32>
            %add3A_1238 = arith.addf %add3A_1126, %mul3A_1237 : vector<16xf32>
            %mul3A_1239 = arith.mulf %gather3A_1166, %get3A_1234 : vector<16xf32>
            %add3A_1240 = arith.addf %add3A_1128, %mul3A_1239 : vector<16xf32>
            %mul3A_1241 = arith.mulf %gather3A_1170, %get3A_1234 : vector<16xf32>
            %add3A_1242 = arith.addf %add3A_1130, %mul3A_1241 : vector<16xf32>
            %get3A_1243 = arith.constant 6 : i32
            %get3A_1244 = arith.index_cast %get3A_1243 : i32 to index
            %get3A_1245 = arith.constant 96 : index
            %get3A_1246 = tpu.vector_load %arg11[%get3A_1244, %get3A_1245] {strides = array<i32>} : memref<16x128xf32, #tpu.memory_space<vmem>>, vector<16xf32>,
            %mul3A_1247 = arith.mulf %gather3A_1158, %get3A_1246 : vector<16xf32>
            %add3A_1248 = arith.addf %add3A_1136, %mul3A_1247 : vector<16xf32>
            %mul3A_1249 = arith.mulf %gather3A_1162, %get3A_1246 : vector<16xf32>
            %add3A_1250 = arith.addf %add3A_1138, %mul3A_1249 : vector<16xf32>
            %mul3A_1251 = arith.mulf %gather3A_1166, %get3A_1246 : vector<16xf32>
            %add3A_1252 = arith.addf %add3A_1140, %mul3A_1251 : vector<16xf32>
            %mul3A_1253 = arith.mulf %gather3A_1170, %get3A_1246 : vector<16xf32>
            %add3A_1254 = arith.addf %add3A_1142, %mul3A_1253 : vector<16xf32>
            %get3A_1255 = arith.constant 6 : i32
            %get3A_1256 = arith.index_cast %get3A_1255 : i32 to index
            %get3A_1257 = arith.constant 112 : index
            %get3A_1258 = tpu.vector_load %arg11[%get3A_1256, %get3A_1257] {strides = array<i32>} : memref<16x128xf32, #tpu.memory_space<vmem>>, vector<16xf32>,
            %mul3A_1259 = arith.mulf %gather3A_1158, %get3A_1258 : vector<16xf32>
            %add3A_1260 = arith.addf %add3A_1148, %mul3A_1259 : vector<16xf32>
            %mul3A_1261 = arith.mulf %gather3A_1162, %get3A_1258 : vector<16xf32>
            %add3A_1262 = arith.addf %add3A_1150, %mul3A_1261 : vector<16xf32>
            %mul3A_1263 = arith.mulf %gather3A_1166, %get3A_1258 : vector<16xf32>
            %add3A_1264 = arith.addf %add3A_1152, %mul3A_1263 : vector<16xf32>
            %mul3A_1265 = arith.mulf %gather3A_1170, %get3A_1258 : vector<16xf32>
            %add3A_1266 = arith.addf %add3A_1154, %mul3A_1265 : vector<16xf32>
            %broadcast_in_dim3A_1267 = arith.constant 7 : i32
            %broadcast_in_dim3A_1268 = vector.broadcast %broadcast_in_dim3A_1267 : i32 to vector<16x1xi32>
            %gather3A_1269 = vector.shape_cast %broadcast_in_dim3A_1268 : vector<16x1xi32> to vector<16xi32>
            %gather3A_1270 = tpu.dynamic_gather %convert_element_type3A_409[%gather3A_1269] in [0] : vector<16xf32>, vector<16xi32> -> vector<16xf32>
            %broadcast_in_dim3A_1271 = arith.constant 7 : i32
            %broadcast_in_dim3A_1272 = vector.broadcast %broadcast_in_dim3A_1271 : i32 to vector<16x1xi32>
            %gather3A_1273 = vector.shape_cast %broadcast_in_dim3A_1272 : vector<16x1xi32> to vector<16xi32>
            %gather3A_1274 = tpu.dynamic_gather %convert_element_type3A_412[%gather3A_1273] in [0] : vector<16xf32>, vector<16xi32> -> vector<16xf32>
            %broadcast_in_dim3A_1275 = arith.constant 7 : i32
            %broadcast_in_dim3A_1276 = vector.broadcast %broadcast_in_dim3A_1275 : i32 to vector<16x1xi32>
            %gather3A_1277 = vector.shape_cast %broadcast_in_dim3A_1276 : vector<16x1xi32> to vector<16xi32>
            %gather3A_1278 = tpu.dynamic_gather %mul3A_417[%gather3A_1277] in [0] : vector<16xf32>, vector<16xi32> -> vector<16xf32>
            %broadcast_in_dim3A_1279 = arith.constant 7 : i32
            %broadcast_in_dim3A_1280 = vector.broadcast %broadcast_in_dim3A_1279 : i32 to vector<16x1xi32>
            %gather3A_1281 = vector.shape_cast %broadcast_in_dim3A_1280 : vector<16x1xi32> to vector<16xi32>
            %gather3A_1282 = tpu.dynamic_gather %mul3A_418[%gather3A_1281] in [0] : vector<16xf32>, vector<16xi32> -> vector<16xf32>
            %get3A_1283 = arith.constant 7 : i32
            %get3A_1284 = arith.index_cast %get3A_1283 : i32 to index
            %get3A_1285 = arith.constant 0 : index
            %get3A_1286 = tpu.vector_load %arg11[%get3A_1284, %get3A_1285] {strides = array<i32>} : memref<16x128xf32, #tpu.memory_space<vmem>>, vector<16xf32>,
            %mul3A_1287 = arith.mulf %gather3A_1270, %get3A_1286 : vector<16xf32>
            %add3A_1288 = arith.addf %add3A_1176, %mul3A_1287 : vector<16xf32>
            %mul3A_1289 = arith.mulf %gather3A_1274, %get3A_1286 : vector<16xf32>
            %add3A_1290 = arith.addf %add3A_1178, %mul3A_1289 : vector<16xf32>
            %mul3A_1291 = arith.mulf %gather3A_1278, %get3A_1286 : vector<16xf32>
            %add3A_1292 = arith.addf %add3A_1180, %mul3A_1291 : vector<16xf32>
            %mul3A_1293 = arith.mulf %gather3A_1282, %get3A_1286 : vector<16xf32>
            %add3A_1294 = arith.addf %add3A_1182, %mul3A_1293 : vector<16xf32>
            %get3A_1295 = arith.constant 7 : i32
            %get3A_1296 = arith.index_cast %get3A_1295 : i32 to index
            %get3A_1297 = arith.constant 16 : index
            %get3A_1298 = tpu.vector_load %arg11[%get3A_1296, %get3A_1297] {strides = array<i32>} : memref<16x128xf32, #tpu.memory_space<vmem>>, vector<16xf32>,
            %mul3A_1299 = arith.mulf %gather3A_1270, %get3A_1298 : vector<16xf32>
            %add3A_1300 = arith.addf %add3A_1188, %mul3A_1299 : vector<16xf32>
            %mul3A_1301 = arith.mulf %gather3A_1274, %get3A_1298 : vector<16xf32>
            %add3A_1302 = arith.addf %add3A_1190, %mul3A_1301 : vector<16xf32>
            %mul3A_1303 = arith.mulf %gather3A_1278, %get3A_1298 : vector<16xf32>
            %add3A_1304 = arith.addf %add3A_1192, %mul3A_1303 : vector<16xf32>
            %mul3A_1305 = arith.mulf %gather3A_1282, %get3A_1298 : vector<16xf32>
            %add3A_1306 = arith.addf %add3A_1194, %mul3A_1305 : vector<16xf32>
            %get3A_1307 = arith.constant 7 : i32
            %get3A_1308 = arith.index_cast %get3A_1307 : i32 to index
            %get3A_1309 = arith.constant 32 : index
            %get3A_1310 = tpu.vector_load %arg11[%get3A_1308, %get3A_1309] {strides = array<i32>} : memref<16x128xf32, #tpu.memory_space<vmem>>, vector<16xf32>,
            %mul3A_1311 = arith.mulf %gather3A_1270, %get3A_1310 : vector<16xf32>
            %add3A_1312 = arith.addf %add3A_1200, %mul3A_1311 : vector<16xf32>
            %mul3A_1313 = arith.mulf %gather3A_1274, %get3A_1310 : vector<16xf32>
            %add3A_1314 = arith.addf %add3A_1202, %mul3A_1313 : vector<16xf32>
            %mul3A_1315 = arith.mulf %gather3A_1278, %get3A_1310 : vector<16xf32>
            %add3A_1316 = arith.addf %add3A_1204, %mul3A_1315 : vector<16xf32>
            %mul3A_1317 = arith.mulf %gather3A_1282, %get3A_1310 : vector<16xf32>
            %add3A_1318 = arith.addf %add3A_1206, %mul3A_1317 : vector<16xf32>
            %get3A_1319 = arith.constant 7 : i32
            %get3A_1320 = arith.index_cast %get3A_1319 : i32 to index
            %get3A_1321 = arith.constant 48 : index
            %get3A_1322 = tpu.vector_load %arg11[%get3A_1320, %get3A_1321] {strides = array<i32>} : memref<16x128xf32, #tpu.memory_space<vmem>>, vector<16xf32>,
            %mul3A_1323 = arith.mulf %gather3A_1270, %get3A_1322 : vector<16xf32>
            %add3A_1324 = arith.addf %add3A_1212, %mul3A_1323 : vector<16xf32>
            %mul3A_1325 = arith.mulf %gather3A_1274, %get3A_1322 : vector<16xf32>
            %add3A_1326 = arith.addf %add3A_1214, %mul3A_1325 : vector<16xf32>
            %mul3A_1327 = arith.mulf %gather3A_1278, %get3A_1322 : vector<16xf32>
            %add3A_1328 = arith.addf %add3A_1216, %mul3A_1327 : vector<16xf32>
            %mul3A_1329 = arith.mulf %gather3A_1282, %get3A_1322 : vector<16xf32>
            %add3A_1330 = arith.addf %add3A_1218, %mul3A_1329 : vector<16xf32>
            %get3A_1331 = arith.constant 7 : i32
            %get3A_1332 = arith.index_cast %get3A_1331 : i32 to index
            %get3A_1333 = arith.constant 64 : index
            %get3A_1334 = tpu.vector_load %arg11[%get3A_1332, %get3A_1333] {strides = array<i32>} : memref<16x128xf32, #tpu.memory_space<vmem>>, vector<16xf32>,
            %mul3A_1335 = arith.mulf %gather3A_1270, %get3A_1334 : vector<16xf32>
            %add3A_1336 = arith.addf %add3A_1224, %mul3A_1335 : vector<16xf32>
            %mul3A_1337 = arith.mulf %gather3A_1274, %get3A_1334 : vector<16xf32>
            %add3A_1338 = arith.addf %add3A_1226, %mul3A_1337 : vector<16xf32>
            %mul3A_1339 = arith.mulf %gather3A_1278, %get3A_1334 : vector<16xf32>
            %add3A_1340 = arith.addf %add3A_1228, %mul3A_1339 : vector<16xf32>
            %mul3A_1341 = arith.mulf %gather3A_1282, %get3A_1334 : vector<16xf32>
            %add3A_1342 = arith.addf %add3A_1230, %mul3A_1341 : vector<16xf32>
            %get3A_1343 = arith.constant 7 : i32
            %get3A_1344 = arith.index_cast %get3A_1343 : i32 to index
            %get3A_1345 = arith.constant 80 : index
            %get3A_1346 = tpu.vector_load %arg11[%get3A_1344, %get3A_1345] {strides = array<i32>} : memref<16x128xf32, #tpu.memory_space<vmem>>, vector<16xf32>,
            %mul3A_1347 = arith.mulf %gather3A_1270, %get3A_1346 : vector<16xf32>
            %add3A_1348 = arith.addf %add3A_1236, %mul3A_1347 : vector<16xf32>
            %mul3A_1349 = arith.mulf %gather3A_1274, %get3A_1346 : vector<16xf32>
            %add3A_1350 = arith.addf %add3A_1238, %mul3A_1349 : vector<16xf32>
            %mul3A_1351 = arith.mulf %gather3A_1278, %get3A_1346 : vector<16xf32>
            %add3A_1352 = arith.addf %add3A_1240, %mul3A_1351 : vector<16xf32>
            %mul3A_1353 = arith.mulf %gather3A_1282, %get3A_1346 : vector<16xf32>
            %add3A_1354 = arith.addf %add3A_1242, %mul3A_1353 : vector<16xf32>
            %get3A_1355 = arith.constant 7 : i32
            %get3A_1356 = arith.index_cast %get3A_1355 : i32 to index
            %get3A_1357 = arith.constant 96 : index
            %get3A_1358 = tpu.vector_load %arg11[%get3A_1356, %get3A_1357] {strides = array<i32>} : memref<16x128xf32, #tpu.memory_space<vmem>>, vector<16xf32>,
            %mul3A_1359 = arith.mulf %gather3A_1270, %get3A_1358 : vector<16xf32>
            %add3A_1360 = arith.addf %add3A_1248, %mul3A_1359 : vector<16xf32>
            %mul3A_1361 = arith.mulf %gather3A_1274, %get3A_1358 : vector<16xf32>
            %add3A_1362 = arith.addf %add3A_1250, %mul3A_1361 : vector<16xf32>
            %mul3A_1363 = arith.mulf %gather3A_1278, %get3A_1358 : vector<16xf32>
            %add3A_1364 = arith.addf %add3A_1252, %mul3A_1363 : vector<16xf32>
            %mul3A_1365 = arith.mulf %gather3A_1282, %get3A_1358 : vector<16xf32>
            %add3A_1366 = arith.addf %add3A_1254, %mul3A_1365 : vector<16xf32>
            %get3A_1367 = arith.constant 7 : i32
            %get3A_1368 = arith.index_cast %get3A_1367 : i32 to index
            %get3A_1369 = arith.constant 112 : index
            %get3A_1370 = tpu.vector_load %arg11[%get3A_1368, %get3A_1369] {strides = array<i32>} : memref<16x128xf32, #tpu.memory_space<vmem>>, vector<16xf32>,
            %mul3A_1371 = arith.mulf %gather3A_1270, %get3A_1370 : vector<16xf32>
            %add3A_1372 = arith.addf %add3A_1260, %mul3A_1371 : vector<16xf32>
            %mul3A_1373 = arith.mulf %gather3A_1274, %get3A_1370 : vector<16xf32>
            %add3A_1374 = arith.addf %add3A_1262, %mul3A_1373 : vector<16xf32>
            %mul3A_1375 = arith.mulf %gather3A_1278, %get3A_1370 : vector<16xf32>
            %add3A_1376 = arith.addf %add3A_1264, %mul3A_1375 : vector<16xf32>
            %mul3A_1377 = arith.mulf %gather3A_1282, %get3A_1370 : vector<16xf32>
            %add3A_1378 = arith.addf %add3A_1266, %mul3A_1377 : vector<16xf32>
            %broadcast_in_dim3A_1379 = arith.constant 8 : i32
            %broadcast_in_dim3A_1380 = vector.broadcast %broadcast_in_dim3A_1379 : i32 to vector<16x1xi32>
            %gather3A_1381 = vector.shape_cast %broadcast_in_dim3A_1380 : vector<16x1xi32> to vector<16xi32>
            %gather3A_1382 = tpu.dynamic_gather %convert_element_type3A_409[%gather3A_1381] in [0] : vector<16xf32>, vector<16xi32> -> vector<16xf32>
            %broadcast_in_dim3A_1383 = arith.constant 8 : i32
            %broadcast_in_dim3A_1384 = vector.broadcast %broadcast_in_dim3A_1383 : i32 to vector<16x1xi32>
            %gather3A_1385 = vector.shape_cast %broadcast_in_dim3A_1384 : vector<16x1xi32> to vector<16xi32>
            %gather3A_1386 = tpu.dynamic_gather %convert_element_type3A_412[%gather3A_1385] in [0] : vector<16xf32>, vector<16xi32> -> vector<16xf32>
            %broadcast_in_dim3A_1387 = arith.constant 8 : i32
            %broadcast_in_dim3A_1388 = vector.broadcast %broadcast_in_dim3A_1387 : i32 to vector<16x1xi32>
            %gather3A_1389 = vector.shape_cast %broadcast_in_dim3A_1388 : vector<16x1xi32> to vector<16xi32>
            %gather3A_1390 = tpu.dynamic_gather %mul3A_417[%gather3A_1389] in [0] : vector<16xf32>, vector<16xi32> -> vector<16xf32>
            %broadcast_in_dim3A_1391 = arith.constant 8 : i32
            %broadcast_in_dim3A_1392 = vector.broadcast %broadcast_in_dim3A_1391 : i32 to vector<16x1xi32>
            %gather3A_1393 = vector.shape_cast %broadcast_in_dim3A_1392 : vector<16x1xi32> to vector<16xi32>
            %gather3A_1394 = tpu.dynamic_gather %mul3A_418[%gather3A_1393] in [0] : vector<16xf32>, vector<16xi32> -> vector<16xf32>
            %get3A_1395 = arith.constant 8 : i32
            %get3A_1396 = arith.index_cast %get3A_1395 : i32 to index
            %get3A_1397 = arith.constant 0 : index
            %get3A_1398 = tpu.vector_load %arg11[%get3A_1396, %get3A_1397] {strides = array<i32>} : memref<16x128xf32, #tpu.memory_space<vmem>>, vector<16xf32>,
            %mul3A_1399 = arith.mulf %gather3A_1382, %get3A_1398 : vector<16xf32>
            %add3A_1400 = arith.addf %add3A_1288, %mul3A_1399 : vector<16xf32>
            %mul3A_1401 = arith.mulf %gather3A_1386, %get3A_1398 : vector<16xf32>
            %add3A_1402 = arith.addf %add3A_1290, %mul3A_1401 : vector<16xf32>
            %mul3A_1403 = arith.mulf %gather3A_1390, %get3A_1398 : vector<16xf32>
            %add3A_1404 = arith.addf %add3A_1292, %mul3A_1403 : vector<16xf32>
            %mul3A_1405 = arith.mulf %gather3A_1394, %get3A_1398 : vector<16xf32>
            %add3A_1406 = arith.addf %add3A_1294, %mul3A_1405 : vector<16xf32>
            %get3A_1407 = arith.constant 8 : i32
            %get3A_1408 = arith.index_cast %get3A_1407 : i32 to index
            %get3A_1409 = arith.constant 16 : index
            %get3A_1410 = tpu.vector_load %arg11[%get3A_1408, %get3A_1409] {strides = array<i32>} : memref<16x128xf32, #tpu.memory_space<vmem>>, vector<16xf32>,
            %mul3A_1411 = arith.mulf %gather3A_1382, %get3A_1410 : vector<16xf32>
            %add3A_1412 = arith.addf %add3A_1300, %mul3A_1411 : vector<16xf32>
            %mul3A_1413 = arith.mulf %gather3A_1386, %get3A_1410 : vector<16xf32>
            %add3A_1414 = arith.addf %add3A_1302, %mul3A_1413 : vector<16xf32>
            %mul3A_1415 = arith.mulf %gather3A_1390, %get3A_1410 : vector<16xf32>
            %add3A_1416 = arith.addf %add3A_1304, %mul3A_1415 : vector<16xf32>
            %mul3A_1417 = arith.mulf %gather3A_1394, %get3A_1410 : vector<16xf32>
            %add3A_1418 = arith.addf %add3A_1306, %mul3A_1417 : vector<16xf32>
            %get3A_1419 = arith.constant 8 : i32
            %get3A_1420 = arith.index_cast %get3A_1419 : i32 to index
            %get3A_1421 = arith.constant 32 : index
            %get3A_1422 = tpu.vector_load %arg11[%get3A_1420, %get3A_1421] {strides = array<i32>} : memref<16x128xf32, #tpu.memory_space<vmem>>, vector<16xf32>,
            %mul3A_1423 = arith.mulf %gather3A_1382, %get3A_1422 : vector<16xf32>
            %add3A_1424 = arith.addf %add3A_1312, %mul3A_1423 : vector<16xf32>
            %mul3A_1425 = arith.mulf %gather3A_1386, %get3A_1422 : vector<16xf32>
            %add3A_1426 = arith.addf %add3A_1314, %mul3A_1425 : vector<16xf32>
            %mul3A_1427 = arith.mulf %gather3A_1390, %get3A_1422 : vector<16xf32>
            %add3A_1428 = arith.addf %add3A_1316, %mul3A_1427 : vector<16xf32>
            %mul3A_1429 = arith.mulf %gather3A_1394, %get3A_1422 : vector<16xf32>
            %add3A_1430 = arith.addf %add3A_1318, %mul3A_1429 : vector<16xf32>
            %get3A_1431 = arith.constant 8 : i32
            %get3A_1432 = arith.index_cast %get3A_1431 : i32 to index
            %get3A_1433 = arith.constant 48 : index
            %get3A_1434 = tpu.vector_load %arg11[%get3A_1432, %get3A_1433] {strides = array<i32>} : memref<16x128xf32, #tpu.memory_space<vmem>>, vector<16xf32>,
            %mul3A_1435 = arith.mulf %gather3A_1382, %get3A_1434 : vector<16xf32>
            %add3A_1436 = arith.addf %add3A_1324, %mul3A_1435 : vector<16xf32>
            %mul3A_1437 = arith.mulf %gather3A_1386, %get3A_1434 : vector<16xf32>
            %add3A_1438 = arith.addf %add3A_1326, %mul3A_1437 : vector<16xf32>
            %mul3A_1439 = arith.mulf %gather3A_1390, %get3A_1434 : vector<16xf32>
            %add3A_1440 = arith.addf %add3A_1328, %mul3A_1439 : vector<16xf32>
            %mul3A_1441 = arith.mulf %gather3A_1394, %get3A_1434 : vector<16xf32>
            %add3A_1442 = arith.addf %add3A_1330, %mul3A_1441 : vector<16xf32>
            %get3A_1443 = arith.constant 8 : i32
            %get3A_1444 = arith.index_cast %get3A_1443 : i32 to index
            %get3A_1445 = arith.constant 64 : index
            %get3A_1446 = tpu.vector_load %arg11[%get3A_1444, %get3A_1445] {strides = array<i32>} : memref<16x128xf32, #tpu.memory_space<vmem>>, vector<16xf32>,
            %mul3A_1447 = arith.mulf %gather3A_1382, %get3A_1446 : vector<16xf32>
            %add3A_1448 = arith.addf %add3A_1336, %mul3A_1447 : vector<16xf32>
            %mul3A_1449 = arith.mulf %gather3A_1386, %get3A_1446 : vector<16xf32>
            %add3A_1450 = arith.addf %add3A_1338, %mul3A_1449 : vector<16xf32>
            %mul3A_1451 = arith.mulf %gather3A_1390, %get3A_1446 : vector<16xf32>
            %add3A_1452 = arith.addf %add3A_1340, %mul3A_1451 : vector<16xf32>
            %mul3A_1453 = arith.mulf %gather3A_1394, %get3A_1446 : vector<16xf32>
            %add3A_1454 = arith.addf %add3A_1342, %mul3A_1453 : vector<16xf32>
            %get3A_1455 = arith.constant 8 : i32
            %get3A_1456 = arith.index_cast %get3A_1455 : i32 to index
            %get3A_1457 = arith.constant 80 : index
            %get3A_1458 = tpu.vector_load %arg11[%get3A_1456, %get3A_1457] {strides = array<i32>} : memref<16x128xf32, #tpu.memory_space<vmem>>, vector<16xf32>,
            %mul3A_1459 = arith.mulf %gather3A_1382, %get3A_1458 : vector<16xf32>
            %add3A_1460 = arith.addf %add3A_1348, %mul3A_1459 : vector<16xf32>
            %mul3A_1461 = arith.mulf %gather3A_1386, %get3A_1458 : vector<16xf32>
            %add3A_1462 = arith.addf %add3A_1350, %mul3A_1461 : vector<16xf32>
            %mul3A_1463 = arith.mulf %gather3A_1390, %get3A_1458 : vector<16xf32>
            %add3A_1464 = arith.addf %add3A_1352, %mul3A_1463 : vector<16xf32>
            %mul3A_1465 = arith.mulf %gather3A_1394, %get3A_1458 : vector<16xf32>
            %add3A_1466 = arith.addf %add3A_1354, %mul3A_1465 : vector<16xf32>
            %get3A_1467 = arith.constant 8 : i32
            %get3A_1468 = arith.index_cast %get3A_1467 : i32 to index
            %get3A_1469 = arith.constant 96 : index
            %get3A_1470 = tpu.vector_load %arg11[%get3A_1468, %get3A_1469] {strides = array<i32>} : memref<16x128xf32, #tpu.memory_space<vmem>>, vector<16xf32>,
            %mul3A_1471 = arith.mulf %gather3A_1382, %get3A_1470 : vector<16xf32>
            %add3A_1472 = arith.addf %add3A_1360, %mul3A_1471 : vector<16xf32>
            %mul3A_1473 = arith.mulf %gather3A_1386, %get3A_1470 : vector<16xf32>
            %add3A_1474 = arith.addf %add3A_1362, %mul3A_1473 : vector<16xf32>
            %mul3A_1475 = arith.mulf %gather3A_1390, %get3A_1470 : vector<16xf32>
            %add3A_1476 = arith.addf %add3A_1364, %mul3A_1475 : vector<16xf32>
            %mul3A_1477 = arith.mulf %gather3A_1394, %get3A_1470 : vector<16xf32>
            %add3A_1478 = arith.addf %add3A_1366, %mul3A_1477 : vector<16xf32>
            %get3A_1479 = arith.constant 8 : i32
            %get3A_1480 = arith.index_cast %get3A_1479 : i32 to index
            %get3A_1481 = arith.constant 112 : index
            %get3A_1482 = tpu.vector_load %arg11[%get3A_1480, %get3A_1481] {strides = array<i32>} : memref<16x128xf32, #tpu.memory_space<vmem>>, vector<16xf32>,
            %mul3A_1483 = arith.mulf %gather3A_1382, %get3A_1482 : vector<16xf32>
            %add3A_1484 = arith.addf %add3A_1372, %mul3A_1483 : vector<16xf32>
            %mul3A_1485 = arith.mulf %gather3A_1386, %get3A_1482 : vector<16xf32>
            %add3A_1486 = arith.addf %add3A_1374, %mul3A_1485 : vector<16xf32>
            %mul3A_1487 = arith.mulf %gather3A_1390, %get3A_1482 : vector<16xf32>
            %add3A_1488 = arith.addf %add3A_1376, %mul3A_1487 : vector<16xf32>
            %mul3A_1489 = arith.mulf %gather3A_1394, %get3A_1482 : vector<16xf32>
            %add3A_1490 = arith.addf %add3A_1378, %mul3A_1489 : vector<16xf32>
            %broadcast_in_dim3A_1491 = arith.constant 9 : i32
            %broadcast_in_dim3A_1492 = vector.broadcast %broadcast_in_dim3A_1491 : i32 to vector<16x1xi32>
            %gather3A_1493 = vector.shape_cast %broadcast_in_dim3A_1492 : vector<16x1xi32> to vector<16xi32>
            %gather3A_1494 = tpu.dynamic_gather %convert_element_type3A_409[%gather3A_1493] in [0] : vector<16xf32>, vector<16xi32> -> vector<16xf32>
            %broadcast_in_dim3A_1495 = arith.constant 9 : i32
            %broadcast_in_dim3A_1496 = vector.broadcast %broadcast_in_dim3A_1495 : i32 to vector<16x1xi32>
            %gather3A_1497 = vector.shape_cast %broadcast_in_dim3A_1496 : vector<16x1xi32> to vector<16xi32>
            %gather3A_1498 = tpu.dynamic_gather %convert_element_type3A_412[%gather3A_1497] in [0] : vector<16xf32>, vector<16xi32> -> vector<16xf32>
            %broadcast_in_dim3A_1499 = arith.constant 9 : i32
            %broadcast_in_dim3A_1500 = vector.broadcast %broadcast_in_dim3A_1499 : i32 to vector<16x1xi32>
            %gather3A_1501 = vector.shape_cast %broadcast_in_dim3A_1500 : vector<16x1xi32> to vector<16xi32>
            %gather3A_1502 = tpu.dynamic_gather %mul3A_417[%gather3A_1501] in [0] : vector<16xf32>, vector<16xi32> -> vector<16xf32>
            %broadcast_in_dim3A_1503 = arith.constant 9 : i32
            %broadcast_in_dim3A_1504 = vector.broadcast %broadcast_in_dim3A_1503 : i32 to vector<16x1xi32>
            %gather3A_1505 = vector.shape_cast %broadcast_in_dim3A_1504 : vector<16x1xi32> to vector<16xi32>
            %gather3A_1506 = tpu.dynamic_gather %mul3A_418[%gather3A_1505] in [0] : vector<16xf32>, vector<16xi32> -> vector<16xf32>
            %get3A_1507 = arith.constant 9 : i32
            %get3A_1508 = arith.index_cast %get3A_1507 : i32 to index
            %get3A_1509 = arith.constant 0 : index
            %get3A_1510 = tpu.vector_load %arg11[%get3A_1508, %get3A_1509] {strides = array<i32>} : memref<16x128xf32, #tpu.memory_space<vmem>>, vector<16xf32>,
            %mul3A_1511 = arith.mulf %gather3A_1494, %get3A_1510 : vector<16xf32>
            %add3A_1512 = arith.addf %add3A_1400, %mul3A_1511 : vector<16xf32>
            %mul3A_1513 = arith.mulf %gather3A_1498, %get3A_1510 : vector<16xf32>
            %add3A_1514 = arith.addf %add3A_1402, %mul3A_1513 : vector<16xf32>
            %mul3A_1515 = arith.mulf %gather3A_1502, %get3A_1510 : vector<16xf32>
            %add3A_1516 = arith.addf %add3A_1404, %mul3A_1515 : vector<16xf32>
            %mul3A_1517 = arith.mulf %gather3A_1506, %get3A_1510 : vector<16xf32>
            %add3A_1518 = arith.addf %add3A_1406, %mul3A_1517 : vector<16xf32>
            %get3A_1519 = arith.constant 9 : i32
            %get3A_1520 = arith.index_cast %get3A_1519 : i32 to index
            %get3A_1521 = arith.constant 16 : index
            %get3A_1522 = tpu.vector_load %arg11[%get3A_1520, %get3A_1521] {strides = array<i32>} : memref<16x128xf32, #tpu.memory_space<vmem>>, vector<16xf32>,
            %mul3A_1523 = arith.mulf %gather3A_1494, %get3A_1522 : vector<16xf32>
            %add3A_1524 = arith.addf %add3A_1412, %mul3A_1523 : vector<16xf32>
            %mul3A_1525 = arith.mulf %gather3A_1498, %get3A_1522 : vector<16xf32>
            %add3A_1526 = arith.addf %add3A_1414, %mul3A_1525 : vector<16xf32>
            %mul3A_1527 = arith.mulf %gather3A_1502, %get3A_1522 : vector<16xf32>
            %add3A_1528 = arith.addf %add3A_1416, %mul3A_1527 : vector<16xf32>
            %mul3A_1529 = arith.mulf %gather3A_1506, %get3A_1522 : vector<16xf32>
            %add3A_1530 = arith.addf %add3A_1418, %mul3A_1529 : vector<16xf32>
            %get3A_1531 = arith.constant 9 : i32
            %get3A_1532 = arith.index_cast %get3A_1531 : i32 to index
            %get3A_1533 = arith.constant 32 : index
            %get3A_1534 = tpu.vector_load %arg11[%get3A_1532, %get3A_1533] {strides = array<i32>} : memref<16x128xf32, #tpu.memory_space<vmem>>, vector<16xf32>,
            %mul3A_1535 = arith.mulf %gather3A_1494, %get3A_1534 : vector<16xf32>
            %add3A_1536 = arith.addf %add3A_1424, %mul3A_1535 : vector<16xf32>
            %mul3A_1537 = arith.mulf %gather3A_1498, %get3A_1534 : vector<16xf32>
            %add3A_1538 = arith.addf %add3A_1426, %mul3A_1537 : vector<16xf32>
            %mul3A_1539 = arith.mulf %gather3A_1502, %get3A_1534 : vector<16xf32>
            %add3A_1540 = arith.addf %add3A_1428, %mul3A_1539 : vector<16xf32>
            %mul3A_1541 = arith.mulf %gather3A_1506, %get3A_1534 : vector<16xf32>
            %add3A_1542 = arith.addf %add3A_1430, %mul3A_1541 : vector<16xf32>
            %get3A_1543 = arith.constant 9 : i32
            %get3A_1544 = arith.index_cast %get3A_1543 : i32 to index
            %get3A_1545 = arith.constant 48 : index
            %get3A_1546 = tpu.vector_load %arg11[%get3A_1544, %get3A_1545] {strides = array<i32>} : memref<16x128xf32, #tpu.memory_space<vmem>>, vector<16xf32>,
            %mul3A_1547 = arith.mulf %gather3A_1494, %get3A_1546 : vector<16xf32>
            %add3A_1548 = arith.addf %add3A_1436, %mul3A_1547 : vector<16xf32>
            %mul3A_1549 = arith.mulf %gather3A_1498, %get3A_1546 : vector<16xf32>
            %add3A_1550 = arith.addf %add3A_1438, %mul3A_1549 : vector<16xf32>
            %mul3A_1551 = arith.mulf %gather3A_1502, %get3A_1546 : vector<16xf32>
            %add3A_1552 = arith.addf %add3A_1440, %mul3A_1551 : vector<16xf32>
            %mul3A_1553 = arith.mulf %gather3A_1506, %get3A_1546 : vector<16xf32>
            %add3A_1554 = arith.addf %add3A_1442, %mul3A_1553 : vector<16xf32>
            %get3A_1555 = arith.constant 9 : i32
            %get3A_1556 = arith.index_cast %get3A_1555 : i32 to index
            %get3A_1557 = arith.constant 64 : index
            %get3A_1558 = tpu.vector_load %arg11[%get3A_1556, %get3A_1557] {strides = array<i32>} : memref<16x128xf32, #tpu.memory_space<vmem>>, vector<16xf32>,
            %mul3A_1559 = arith.mulf %gather3A_1494, %get3A_1558 : vector<16xf32>
            %add3A_1560 = arith.addf %add3A_1448, %mul3A_1559 : vector<16xf32>
            %mul3A_1561 = arith.mulf %gather3A_1498, %get3A_1558 : vector<16xf32>
            %add3A_1562 = arith.addf %add3A_1450, %mul3A_1561 : vector<16xf32>
            %mul3A_1563 = arith.mulf %gather3A_1502, %get3A_1558 : vector<16xf32>
            %add3A_1564 = arith.addf %add3A_1452, %mul3A_1563 : vector<16xf32>
            %mul3A_1565 = arith.mulf %gather3A_1506, %get3A_1558 : vector<16xf32>
            %add3A_1566 = arith.addf %add3A_1454, %mul3A_1565 : vector<16xf32>
            %get3A_1567 = arith.constant 9 : i32
            %get3A_1568 = arith.index_cast %get3A_1567 : i32 to index
            %get3A_1569 = arith.constant 80 : index
            %get3A_1570 = tpu.vector_load %arg11[%get3A_1568, %get3A_1569] {strides = array<i32>} : memref<16x128xf32, #tpu.memory_space<vmem>>, vector<16xf32>,
            %mul3A_1571 = arith.mulf %gather3A_1494, %get3A_1570 : vector<16xf32>
            %add3A_1572 = arith.addf %add3A_1460, %mul3A_1571 : vector<16xf32>
            %mul3A_1573 = arith.mulf %gather3A_1498, %get3A_1570 : vector<16xf32>
            %add3A_1574 = arith.addf %add3A_1462, %mul3A_1573 : vector<16xf32>
            %mul3A_1575 = arith.mulf %gather3A_1502, %get3A_1570 : vector<16xf32>
            %add3A_1576 = arith.addf %add3A_1464, %mul3A_1575 : vector<16xf32>
            %mul3A_1577 = arith.mulf %gather3A_1506, %get3A_1570 : vector<16xf32>
            %add3A_1578 = arith.addf %add3A_1466, %mul3A_1577 : vector<16xf32>
            %get3A_1579 = arith.constant 9 : i32
            %get3A_1580 = arith.index_cast %get3A_1579 : i32 to index
            %get3A_1581 = arith.constant 96 : index
            %get3A_1582 = tpu.vector_load %arg11[%get3A_1580, %get3A_1581] {strides = array<i32>} : memref<16x128xf32, #tpu.memory_space<vmem>>, vector<16xf32>,
            %mul3A_1583 = arith.mulf %gather3A_1494, %get3A_1582 : vector<16xf32>
            %add3A_1584 = arith.addf %add3A_1472, %mul3A_1583 : vector<16xf32>
            %mul3A_1585 = arith.mulf %gather3A_1498, %get3A_1582 : vector<16xf32>
            %add3A_1586 = arith.addf %add3A_1474, %mul3A_1585 : vector<16xf32>
            %mul3A_1587 = arith.mulf %gather3A_1502, %get3A_1582 : vector<16xf32>
            %add3A_1588 = arith.addf %add3A_1476, %mul3A_1587 : vector<16xf32>
            %mul3A_1589 = arith.mulf %gather3A_1506, %get3A_1582 : vector<16xf32>
            %add3A_1590 = arith.addf %add3A_1478, %mul3A_1589 : vector<16xf32>
            %get3A_1591 = arith.constant 9 : i32
            %get3A_1592 = arith.index_cast %get3A_1591 : i32 to index
            %get3A_1593 = arith.constant 112 : index
            %get3A_1594 = tpu.vector_load %arg11[%get3A_1592, %get3A_1593] {strides = array<i32>} : memref<16x128xf32, #tpu.memory_space<vmem>>, vector<16xf32>,
            %mul3A_1595 = arith.mulf %gather3A_1494, %get3A_1594 : vector<16xf32>
            %add3A_1596 = arith.addf %add3A_1484, %mul3A_1595 : vector<16xf32>
            %mul3A_1597 = arith.mulf %gather3A_1498, %get3A_1594 : vector<16xf32>
            %add3A_1598 = arith.addf %add3A_1486, %mul3A_1597 : vector<16xf32>
            %mul3A_1599 = arith.mulf %gather3A_1502, %get3A_1594 : vector<16xf32>
            %add3A_1600 = arith.addf %add3A_1488, %mul3A_1599 : vector<16xf32>
            %mul3A_1601 = arith.mulf %gather3A_1506, %get3A_1594 : vector<16xf32>
            %add3A_1602 = arith.addf %add3A_1490, %mul3A_1601 : vector<16xf32>
            %broadcast_in_dim3A_1603 = arith.constant 10 : i32
            %broadcast_in_dim3A_1604 = vector.broadcast %broadcast_in_dim3A_1603 : i32 to vector<16x1xi32>
            %gather3A_1605 = vector.shape_cast %broadcast_in_dim3A_1604 : vector<16x1xi32> to vector<16xi32>
            %gather3A_1606 = tpu.dynamic_gather %convert_element_type3A_409[%gather3A_1605] in [0] : vector<16xf32>, vector<16xi32> -> vector<16xf32>
            %broadcast_in_dim3A_1607 = arith.constant 10 : i32
            %broadcast_in_dim3A_1608 = vector.broadcast %broadcast_in_dim3A_1607 : i32 to vector<16x1xi32>
            %gather3A_1609 = vector.shape_cast %broadcast_in_dim3A_1608 : vector<16x1xi32> to vector<16xi32>
            %gather3A_1610 = tpu.dynamic_gather %convert_element_type3A_412[%gather3A_1609] in [0] : vector<16xf32>, vector<16xi32> -> vector<16xf32>
            %broadcast_in_dim3A_1611 = arith.constant 10 : i32
            %broadcast_in_dim3A_1612 = vector.broadcast %broadcast_in_dim3A_1611 : i32 to vector<16x1xi32>
            %gather3A_1613 = vector.shape_cast %broadcast_in_dim3A_1612 : vector<16x1xi32> to vector<16xi32>
            %gather3A_1614 = tpu.dynamic_gather %mul3A_417[%gather3A_1613] in [0] : vector<16xf32>, vector<16xi32> -> vector<16xf32>
            %broadcast_in_dim3A_1615 = arith.constant 10 : i32
            %broadcast_in_dim3A_1616 = vector.broadcast %broadcast_in_dim3A_1615 : i32 to vector<16x1xi32>
            %gather3A_1617 = vector.shape_cast %broadcast_in_dim3A_1616 : vector<16x1xi32> to vector<16xi32>
            %gather3A_1618 = tpu.dynamic_gather %mul3A_418[%gather3A_1617] in [0] : vector<16xf32>, vector<16xi32> -> vector<16xf32>
            %get3A_1619 = arith.constant 10 : i32
            %get3A_1620 = arith.index_cast %get3A_1619 : i32 to index
            %get3A_1621 = arith.constant 0 : index
            %get3A_1622 = tpu.vector_load %arg11[%get3A_1620, %get3A_1621] {strides = array<i32>} : memref<16x128xf32, #tpu.memory_space<vmem>>, vector<16xf32>,
            %mul3A_1623 = arith.mulf %gather3A_1606, %get3A_1622 : vector<16xf32>
            %add3A_1624 = arith.addf %add3A_1512, %mul3A_1623 : vector<16xf32>
            %mul3A_1625 = arith.mulf %gather3A_1610, %get3A_1622 : vector<16xf32>
            %add3A_1626 = arith.addf %add3A_1514, %mul3A_1625 : vector<16xf32>
            %mul3A_1627 = arith.mulf %gather3A_1614, %get3A_1622 : vector<16xf32>
            %add3A_1628 = arith.addf %add3A_1516, %mul3A_1627 : vector<16xf32>
            %mul3A_1629 = arith.mulf %gather3A_1618, %get3A_1622 : vector<16xf32>
            %add3A_1630 = arith.addf %add3A_1518, %mul3A_1629 : vector<16xf32>
            %get3A_1631 = arith.constant 10 : i32
            %get3A_1632 = arith.index_cast %get3A_1631 : i32 to index
            %get3A_1633 = arith.constant 16 : index
            %get3A_1634 = tpu.vector_load %arg11[%get3A_1632, %get3A_1633] {strides = array<i32>} : memref<16x128xf32, #tpu.memory_space<vmem>>, vector<16xf32>,
            %mul3A_1635 = arith.mulf %gather3A_1606, %get3A_1634 : vector<16xf32>
            %add3A_1636 = arith.addf %add3A_1524, %mul3A_1635 : vector<16xf32>
            %mul3A_1637 = arith.mulf %gather3A_1610, %get3A_1634 : vector<16xf32>
            %add3A_1638 = arith.addf %add3A_1526, %mul3A_1637 : vector<16xf32>
            %mul3A_1639 = arith.mulf %gather3A_1614, %get3A_1634 : vector<16xf32>
            %add3A_1640 = arith.addf %add3A_1528, %mul3A_1639 : vector<16xf32>
            %mul3A_1641 = arith.mulf %gather3A_1618, %get3A_1634 : vector<16xf32>
            %add3A_1642 = arith.addf %add3A_1530, %mul3A_1641 : vector<16xf32>
            %get3A_1643 = arith.constant 10 : i32
            %get3A_1644 = arith.index_cast %get3A_1643 : i32 to index
            %get3A_1645 = arith.constant 32 : index
            %get3A_1646 = tpu.vector_load %arg11[%get3A_1644, %get3A_1645] {strides = array<i32>} : memref<16x128xf32, #tpu.memory_space<vmem>>, vector<16xf32>,
            %mul3A_1647 = arith.mulf %gather3A_1606, %get3A_1646 : vector<16xf32>
            %add3A_1648 = arith.addf %add3A_1536, %mul3A_1647 : vector<16xf32>
            %mul3A_1649 = arith.mulf %gather3A_1610, %get3A_1646 : vector<16xf32>
            %add3A_1650 = arith.addf %add3A_1538, %mul3A_1649 : vector<16xf32>
            %mul3A_1651 = arith.mulf %gather3A_1614, %get3A_1646 : vector<16xf32>
            %add3A_1652 = arith.addf %add3A_1540, %mul3A_1651 : vector<16xf32>
            %mul3A_1653 = arith.mulf %gather3A_1618, %get3A_1646 : vector<16xf32>
            %add3A_1654 = arith.addf %add3A_1542, %mul3A_1653 : vector<16xf32>
            %get3A_1655 = arith.constant 10 : i32
            %get3A_1656 = arith.index_cast %get3A_1655 : i32 to index
            %get3A_1657 = arith.constant 48 : index
            %get3A_1658 = tpu.vector_load %arg11[%get3A_1656, %get3A_1657] {strides = array<i32>} : memref<16x128xf32, #tpu.memory_space<vmem>>, vector<16xf32>,
            %mul3A_1659 = arith.mulf %gather3A_1606, %get3A_1658 : vector<16xf32>
            %add3A_1660 = arith.addf %add3A_1548, %mul3A_1659 : vector<16xf32>
            %mul3A_1661 = arith.mulf %gather3A_1610, %get3A_1658 : vector<16xf32>
            %add3A_1662 = arith.addf %add3A_1550, %mul3A_1661 : vector<16xf32>
            %mul3A_1663 = arith.mulf %gather3A_1614, %get3A_1658 : vector<16xf32>
            %add3A_1664 = arith.addf %add3A_1552, %mul3A_1663 : vector<16xf32>
            %mul3A_1665 = arith.mulf %gather3A_1618, %get3A_1658 : vector<16xf32>
            %add3A_1666 = arith.addf %add3A_1554, %mul3A_1665 : vector<16xf32>
            %get3A_1667 = arith.constant 10 : i32
            %get3A_1668 = arith.index_cast %get3A_1667 : i32 to index
            %get3A_1669 = arith.constant 64 : index
            %get3A_1670 = tpu.vector_load %arg11[%get3A_1668, %get3A_1669] {strides = array<i32>} : memref<16x128xf32, #tpu.memory_space<vmem>>, vector<16xf32>,
            %mul3A_1671 = arith.mulf %gather3A_1606, %get3A_1670 : vector<16xf32>
            %add3A_1672 = arith.addf %add3A_1560, %mul3A_1671 : vector<16xf32>
            %mul3A_1673 = arith.mulf %gather3A_1610, %get3A_1670 : vector<16xf32>
            %add3A_1674 = arith.addf %add3A_1562, %mul3A_1673 : vector<16xf32>
            %mul3A_1675 = arith.mulf %gather3A_1614, %get3A_1670 : vector<16xf32>
            %add3A_1676 = arith.addf %add3A_1564, %mul3A_1675 : vector<16xf32>
            %mul3A_1677 = arith.mulf %gather3A_1618, %get3A_1670 : vector<16xf32>
            %add3A_1678 = arith.addf %add3A_1566, %mul3A_1677 : vector<16xf32>
            %get3A_1679 = arith.constant 10 : i32
            %get3A_1680 = arith.index_cast %get3A_1679 : i32 to index
            %get3A_1681 = arith.constant 80 : index
            %get3A_1682 = tpu.vector_load %arg11[%get3A_1680, %get3A_1681] {strides = array<i32>} : memref<16x128xf32, #tpu.memory_space<vmem>>, vector<16xf32>,
            %mul3A_1683 = arith.mulf %gather3A_1606, %get3A_1682 : vector<16xf32>
            %add3A_1684 = arith.addf %add3A_1572, %mul3A_1683 : vector<16xf32>
            %mul3A_1685 = arith.mulf %gather3A_1610, %get3A_1682 : vector<16xf32>
            %add3A_1686 = arith.addf %add3A_1574, %mul3A_1685 : vector<16xf32>
            %mul3A_1687 = arith.mulf %gather3A_1614, %get3A_1682 : vector<16xf32>
            %add3A_1688 = arith.addf %add3A_1576, %mul3A_1687 : vector<16xf32>
            %mul3A_1689 = arith.mulf %gather3A_1618, %get3A_1682 : vector<16xf32>
            %add3A_1690 = arith.addf %add3A_1578, %mul3A_1689 : vector<16xf32>
            %get3A_1691 = arith.constant 10 : i32
            %get3A_1692 = arith.index_cast %get3A_1691 : i32 to index
            %get3A_1693 = arith.constant 96 : index
            %get3A_1694 = tpu.vector_load %arg11[%get3A_1692, %get3A_1693] {strides = array<i32>} : memref<16x128xf32, #tpu.memory_space<vmem>>, vector<16xf32>,
            %mul3A_1695 = arith.mulf %gather3A_1606, %get3A_1694 : vector<16xf32>
            %add3A_1696 = arith.addf %add3A_1584, %mul3A_1695 : vector<16xf32>
            %mul3A_1697 = arith.mulf %gather3A_1610, %get3A_1694 : vector<16xf32>
            %add3A_1698 = arith.addf %add3A_1586, %mul3A_1697 : vector<16xf32>
            %mul3A_1699 = arith.mulf %gather3A_1614, %get3A_1694 : vector<16xf32>
            %add3A_1700 = arith.addf %add3A_1588, %mul3A_1699 : vector<16xf32>
            %mul3A_1701 = arith.mulf %gather3A_1618, %get3A_1694 : vector<16xf32>
            %add3A_1702 = arith.addf %add3A_1590, %mul3A_1701 : vector<16xf32>
            %get3A_1703 = arith.constant 10 : i32
            %get3A_1704 = arith.index_cast %get3A_1703 : i32 to index
            %get3A_1705 = arith.constant 112 : index
            %get3A_1706 = tpu.vector_load %arg11[%get3A_1704, %get3A_1705] {strides = array<i32>} : memref<16x128xf32, #tpu.memory_space<vmem>>, vector<16xf32>,
            %mul3A_1707 = arith.mulf %gather3A_1606, %get3A_1706 : vector<16xf32>
            %add3A_1708 = arith.addf %add3A_1596, %mul3A_1707 : vector<16xf32>
            %mul3A_1709 = arith.mulf %gather3A_1610, %get3A_1706 : vector<16xf32>
            %add3A_1710 = arith.addf %add3A_1598, %mul3A_1709 : vector<16xf32>
            %mul3A_1711 = arith.mulf %gather3A_1614, %get3A_1706 : vector<16xf32>
            %add3A_1712 = arith.addf %add3A_1600, %mul3A_1711 : vector<16xf32>
            %mul3A_1713 = arith.mulf %gather3A_1618, %get3A_1706 : vector<16xf32>
            %add3A_1714 = arith.addf %add3A_1602, %mul3A_1713 : vector<16xf32>
            %broadcast_in_dim3A_1715 = arith.constant 11 : i32
            %broadcast_in_dim3A_1716 = vector.broadcast %broadcast_in_dim3A_1715 : i32 to vector<16x1xi32>
            %gather3A_1717 = vector.shape_cast %broadcast_in_dim3A_1716 : vector<16x1xi32> to vector<16xi32>
            %gather3A_1718 = tpu.dynamic_gather %convert_element_type3A_409[%gather3A_1717] in [0] : vector<16xf32>, vector<16xi32> -> vector<16xf32>
            %broadcast_in_dim3A_1719 = arith.constant 11 : i32
            %broadcast_in_dim3A_1720 = vector.broadcast %broadcast_in_dim3A_1719 : i32 to vector<16x1xi32>
            %gather3A_1721 = vector.shape_cast %broadcast_in_dim3A_1720 : vector<16x1xi32> to vector<16xi32>
            %gather3A_1722 = tpu.dynamic_gather %convert_element_type3A_412[%gather3A_1721] in [0] : vector<16xf32>, vector<16xi32> -> vector<16xf32>
            %broadcast_in_dim3A_1723 = arith.constant 11 : i32
            %broadcast_in_dim3A_1724 = vector.broadcast %broadcast_in_dim3A_1723 : i32 to vector<16x1xi32>
            %gather3A_1725 = vector.shape_cast %broadcast_in_dim3A_1724 : vector<16x1xi32> to vector<16xi32>
            %gather3A_1726 = tpu.dynamic_gather %mul3A_417[%gather3A_1725] in [0] : vector<16xf32>, vector<16xi32> -> vector<16xf32>
            %broadcast_in_dim3A_1727 = arith.constant 11 : i32
            %broadcast_in_dim3A_1728 = vector.broadcast %broadcast_in_dim3A_1727 : i32 to vector<16x1xi32>
            %gather3A_1729 = vector.shape_cast %broadcast_in_dim3A_1728 : vector<16x1xi32> to vector<16xi32>
            %gather3A_1730 = tpu.dynamic_gather %mul3A_418[%gather3A_1729] in [0] : vector<16xf32>, vector<16xi32> -> vector<16xf32>
            %get3A_1731 = arith.constant 11 : i32
            %get3A_1732 = arith.index_cast %get3A_1731 : i32 to index
            %get3A_1733 = arith.constant 0 : index
            %get3A_1734 = tpu.vector_load %arg11[%get3A_1732, %get3A_1733] {strides = array<i32>} : memref<16x128xf32, #tpu.memory_space<vmem>>, vector<16xf32>,
            %mul3A_1735 = arith.mulf %gather3A_1718, %get3A_1734 : vector<16xf32>
            %add3A_1736 = arith.addf %add3A_1624, %mul3A_1735 : vector<16xf32>
            %mul3A_1737 = arith.mulf %gather3A_1722, %get3A_1734 : vector<16xf32>
            %add3A_1738 = arith.addf %add3A_1626, %mul3A_1737 : vector<16xf32>
            %mul3A_1739 = arith.mulf %gather3A_1726, %get3A_1734 : vector<16xf32>
            %add3A_1740 = arith.addf %add3A_1628, %mul3A_1739 : vector<16xf32>
            %mul3A_1741 = arith.mulf %gather3A_1730, %get3A_1734 : vector<16xf32>
            %add3A_1742 = arith.addf %add3A_1630, %mul3A_1741 : vector<16xf32>
            %get3A_1743 = arith.constant 11 : i32
            %get3A_1744 = arith.index_cast %get3A_1743 : i32 to index
            %get3A_1745 = arith.constant 16 : index
            %get3A_1746 = tpu.vector_load %arg11[%get3A_1744, %get3A_1745] {strides = array<i32>} : memref<16x128xf32, #tpu.memory_space<vmem>>, vector<16xf32>,
            %mul3A_1747 = arith.mulf %gather3A_1718, %get3A_1746 : vector<16xf32>
            %add3A_1748 = arith.addf %add3A_1636, %mul3A_1747 : vector<16xf32>
            %mul3A_1749 = arith.mulf %gather3A_1722, %get3A_1746 : vector<16xf32>
            %add3A_1750 = arith.addf %add3A_1638, %mul3A_1749 : vector<16xf32>
            %mul3A_1751 = arith.mulf %gather3A_1726, %get3A_1746 : vector<16xf32>
            %add3A_1752 = arith.addf %add3A_1640, %mul3A_1751 : vector<16xf32>
            %mul3A_1753 = arith.mulf %gather3A_1730, %get3A_1746 : vector<16xf32>
            %add3A_1754 = arith.addf %add3A_1642, %mul3A_1753 : vector<16xf32>
            %get3A_1755 = arith.constant 11 : i32
            %get3A_1756 = arith.index_cast %get3A_1755 : i32 to index
            %get3A_1757 = arith.constant 32 : index
            %get3A_1758 = tpu.vector_load %arg11[%get3A_1756, %get3A_1757] {strides = array<i32>} : memref<16x128xf32, #tpu.memory_space<vmem>>, vector<16xf32>,
            %mul3A_1759 = arith.mulf %gather3A_1718, %get3A_1758 : vector<16xf32>
            %add3A_1760 = arith.addf %add3A_1648, %mul3A_1759 : vector<16xf32>
            %mul3A_1761 = arith.mulf %gather3A_1722, %get3A_1758 : vector<16xf32>
            %add3A_1762 = arith.addf %add3A_1650, %mul3A_1761 : vector<16xf32>
            %mul3A_1763 = arith.mulf %gather3A_1726, %get3A_1758 : vector<16xf32>
            %add3A_1764 = arith.addf %add3A_1652, %mul3A_1763 : vector<16xf32>
            %mul3A_1765 = arith.mulf %gather3A_1730, %get3A_1758 : vector<16xf32>
            %add3A_1766 = arith.addf %add3A_1654, %mul3A_1765 : vector<16xf32>
            %get3A_1767 = arith.constant 11 : i32
            %get3A_1768 = arith.index_cast %get3A_1767 : i32 to index
            %get3A_1769 = arith.constant 48 : index
            %get3A_1770 = tpu.vector_load %arg11[%get3A_1768, %get3A_1769] {strides = array<i32>} : memref<16x128xf32, #tpu.memory_space<vmem>>, vector<16xf32>,
            %mul3A_1771 = arith.mulf %gather3A_1718, %get3A_1770 : vector<16xf32>
            %add3A_1772 = arith.addf %add3A_1660, %mul3A_1771 : vector<16xf32>
            %mul3A_1773 = arith.mulf %gather3A_1722, %get3A_1770 : vector<16xf32>
            %add3A_1774 = arith.addf %add3A_1662, %mul3A_1773 : vector<16xf32>
            %mul3A_1775 = arith.mulf %gather3A_1726, %get3A_1770 : vector<16xf32>
            %add3A_1776 = arith.addf %add3A_1664, %mul3A_1775 : vector<16xf32>
            %mul3A_1777 = arith.mulf %gather3A_1730, %get3A_1770 : vector<16xf32>
            %add3A_1778 = arith.addf %add3A_1666, %mul3A_1777 : vector<16xf32>
            %get3A_1779 = arith.constant 11 : i32
            %get3A_1780 = arith.index_cast %get3A_1779 : i32 to index
            %get3A_1781 = arith.constant 64 : index
            %get3A_1782 = tpu.vector_load %arg11[%get3A_1780, %get3A_1781] {strides = array<i32>} : memref<16x128xf32, #tpu.memory_space<vmem>>, vector<16xf32>,
            %mul3A_1783 = arith.mulf %gather3A_1718, %get3A_1782 : vector<16xf32>
            %add3A_1784 = arith.addf %add3A_1672, %mul3A_1783 : vector<16xf32>
            %mul3A_1785 = arith.mulf %gather3A_1722, %get3A_1782 : vector<16xf32>
            %add3A_1786 = arith.addf %add3A_1674, %mul3A_1785 : vector<16xf32>
            %mul3A_1787 = arith.mulf %gather3A_1726, %get3A_1782 : vector<16xf32>
            %add3A_1788 = arith.addf %add3A_1676, %mul3A_1787 : vector<16xf32>
            %mul3A_1789 = arith.mulf %gather3A_1730, %get3A_1782 : vector<16xf32>
            %add3A_1790 = arith.addf %add3A_1678, %mul3A_1789 : vector<16xf32>
            %get3A_1791 = arith.constant 11 : i32
            %get3A_1792 = arith.index_cast %get3A_1791 : i32 to index
            %get3A_1793 = arith.constant 80 : index
            %get3A_1794 = tpu.vector_load %arg11[%get3A_1792, %get3A_1793] {strides = array<i32>} : memref<16x128xf32, #tpu.memory_space<vmem>>, vector<16xf32>,
            %mul3A_1795 = arith.mulf %gather3A_1718, %get3A_1794 : vector<16xf32>
            %add3A_1796 = arith.addf %add3A_1684, %mul3A_1795 : vector<16xf32>
            %mul3A_1797 = arith.mulf %gather3A_1722, %get3A_1794 : vector<16xf32>
            %add3A_1798 = arith.addf %add3A_1686, %mul3A_1797 : vector<16xf32>
            %mul3A_1799 = arith.mulf %gather3A_1726, %get3A_1794 : vector<16xf32>
            %add3A_1800 = arith.addf %add3A_1688, %mul3A_1799 : vector<16xf32>
            %mul3A_1801 = arith.mulf %gather3A_1730, %get3A_1794 : vector<16xf32>
            %add3A_1802 = arith.addf %add3A_1690, %mul3A_1801 : vector<16xf32>
            %get3A_1803 = arith.constant 11 : i32
            %get3A_1804 = arith.index_cast %get3A_1803 : i32 to index
            %get3A_1805 = arith.constant 96 : index
            %get3A_1806 = tpu.vector_load %arg11[%get3A_1804, %get3A_1805] {strides = array<i32>} : memref<16x128xf32, #tpu.memory_space<vmem>>, vector<16xf32>,
            %mul3A_1807 = arith.mulf %gather3A_1718, %get3A_1806 : vector<16xf32>
            %add3A_1808 = arith.addf %add3A_1696, %mul3A_1807 : vector<16xf32>
            %mul3A_1809 = arith.mulf %gather3A_1722, %get3A_1806 : vector<16xf32>
            %add3A_1810 = arith.addf %add3A_1698, %mul3A_1809 : vector<16xf32>
            %mul3A_1811 = arith.mulf %gather3A_1726, %get3A_1806 : vector<16xf32>
            %add3A_1812 = arith.addf %add3A_1700, %mul3A_1811 : vector<16xf32>
            %mul3A_1813 = arith.mulf %gather3A_1730, %get3A_1806 : vector<16xf32>
            %add3A_1814 = arith.addf %add3A_1702, %mul3A_1813 : vector<16xf32>
            %get3A_1815 = arith.constant 11 : i32
            %get3A_1816 = arith.index_cast %get3A_1815 : i32 to index
            %get3A_1817 = arith.constant 112 : index
            %get3A_1818 = tpu.vector_load %arg11[%get3A_1816, %get3A_1817] {strides = array<i32>} : memref<16x128xf32, #tpu.memory_space<vmem>>, vector<16xf32>,
            %mul3A_1819 = arith.mulf %gather3A_1718, %get3A_1818 : vector<16xf32>
            %add3A_1820 = arith.addf %add3A_1708, %mul3A_1819 : vector<16xf32>
            %mul3A_1821 = arith.mulf %gather3A_1722, %get3A_1818 : vector<16xf32>
            %add3A_1822 = arith.addf %add3A_1710, %mul3A_1821 : vector<16xf32>
            %mul3A_1823 = arith.mulf %gather3A_1726, %get3A_1818 : vector<16xf32>
            %add3A_1824 = arith.addf %add3A_1712, %mul3A_1823 : vector<16xf32>
            %mul3A_1825 = arith.mulf %gather3A_1730, %get3A_1818 : vector<16xf32>
            %add3A_1826 = arith.addf %add3A_1714, %mul3A_1825 : vector<16xf32>
            %broadcast_in_dim3A_1827 = arith.constant 12 : i32
            %broadcast_in_dim3A_1828 = vector.broadcast %broadcast_in_dim3A_1827 : i32 to vector<16x1xi32>
            %gather3A_1829 = vector.shape_cast %broadcast_in_dim3A_1828 : vector<16x1xi32> to vector<16xi32>
            %gather3A_1830 = tpu.dynamic_gather %convert_element_type3A_409[%gather3A_1829] in [0] : vector<16xf32>, vector<16xi32> -> vector<16xf32>
            %broadcast_in_dim3A_1831 = arith.constant 12 : i32
            %broadcast_in_dim3A_1832 = vector.broadcast %broadcast_in_dim3A_1831 : i32 to vector<16x1xi32>
            %gather3A_1833 = vector.shape_cast %broadcast_in_dim3A_1832 : vector<16x1xi32> to vector<16xi32>
            %gather3A_1834 = tpu.dynamic_gather %convert_element_type3A_412[%gather3A_1833] in [0] : vector<16xf32>, vector<16xi32> -> vector<16xf32>
            %broadcast_in_dim3A_1835 = arith.constant 12 : i32
            %broadcast_in_dim3A_1836 = vector.broadcast %broadcast_in_dim3A_1835 : i32 to vector<16x1xi32>
            %gather3A_1837 = vector.shape_cast %broadcast_in_dim3A_1836 : vector<16x1xi32> to vector<16xi32>
            %gather3A_1838 = tpu.dynamic_gather %mul3A_417[%gather3A_1837] in [0] : vector<16xf32>, vector<16xi32> -> vector<16xf32>
            %broadcast_in_dim3A_1839 = arith.constant 12 : i32
            %broadcast_in_dim3A_1840 = vector.broadcast %broadcast_in_dim3A_1839 : i32 to vector<16x1xi32>
            %gather3A_1841 = vector.shape_cast %broadcast_in_dim3A_1840 : vector<16x1xi32> to vector<16xi32>
            %gather3A_1842 = tpu.dynamic_gather %mul3A_418[%gather3A_1841] in [0] : vector<16xf32>, vector<16xi32> -> vector<16xf32>
            %get3A_1843 = arith.constant 12 : i32
            %get3A_1844 = arith.index_cast %get3A_1843 : i32 to index
            %get3A_1845 = arith.constant 0 : index
            %get3A_1846 = tpu.vector_load %arg11[%get3A_1844, %get3A_1845] {strides = array<i32>} : memref<16x128xf32, #tpu.memory_space<vmem>>, vector<16xf32>,
            %mul3A_1847 = arith.mulf %gather3A_1830, %get3A_1846 : vector<16xf32>
            %add3A_1848 = arith.addf %add3A_1736, %mul3A_1847 : vector<16xf32>
            %mul3A_1849 = arith.mulf %gather3A_1834, %get3A_1846 : vector<16xf32>
            %add3A_1850 = arith.addf %add3A_1738, %mul3A_1849 : vector<16xf32>
            %mul3A_1851 = arith.mulf %gather3A_1838, %get3A_1846 : vector<16xf32>
            %add3A_1852 = arith.addf %add3A_1740, %mul3A_1851 : vector<16xf32>
            %mul3A_1853 = arith.mulf %gather3A_1842, %get3A_1846 : vector<16xf32>
            %add3A_1854 = arith.addf %add3A_1742, %mul3A_1853 : vector<16xf32>
            %get3A_1855 = arith.constant 12 : i32
            %get3A_1856 = arith.index_cast %get3A_1855 : i32 to index
            %get3A_1857 = arith.constant 16 : index
            %get3A_1858 = tpu.vector_load %arg11[%get3A_1856, %get3A_1857] {strides = array<i32>} : memref<16x128xf32, #tpu.memory_space<vmem>>, vector<16xf32>,
            %mul3A_1859 = arith.mulf %gather3A_1830, %get3A_1858 : vector<16xf32>
            %add3A_1860 = arith.addf %add3A_1748, %mul3A_1859 : vector<16xf32>
            %mul3A_1861 = arith.mulf %gather3A_1834, %get3A_1858 : vector<16xf32>
            %add3A_1862 = arith.addf %add3A_1750, %mul3A_1861 : vector<16xf32>
            %mul3A_1863 = arith.mulf %gather3A_1838, %get3A_1858 : vector<16xf32>
            %add3A_1864 = arith.addf %add3A_1752, %mul3A_1863 : vector<16xf32>
            %mul3A_1865 = arith.mulf %gather3A_1842, %get3A_1858 : vector<16xf32>
            %add3A_1866 = arith.addf %add3A_1754, %mul3A_1865 : vector<16xf32>
            %get3A_1867 = arith.constant 12 : i32
            %get3A_1868 = arith.index_cast %get3A_1867 : i32 to index
            %get3A_1869 = arith.constant 32 : index
            %get3A_1870 = tpu.vector_load %arg11[%get3A_1868, %get3A_1869] {strides = array<i32>} : memref<16x128xf32, #tpu.memory_space<vmem>>, vector<16xf32>,
            %mul3A_1871 = arith.mulf %gather3A_1830, %get3A_1870 : vector<16xf32>
            %add3A_1872 = arith.addf %add3A_1760, %mul3A_1871 : vector<16xf32>
            %mul3A_1873 = arith.mulf %gather3A_1834, %get3A_1870 : vector<16xf32>
            %add3A_1874 = arith.addf %add3A_1762, %mul3A_1873 : vector<16xf32>
            %mul3A_1875 = arith.mulf %gather3A_1838, %get3A_1870 : vector<16xf32>
            %add3A_1876 = arith.addf %add3A_1764, %mul3A_1875 : vector<16xf32>
            %mul3A_1877 = arith.mulf %gather3A_1842, %get3A_1870 : vector<16xf32>
            %add3A_1878 = arith.addf %add3A_1766, %mul3A_1877 : vector<16xf32>
            %get3A_1879 = arith.constant 12 : i32
            %get3A_1880 = arith.index_cast %get3A_1879 : i32 to index
            %get3A_1881 = arith.constant 48 : index
            %get3A_1882 = tpu.vector_load %arg11[%get3A_1880, %get3A_1881] {strides = array<i32>} : memref<16x128xf32, #tpu.memory_space<vmem>>, vector<16xf32>,
            %mul3A_1883 = arith.mulf %gather3A_1830, %get3A_1882 : vector<16xf32>
            %add3A_1884 = arith.addf %add3A_1772, %mul3A_1883 : vector<16xf32>
            %mul3A_1885 = arith.mulf %gather3A_1834, %get3A_1882 : vector<16xf32>
            %add3A_1886 = arith.addf %add3A_1774, %mul3A_1885 : vector<16xf32>
            %mul3A_1887 = arith.mulf %gather3A_1838, %get3A_1882 : vector<16xf32>
            %add3A_1888 = arith.addf %add3A_1776, %mul3A_1887 : vector<16xf32>
            %mul3A_1889 = arith.mulf %gather3A_1842, %get3A_1882 : vector<16xf32>
            %add3A_1890 = arith.addf %add3A_1778, %mul3A_1889 : vector<16xf32>
            %get3A_1891 = arith.constant 12 : i32
            %get3A_1892 = arith.index_cast %get3A_1891 : i32 to index
            %get3A_1893 = arith.constant 64 : index
            %get3A_1894 = tpu.vector_load %arg11[%get3A_1892, %get3A_1893] {strides = array<i32>} : memref<16x128xf32, #tpu.memory_space<vmem>>, vector<16xf32>,
            %mul3A_1895 = arith.mulf %gather3A_1830, %get3A_1894 : vector<16xf32>
            %add3A_1896 = arith.addf %add3A_1784, %mul3A_1895 : vector<16xf32>
            %mul3A_1897 = arith.mulf %gather3A_1834, %get3A_1894 : vector<16xf32>
            %add3A_1898 = arith.addf %add3A_1786, %mul3A_1897 : vector<16xf32>
            %mul3A_1899 = arith.mulf %gather3A_1838, %get3A_1894 : vector<16xf32>
            %add3A_1900 = arith.addf %add3A_1788, %mul3A_1899 : vector<16xf32>
            %mul3A_1901 = arith.mulf %gather3A_1842, %get3A_1894 : vector<16xf32>
            %add3A_1902 = arith.addf %add3A_1790, %mul3A_1901 : vector<16xf32>
            %get3A_1903 = arith.constant 12 : i32
            %get3A_1904 = arith.index_cast %get3A_1903 : i32 to index
            %get3A_1905 = arith.constant 80 : index
            %get3A_1906 = tpu.vector_load %arg11[%get3A_1904, %get3A_1905] {strides = array<i32>} : memref<16x128xf32, #tpu.memory_space<vmem>>, vector<16xf32>,
            %mul3A_1907 = arith.mulf %gather3A_1830, %get3A_1906 : vector<16xf32>
            %add3A_1908 = arith.addf %add3A_1796, %mul3A_1907 : vector<16xf32>
            %mul3A_1909 = arith.mulf %gather3A_1834, %get3A_1906 : vector<16xf32>
            %add3A_1910 = arith.addf %add3A_1798, %mul3A_1909 : vector<16xf32>
            %mul3A_1911 = arith.mulf %gather3A_1838, %get3A_1906 : vector<16xf32>
            %add3A_1912 = arith.addf %add3A_1800, %mul3A_1911 : vector<16xf32>
            %mul3A_1913 = arith.mulf %gather3A_1842, %get3A_1906 : vector<16xf32>
            %add3A_1914 = arith.addf %add3A_1802, %mul3A_1913 : vector<16xf32>
            %get3A_1915 = arith.constant 12 : i32
            %get3A_1916 = arith.index_cast %get3A_1915 : i32 to index
            %get3A_1917 = arith.constant 96 : index
            %get3A_1918 = tpu.vector_load %arg11[%get3A_1916, %get3A_1917] {strides = array<i32>} : memref<16x128xf32, #tpu.memory_space<vmem>>, vector<16xf32>,
            %mul3A_1919 = arith.mulf %gather3A_1830, %get3A_1918 : vector<16xf32>
            %add3A_1920 = arith.addf %add3A_1808, %mul3A_1919 : vector<16xf32>
            %mul3A_1921 = arith.mulf %gather3A_1834, %get3A_1918 : vector<16xf32>
            %add3A_1922 = arith.addf %add3A_1810, %mul3A_1921 : vector<16xf32>
            %mul3A_1923 = arith.mulf %gather3A_1838, %get3A_1918 : vector<16xf32>
            %add3A_1924 = arith.addf %add3A_1812, %mul3A_1923 : vector<16xf32>
            %mul3A_1925 = arith.mulf %gather3A_1842, %get3A_1918 : vector<16xf32>
            %add3A_1926 = arith.addf %add3A_1814, %mul3A_1925 : vector<16xf32>
            %get3A_1927 = arith.constant 12 : i32
            %get3A_1928 = arith.index_cast %get3A_1927 : i32 to index
            %get3A_1929 = arith.constant 112 : index
            %get3A_1930 = tpu.vector_load %arg11[%get3A_1928, %get3A_1929] {strides = array<i32>} : memref<16x128xf32, #tpu.memory_space<vmem>>, vector<16xf32>,
            %mul3A_1931 = arith.mulf %gather3A_1830, %get3A_1930 : vector<16xf32>
            %add3A_1932 = arith.addf %add3A_1820, %mul3A_1931 : vector<16xf32>
            %mul3A_1933 = arith.mulf %gather3A_1834, %get3A_1930 : vector<16xf32>
            %add3A_1934 = arith.addf %add3A_1822, %mul3A_1933 : vector<16xf32>
            %mul3A_1935 = arith.mulf %gather3A_1838, %get3A_1930 : vector<16xf32>
            %add3A_1936 = arith.addf %add3A_1824, %mul3A_1935 : vector<16xf32>
            %mul3A_1937 = arith.mulf %gather3A_1842, %get3A_1930 : vector<16xf32>
            %add3A_1938 = arith.addf %add3A_1826, %mul3A_1937 : vector<16xf32>
            %broadcast_in_dim3A_1939 = arith.constant 13 : i32
            %broadcast_in_dim3A_1940 = vector.broadcast %broadcast_in_dim3A_1939 : i32 to vector<16x1xi32>
            %gather3A_1941 = vector.shape_cast %broadcast_in_dim3A_1940 : vector<16x1xi32> to vector<16xi32>
            %gather3A_1942 = tpu.dynamic_gather %convert_element_type3A_409[%gather3A_1941] in [0] : vector<16xf32>, vector<16xi32> -> vector<16xf32>
            %broadcast_in_dim3A_1943 = arith.constant 13 : i32
            %broadcast_in_dim3A_1944 = vector.broadcast %broadcast_in_dim3A_1943 : i32 to vector<16x1xi32>
            %gather3A_1945 = vector.shape_cast %broadcast_in_dim3A_1944 : vector<16x1xi32> to vector<16xi32>
            %gather3A_1946 = tpu.dynamic_gather %convert_element_type3A_412[%gather3A_1945] in [0] : vector<16xf32>, vector<16xi32> -> vector<16xf32>
            %broadcast_in_dim3A_1947 = arith.constant 13 : i32
            %broadcast_in_dim3A_1948 = vector.broadcast %broadcast_in_dim3A_1947 : i32 to vector<16x1xi32>
            %gather3A_1949 = vector.shape_cast %broadcast_in_dim3A_1948 : vector<16x1xi32> to vector<16xi32>
            %gather3A_1950 = tpu.dynamic_gather %mul3A_417[%gather3A_1949] in [0] : vector<16xf32>, vector<16xi32> -> vector<16xf32>
            %broadcast_in_dim3A_1951 = arith.constant 13 : i32
            %broadcast_in_dim3A_1952 = vector.broadcast %broadcast_in_dim3A_1951 : i32 to vector<16x1xi32>
            %gather3A_1953 = vector.shape_cast %broadcast_in_dim3A_1952 : vector<16x1xi32> to vector<16xi32>
            %gather3A_1954 = tpu.dynamic_gather %mul3A_418[%gather3A_1953] in [0] : vector<16xf32>, vector<16xi32> -> vector<16xf32>
            %get3A_1955 = arith.constant 13 : i32
            %get3A_1956 = arith.index_cast %get3A_1955 : i32 to index
            %get3A_1957 = arith.constant 0 : index
            %get3A_1958 = tpu.vector_load %arg11[%get3A_1956, %get3A_1957] {strides = array<i32>} : memref<16x128xf32, #tpu.memory_space<vmem>>, vector<16xf32>,
            %mul3A_1959 = arith.mulf %gather3A_1942, %get3A_1958 : vector<16xf32>
            %add3A_1960 = arith.addf %add3A_1848, %mul3A_1959 : vector<16xf32>
            %mul3A_1961 = arith.mulf %gather3A_1946, %get3A_1958 : vector<16xf32>
            %add3A_1962 = arith.addf %add3A_1850, %mul3A_1961 : vector<16xf32>
            %mul3A_1963 = arith.mulf %gather3A_1950, %get3A_1958 : vector<16xf32>
            %add3A_1964 = arith.addf %add3A_1852, %mul3A_1963 : vector<16xf32>
            %mul3A_1965 = arith.mulf %gather3A_1954, %get3A_1958 : vector<16xf32>
            %add3A_1966 = arith.addf %add3A_1854, %mul3A_1965 : vector<16xf32>
            %get3A_1967 = arith.constant 13 : i32
            %get3A_1968 = arith.index_cast %get3A_1967 : i32 to index
            %get3A_1969 = arith.constant 16 : index
            %get3A_1970 = tpu.vector_load %arg11[%get3A_1968, %get3A_1969] {strides = array<i32>} : memref<16x128xf32, #tpu.memory_space<vmem>>, vector<16xf32>,
            %mul3A_1971 = arith.mulf %gather3A_1942, %get3A_1970 : vector<16xf32>
            %add3A_1972 = arith.addf %add3A_1860, %mul3A_1971 : vector<16xf32>
            %mul3A_1973 = arith.mulf %gather3A_1946, %get3A_1970 : vector<16xf32>
            %add3A_1974 = arith.addf %add3A_1862, %mul3A_1973 : vector<16xf32>
            %mul3A_1975 = arith.mulf %gather3A_1950, %get3A_1970 : vector<16xf32>
            %add3A_1976 = arith.addf %add3A_1864, %mul3A_1975 : vector<16xf32>
            %mul3A_1977 = arith.mulf %gather3A_1954, %get3A_1970 : vector<16xf32>
            %add3A_1978 = arith.addf %add3A_1866, %mul3A_1977 : vector<16xf32>
            %get3A_1979 = arith.constant 13 : i32
            %get3A_1980 = arith.index_cast %get3A_1979 : i32 to index
            %get3A_1981 = arith.constant 32 : index
            %get3A_1982 = tpu.vector_load %arg11[%get3A_1980, %get3A_1981] {strides = array<i32>} : memref<16x128xf32, #tpu.memory_space<vmem>>, vector<16xf32>,
            %mul3A_1983 = arith.mulf %gather3A_1942, %get3A_1982 : vector<16xf32>
            %add3A_1984 = arith.addf %add3A_1872, %mul3A_1983 : vector<16xf32>
            %mul3A_1985 = arith.mulf %gather3A_1946, %get3A_1982 : vector<16xf32>
            %add3A_1986 = arith.addf %add3A_1874, %mul3A_1985 : vector<16xf32>
            %mul3A_1987 = arith.mulf %gather3A_1950, %get3A_1982 : vector<16xf32>
            %add3A_1988 = arith.addf %add3A_1876, %mul3A_1987 : vector<16xf32>
            %mul3A_1989 = arith.mulf %gather3A_1954, %get3A_1982 : vector<16xf32>
            %add3A_1990 = arith.addf %add3A_1878, %mul3A_1989 : vector<16xf32>
            %get3A_1991 = arith.constant 13 : i32
            %get3A_1992 = arith.index_cast %get3A_1991 : i32 to index
            %get3A_1993 = arith.constant 48 : index
            %get3A_1994 = tpu.vector_load %arg11[%get3A_1992, %get3A_1993] {strides = array<i32>} : memref<16x128xf32, #tpu.memory_space<vmem>>, vector<16xf32>,
            %mul3A_1995 = arith.mulf %gather3A_1942, %get3A_1994 : vector<16xf32>
            %add3A_1996 = arith.addf %add3A_1884, %mul3A_1995 : vector<16xf32>
            %mul3A_1997 = arith.mulf %gather3A_1946, %get3A_1994 : vector<16xf32>
            %add3A_1998 = arith.addf %add3A_1886, %mul3A_1997 : vector<16xf32>
            %mul3A_1999 = arith.mulf %gather3A_1950, %get3A_1994 : vector<16xf32>
            %add3A_2000 = arith.addf %add3A_1888, %mul3A_1999 : vector<16xf32>
            %mul3A_2001 = arith.mulf %gather3A_1954, %get3A_1994 : vector<16xf32>
            %add3A_2002 = arith.addf %add3A_1890, %mul3A_2001 : vector<16xf32>
            %get3A_2003 = arith.constant 13 : i32
            %get3A_2004 = arith.index_cast %get3A_2003 : i32 to index
            %get3A_2005 = arith.constant 64 : index
            %get3A_2006 = tpu.vector_load %arg11[%get3A_2004, %get3A_2005] {strides = array<i32>} : memref<16x128xf32, #tpu.memory_space<vmem>>, vector<16xf32>,
            %mul3A_2007 = arith.mulf %gather3A_1942, %get3A_2006 : vector<16xf32>
            %add3A_2008 = arith.addf %add3A_1896, %mul3A_2007 : vector<16xf32>
            %mul3A_2009 = arith.mulf %gather3A_1946, %get3A_2006 : vector<16xf32>
            %add3A_2010 = arith.addf %add3A_1898, %mul3A_2009 : vector<16xf32>
            %mul3A_2011 = arith.mulf %gather3A_1950, %get3A_2006 : vector<16xf32>
            %add3A_2012 = arith.addf %add3A_1900, %mul3A_2011 : vector<16xf32>
            %mul3A_2013 = arith.mulf %gather3A_1954, %get3A_2006 : vector<16xf32>
            %add3A_2014 = arith.addf %add3A_1902, %mul3A_2013 : vector<16xf32>
            %get3A_2015 = arith.constant 13 : i32
            %get3A_2016 = arith.index_cast %get3A_2015 : i32 to index
            %get3A_2017 = arith.constant 80 : index
            %get3A_2018 = tpu.vector_load %arg11[%get3A_2016, %get3A_2017] {strides = array<i32>} : memref<16x128xf32, #tpu.memory_space<vmem>>, vector<16xf32>,
            %mul3A_2019 = arith.mulf %gather3A_1942, %get3A_2018 : vector<16xf32>
            %add3A_2020 = arith.addf %add3A_1908, %mul3A_2019 : vector<16xf32>
            %mul3A_2021 = arith.mulf %gather3A_1946, %get3A_2018 : vector<16xf32>
            %add3A_2022 = arith.addf %add3A_1910, %mul3A_2021 : vector<16xf32>
            %mul3A_2023 = arith.mulf %gather3A_1950, %get3A_2018 : vector<16xf32>
            %add3A_2024 = arith.addf %add3A_1912, %mul3A_2023 : vector<16xf32>
            %mul3A_2025 = arith.mulf %gather3A_1954, %get3A_2018 : vector<16xf32>
            %add3A_2026 = arith.addf %add3A_1914, %mul3A_2025 : vector<16xf32>
            %get3A_2027 = arith.constant 13 : i32
            %get3A_2028 = arith.index_cast %get3A_2027 : i32 to index
            %get3A_2029 = arith.constant 96 : index
            %get3A_2030 = tpu.vector_load %arg11[%get3A_2028, %get3A_2029] {strides = array<i32>} : memref<16x128xf32, #tpu.memory_space<vmem>>, vector<16xf32>,
            %mul3A_2031 = arith.mulf %gather3A_1942, %get3A_2030 : vector<16xf32>
            %add3A_2032 = arith.addf %add3A_1920, %mul3A_2031 : vector<16xf32>
            %mul3A_2033 = arith.mulf %gather3A_1946, %get3A_2030 : vector<16xf32>
            %add3A_2034 = arith.addf %add3A_1922, %mul3A_2033 : vector<16xf32>
            %mul3A_2035 = arith.mulf %gather3A_1950, %get3A_2030 : vector<16xf32>
            %add3A_2036 = arith.addf %add3A_1924, %mul3A_2035 : vector<16xf32>
            %mul3A_2037 = arith.mulf %gather3A_1954, %get3A_2030 : vector<16xf32>
            %add3A_2038 = arith.addf %add3A_1926, %mul3A_2037 : vector<16xf32>
            %get3A_2039 = arith.constant 13 : i32
            %get3A_2040 = arith.index_cast %get3A_2039 : i32 to index
            %get3A_2041 = arith.constant 112 : index
            %get3A_2042 = tpu.vector_load %arg11[%get3A_2040, %get3A_2041] {strides = array<i32>} : memref<16x128xf32, #tpu.memory_space<vmem>>, vector<16xf32>,
            %mul3A_2043 = arith.mulf %gather3A_1942, %get3A_2042 : vector<16xf32>
            %add3A_2044 = arith.addf %add3A_1932, %mul3A_2043 : vector<16xf32>
            %mul3A_2045 = arith.mulf %gather3A_1946, %get3A_2042 : vector<16xf32>
            %add3A_2046 = arith.addf %add3A_1934, %mul3A_2045 : vector<16xf32>
            %mul3A_2047 = arith.mulf %gather3A_1950, %get3A_2042 : vector<16xf32>
            %add3A_2048 = arith.addf %add3A_1936, %mul3A_2047 : vector<16xf32>
            %mul3A_2049 = arith.mulf %gather3A_1954, %get3A_2042 : vector<16xf32>
            %add3A_2050 = arith.addf %add3A_1938, %mul3A_2049 : vector<16xf32>
            %broadcast_in_dim3A_2051 = arith.constant 14 : i32
            %broadcast_in_dim3A_2052 = vector.broadcast %broadcast_in_dim3A_2051 : i32 to vector<16x1xi32>
            %gather3A_2053 = vector.shape_cast %broadcast_in_dim3A_2052 : vector<16x1xi32> to vector<16xi32>
            %gather3A_2054 = tpu.dynamic_gather %convert_element_type3A_409[%gather3A_2053] in [0] : vector<16xf32>, vector<16xi32> -> vector<16xf32>
            %broadcast_in_dim3A_2055 = arith.constant 14 : i32
            %broadcast_in_dim3A_2056 = vector.broadcast %broadcast_in_dim3A_2055 : i32 to vector<16x1xi32>
            %gather3A_2057 = vector.shape_cast %broadcast_in_dim3A_2056 : vector<16x1xi32> to vector<16xi32>
            %gather3A_2058 = tpu.dynamic_gather %convert_element_type3A_412[%gather3A_2057] in [0] : vector<16xf32>, vector<16xi32> -> vector<16xf32>
            %broadcast_in_dim3A_2059 = arith.constant 14 : i32
            %broadcast_in_dim3A_2060 = vector.broadcast %broadcast_in_dim3A_2059 : i32 to vector<16x1xi32>
            %gather3A_2061 = vector.shape_cast %broadcast_in_dim3A_2060 : vector<16x1xi32> to vector<16xi32>
            %gather3A_2062 = tpu.dynamic_gather %mul3A_417[%gather3A_2061] in [0] : vector<16xf32>, vector<16xi32> -> vector<16xf32>
            %broadcast_in_dim3A_2063 = arith.constant 14 : i32
            %broadcast_in_dim3A_2064 = vector.broadcast %broadcast_in_dim3A_2063 : i32 to vector<16x1xi32>
            %gather3A_2065 = vector.shape_cast %broadcast_in_dim3A_2064 : vector<16x1xi32> to vector<16xi32>
            %gather3A_2066 = tpu.dynamic_gather %mul3A_418[%gather3A_2065] in [0] : vector<16xf32>, vector<16xi32> -> vector<16xf32>
            %get3A_2067 = arith.constant 14 : i32
            %get3A_2068 = arith.index_cast %get3A_2067 : i32 to index
            %get3A_2069 = arith.constant 0 : index
            %get3A_2070 = tpu.vector_load %arg11[%get3A_2068, %get3A_2069] {strides = array<i32>} : memref<16x128xf32, #tpu.memory_space<vmem>>, vector<16xf32>,
            %mul3A_2071 = arith.mulf %gather3A_2054, %get3A_2070 : vector<16xf32>
            %add3A_2072 = arith.addf %add3A_1960, %mul3A_2071 : vector<16xf32>
            %mul3A_2073 = arith.mulf %gather3A_2058, %get3A_2070 : vector<16xf32>
            %add3A_2074 = arith.addf %add3A_1962, %mul3A_2073 : vector<16xf32>
            %mul3A_2075 = arith.mulf %gather3A_2062, %get3A_2070 : vector<16xf32>
            %add3A_2076 = arith.addf %add3A_1964, %mul3A_2075 : vector<16xf32>
            %mul3A_2077 = arith.mulf %gather3A_2066, %get3A_2070 : vector<16xf32>
            %add3A_2078 = arith.addf %add3A_1966, %mul3A_2077 : vector<16xf32>
            %get3A_2079 = arith.constant 14 : i32
            %get3A_2080 = arith.index_cast %get3A_2079 : i32 to index
            %get3A_2081 = arith.constant 16 : index
            %get3A_2082 = tpu.vector_load %arg11[%get3A_2080, %get3A_2081] {strides = array<i32>} : memref<16x128xf32, #tpu.memory_space<vmem>>, vector<16xf32>,
            %mul3A_2083 = arith.mulf %gather3A_2054, %get3A_2082 : vector<16xf32>
            %add3A_2084 = arith.addf %add3A_1972, %mul3A_2083 : vector<16xf32>
            %mul3A_2085 = arith.mulf %gather3A_2058, %get3A_2082 : vector<16xf32>
            %add3A_2086 = arith.addf %add3A_1974, %mul3A_2085 : vector<16xf32>
            %mul3A_2087 = arith.mulf %gather3A_2062, %get3A_2082 : vector<16xf32>
            %add3A_2088 = arith.addf %add3A_1976, %mul3A_2087 : vector<16xf32>
            %mul3A_2089 = arith.mulf %gather3A_2066, %get3A_2082 : vector<16xf32>
            %add3A_2090 = arith.addf %add3A_1978, %mul3A_2089 : vector<16xf32>
            %get3A_2091 = arith.constant 14 : i32
            %get3A_2092 = arith.index_cast %get3A_2091 : i32 to index
            %get3A_2093 = arith.constant 32 : index
            %get3A_2094 = tpu.vector_load %arg11[%get3A_2092, %get3A_2093] {strides = array<i32>} : memref<16x128xf32, #tpu.memory_space<vmem>>, vector<16xf32>,
            %mul3A_2095 = arith.mulf %gather3A_2054, %get3A_2094 : vector<16xf32>
            %add3A_2096 = arith.addf %add3A_1984, %mul3A_2095 : vector<16xf32>
            %mul3A_2097 = arith.mulf %gather3A_2058, %get3A_2094 : vector<16xf32>
            %add3A_2098 = arith.addf %add3A_1986, %mul3A_2097 : vector<16xf32>
            %mul3A_2099 = arith.mulf %gather3A_2062, %get3A_2094 : vector<16xf32>
            %add3A_2100 = arith.addf %add3A_1988, %mul3A_2099 : vector<16xf32>
            %mul3A_2101 = arith.mulf %gather3A_2066, %get3A_2094 : vector<16xf32>
            %add3A_2102 = arith.addf %add3A_1990, %mul3A_2101 : vector<16xf32>
            %get3A_2103 = arith.constant 14 : i32
            %get3A_2104 = arith.index_cast %get3A_2103 : i32 to index
            %get3A_2105 = arith.constant 48 : index
            %get3A_2106 = tpu.vector_load %arg11[%get3A_2104, %get3A_2105] {strides = array<i32>} : memref<16x128xf32, #tpu.memory_space<vmem>>, vector<16xf32>,
            %mul3A_2107 = arith.mulf %gather3A_2054, %get3A_2106 : vector<16xf32>
            %add3A_2108 = arith.addf %add3A_1996, %mul3A_2107 : vector<16xf32>
            %mul3A_2109 = arith.mulf %gather3A_2058, %get3A_2106 : vector<16xf32>
            %add3A_2110 = arith.addf %add3A_1998, %mul3A_2109 : vector<16xf32>
            %mul3A_2111 = arith.mulf %gather3A_2062, %get3A_2106 : vector<16xf32>
            %add3A_2112 = arith.addf %add3A_2000, %mul3A_2111 : vector<16xf32>
            %mul3A_2113 = arith.mulf %gather3A_2066, %get3A_2106 : vector<16xf32>
            %add3A_2114 = arith.addf %add3A_2002, %mul3A_2113 : vector<16xf32>
            %get3A_2115 = arith.constant 14 : i32
            %get3A_2116 = arith.index_cast %get3A_2115 : i32 to index
            %get3A_2117 = arith.constant 64 : index
            %get3A_2118 = tpu.vector_load %arg11[%get3A_2116, %get3A_2117] {strides = array<i32>} : memref<16x128xf32, #tpu.memory_space<vmem>>, vector<16xf32>,
            %mul3A_2119 = arith.mulf %gather3A_2054, %get3A_2118 : vector<16xf32>
            %add3A_2120 = arith.addf %add3A_2008, %mul3A_2119 : vector<16xf32>
            %mul3A_2121 = arith.mulf %gather3A_2058, %get3A_2118 : vector<16xf32>
            %add3A_2122 = arith.addf %add3A_2010, %mul3A_2121 : vector<16xf32>
            %mul3A_2123 = arith.mulf %gather3A_2062, %get3A_2118 : vector<16xf32>
            %add3A_2124 = arith.addf %add3A_2012, %mul3A_2123 : vector<16xf32>
            %mul3A_2125 = arith.mulf %gather3A_2066, %get3A_2118 : vector<16xf32>
            %add3A_2126 = arith.addf %add3A_2014, %mul3A_2125 : vector<16xf32>
            %get3A_2127 = arith.constant 14 : i32
            %get3A_2128 = arith.index_cast %get3A_2127 : i32 to index
            %get3A_2129 = arith.constant 80 : index
            %get3A_2130 = tpu.vector_load %arg11[%get3A_2128, %get3A_2129] {strides = array<i32>} : memref<16x128xf32, #tpu.memory_space<vmem>>, vector<16xf32>,
            %mul3A_2131 = arith.mulf %gather3A_2054, %get3A_2130 : vector<16xf32>
            %add3A_2132 = arith.addf %add3A_2020, %mul3A_2131 : vector<16xf32>
            %mul3A_2133 = arith.mulf %gather3A_2058, %get3A_2130 : vector<16xf32>
            %add3A_2134 = arith.addf %add3A_2022, %mul3A_2133 : vector<16xf32>
            %mul3A_2135 = arith.mulf %gather3A_2062, %get3A_2130 : vector<16xf32>
            %add3A_2136 = arith.addf %add3A_2024, %mul3A_2135 : vector<16xf32>
            %mul3A_2137 = arith.mulf %gather3A_2066, %get3A_2130 : vector<16xf32>
            %add3A_2138 = arith.addf %add3A_2026, %mul3A_2137 : vector<16xf32>
            %get3A_2139 = arith.constant 14 : i32
            %get3A_2140 = arith.index_cast %get3A_2139 : i32 to index
            %get3A_2141 = arith.constant 96 : index
            %get3A_2142 = tpu.vector_load %arg11[%get3A_2140, %get3A_2141] {strides = array<i32>} : memref<16x128xf32, #tpu.memory_space<vmem>>, vector<16xf32>,
            %mul3A_2143 = arith.mulf %gather3A_2054, %get3A_2142 : vector<16xf32>
            %add3A_2144 = arith.addf %add3A_2032, %mul3A_2143 : vector<16xf32>
            %mul3A_2145 = arith.mulf %gather3A_2058, %get3A_2142 : vector<16xf32>
            %add3A_2146 = arith.addf %add3A_2034, %mul3A_2145 : vector<16xf32>
            %mul3A_2147 = arith.mulf %gather3A_2062, %get3A_2142 : vector<16xf32>
            %add3A_2148 = arith.addf %add3A_2036, %mul3A_2147 : vector<16xf32>
            %mul3A_2149 = arith.mulf %gather3A_2066, %get3A_2142 : vector<16xf32>
            %add3A_2150 = arith.addf %add3A_2038, %mul3A_2149 : vector<16xf32>
            %get3A_2151 = arith.constant 14 : i32
            %get3A_2152 = arith.index_cast %get3A_2151 : i32 to index
            %get3A_2153 = arith.constant 112 : index
            %get3A_2154 = tpu.vector_load %arg11[%get3A_2152, %get3A_2153] {strides = array<i32>} : memref<16x128xf32, #tpu.memory_space<vmem>>, vector<16xf32>,
            %mul3A_2155 = arith.mulf %gather3A_2054, %get3A_2154 : vector<16xf32>
            %add3A_2156 = arith.addf %add3A_2044, %mul3A_2155 : vector<16xf32>
            %mul3A_2157 = arith.mulf %gather3A_2058, %get3A_2154 : vector<16xf32>
            %add3A_2158 = arith.addf %add3A_2046, %mul3A_2157 : vector<16xf32>
            %mul3A_2159 = arith.mulf %gather3A_2062, %get3A_2154 : vector<16xf32>
            %add3A_2160 = arith.addf %add3A_2048, %mul3A_2159 : vector<16xf32>
            %mul3A_2161 = arith.mulf %gather3A_2066, %get3A_2154 : vector<16xf32>
            %add3A_2162 = arith.addf %add3A_2050, %mul3A_2161 : vector<16xf32>
            %broadcast_in_dim3A_2163 = arith.constant 15 : i32
            %broadcast_in_dim3A_2164 = vector.broadcast %broadcast_in_dim3A_2163 : i32 to vector<16x1xi32>
            %gather3A_2165 = vector.shape_cast %broadcast_in_dim3A_2164 : vector<16x1xi32> to vector<16xi32>
            %gather3A_2166 = tpu.dynamic_gather %convert_element_type3A_409[%gather3A_2165] in [0] : vector<16xf32>, vector<16xi32> -> vector<16xf32>
            %broadcast_in_dim3A_2167 = arith.constant 15 : i32
            %broadcast_in_dim3A_2168 = vector.broadcast %broadcast_in_dim3A_2167 : i32 to vector<16x1xi32>
            %gather3A_2169 = vector.shape_cast %broadcast_in_dim3A_2168 : vector<16x1xi32> to vector<16xi32>
            %gather3A_2170 = tpu.dynamic_gather %convert_element_type3A_412[%gather3A_2169] in [0] : vector<16xf32>, vector<16xi32> -> vector<16xf32>
            %broadcast_in_dim3A_2171 = arith.constant 15 : i32
            %broadcast_in_dim3A_2172 = vector.broadcast %broadcast_in_dim3A_2171 : i32 to vector<16x1xi32>
            %gather3A_2173 = vector.shape_cast %broadcast_in_dim3A_2172 : vector<16x1xi32> to vector<16xi32>
            %gather3A_2174 = tpu.dynamic_gather %mul3A_417[%gather3A_2173] in [0] : vector<16xf32>, vector<16xi32> -> vector<16xf32>
            %broadcast_in_dim3A_2175 = arith.constant 15 : i32
            %broadcast_in_dim3A_2176 = vector.broadcast %broadcast_in_dim3A_2175 : i32 to vector<16x1xi32>
            %gather3A_2177 = vector.shape_cast %broadcast_in_dim3A_2176 : vector<16x1xi32> to vector<16xi32>
            %gather3A_2178 = tpu.dynamic_gather %mul3A_418[%gather3A_2177] in [0] : vector<16xf32>, vector<16xi32> -> vector<16xf32>
            %get3A_2179 = arith.constant 15 : i32
            %get3A_2180 = arith.index_cast %get3A_2179 : i32 to index
            %get3A_2181 = arith.constant 0 : index
            %get3A_2182 = tpu.vector_load %arg11[%get3A_2180, %get3A_2181] {strides = array<i32>} : memref<16x128xf32, #tpu.memory_space<vmem>>, vector<16xf32>,
            %mul3A_2183 = arith.mulf %gather3A_2166, %get3A_2182 : vector<16xf32>
            %add3A_2184 = arith.addf %add3A_2072, %mul3A_2183 : vector<16xf32>
            %mul3A_2185 = arith.mulf %gather3A_2170, %get3A_2182 : vector<16xf32>
            %add3A_2186 = arith.addf %add3A_2074, %mul3A_2185 : vector<16xf32>
            %mul3A_2187 = arith.mulf %gather3A_2174, %get3A_2182 : vector<16xf32>
            %add3A_2188 = arith.addf %add3A_2076, %mul3A_2187 : vector<16xf32>
            %mul3A_2189 = arith.mulf %gather3A_2178, %get3A_2182 : vector<16xf32>
            %add3A_2190 = arith.addf %add3A_2078, %mul3A_2189 : vector<16xf32>
            %get3A_2191 = arith.constant 15 : i32
            %get3A_2192 = arith.index_cast %get3A_2191 : i32 to index
            %get3A_2193 = arith.constant 16 : index
            %get3A_2194 = tpu.vector_load %arg11[%get3A_2192, %get3A_2193] {strides = array<i32>} : memref<16x128xf32, #tpu.memory_space<vmem>>, vector<16xf32>,
            %mul3A_2195 = arith.mulf %gather3A_2166, %get3A_2194 : vector<16xf32>
            %add3A_2196 = arith.addf %add3A_2084, %mul3A_2195 : vector<16xf32>
            %mul3A_2197 = arith.mulf %gather3A_2170, %get3A_2194 : vector<16xf32>
            %add3A_2198 = arith.addf %add3A_2086, %mul3A_2197 : vector<16xf32>
            %mul3A_2199 = arith.mulf %gather3A_2174, %get3A_2194 : vector<16xf32>
            %add3A_2200 = arith.addf %add3A_2088, %mul3A_2199 : vector<16xf32>
            %mul3A_2201 = arith.mulf %gather3A_2178, %get3A_2194 : vector<16xf32>
            %add3A_2202 = arith.addf %add3A_2090, %mul3A_2201 : vector<16xf32>
            %get3A_2203 = arith.constant 15 : i32
            %get3A_2204 = arith.index_cast %get3A_2203 : i32 to index
            %get3A_2205 = arith.constant 32 : index
            %get3A_2206 = tpu.vector_load %arg11[%get3A_2204, %get3A_2205] {strides = array<i32>} : memref<16x128xf32, #tpu.memory_space<vmem>>, vector<16xf32>,
            %mul3A_2207 = arith.mulf %gather3A_2166, %get3A_2206 : vector<16xf32>
            %add3A_2208 = arith.addf %add3A_2096, %mul3A_2207 : vector<16xf32>
            %mul3A_2209 = arith.mulf %gather3A_2170, %get3A_2206 : vector<16xf32>
            %add3A_2210 = arith.addf %add3A_2098, %mul3A_2209 : vector<16xf32>
            %mul3A_2211 = arith.mulf %gather3A_2174, %get3A_2206 : vector<16xf32>
            %add3A_2212 = arith.addf %add3A_2100, %mul3A_2211 : vector<16xf32>
            %mul3A_2213 = arith.mulf %gather3A_2178, %get3A_2206 : vector<16xf32>
            %add3A_2214 = arith.addf %add3A_2102, %mul3A_2213 : vector<16xf32>
            %get3A_2215 = arith.constant 15 : i32
            %get3A_2216 = arith.index_cast %get3A_2215 : i32 to index
            %get3A_2217 = arith.constant 48 : index
            %get3A_2218 = tpu.vector_load %arg11[%get3A_2216, %get3A_2217] {strides = array<i32>} : memref<16x128xf32, #tpu.memory_space<vmem>>, vector<16xf32>,
            %mul3A_2219 = arith.mulf %gather3A_2166, %get3A_2218 : vector<16xf32>
            %add3A_2220 = arith.addf %add3A_2108, %mul3A_2219 : vector<16xf32>
            %mul3A_2221 = arith.mulf %gather3A_2170, %get3A_2218 : vector<16xf32>
            %add3A_2222 = arith.addf %add3A_2110, %mul3A_2221 : vector<16xf32>
            %mul3A_2223 = arith.mulf %gather3A_2174, %get3A_2218 : vector<16xf32>
            %add3A_2224 = arith.addf %add3A_2112, %mul3A_2223 : vector<16xf32>
            %mul3A_2225 = arith.mulf %gather3A_2178, %get3A_2218 : vector<16xf32>
            %add3A_2226 = arith.addf %add3A_2114, %mul3A_2225 : vector<16xf32>
            %get3A_2227 = arith.constant 15 : i32
            %get3A_2228 = arith.index_cast %get3A_2227 : i32 to index
            %get3A_2229 = arith.constant 64 : index
            %get3A_2230 = tpu.vector_load %arg11[%get3A_2228, %get3A_2229] {strides = array<i32>} : memref<16x128xf32, #tpu.memory_space<vmem>>, vector<16xf32>,
            %mul3A_2231 = arith.mulf %gather3A_2166, %get3A_2230 : vector<16xf32>
            %add3A_2232 = arith.addf %add3A_2120, %mul3A_2231 : vector<16xf32>
            %mul3A_2233 = arith.mulf %gather3A_2170, %get3A_2230 : vector<16xf32>
            %add3A_2234 = arith.addf %add3A_2122, %mul3A_2233 : vector<16xf32>
            %mul3A_2235 = arith.mulf %gather3A_2174, %get3A_2230 : vector<16xf32>
            %add3A_2236 = arith.addf %add3A_2124, %mul3A_2235 : vector<16xf32>
            %mul3A_2237 = arith.mulf %gather3A_2178, %get3A_2230 : vector<16xf32>
            %add3A_2238 = arith.addf %add3A_2126, %mul3A_2237 : vector<16xf32>
            %get3A_2239 = arith.constant 15 : i32
            %get3A_2240 = arith.index_cast %get3A_2239 : i32 to index
            %get3A_2241 = arith.constant 80 : index
            %get3A_2242 = tpu.vector_load %arg11[%get3A_2240, %get3A_2241] {strides = array<i32>} : memref<16x128xf32, #tpu.memory_space<vmem>>, vector<16xf32>,
            %mul3A_2243 = arith.mulf %gather3A_2166, %get3A_2242 : vector<16xf32>
            %add3A_2244 = arith.addf %add3A_2132, %mul3A_2243 : vector<16xf32>
            %mul3A_2245 = arith.mulf %gather3A_2170, %get3A_2242 : vector<16xf32>
            %add3A_2246 = arith.addf %add3A_2134, %mul3A_2245 : vector<16xf32>
            %mul3A_2247 = arith.mulf %gather3A_2174, %get3A_2242 : vector<16xf32>
            %add3A_2248 = arith.addf %add3A_2136, %mul3A_2247 : vector<16xf32>
            %mul3A_2249 = arith.mulf %gather3A_2178, %get3A_2242 : vector<16xf32>
            %add3A_2250 = arith.addf %add3A_2138, %mul3A_2249 : vector<16xf32>
            %get3A_2251 = arith.constant 15 : i32
            %get3A_2252 = arith.index_cast %get3A_2251 : i32 to index
            %get3A_2253 = arith.constant 96 : index
            %get3A_2254 = tpu.vector_load %arg11[%get3A_2252, %get3A_2253] {strides = array<i32>} : memref<16x128xf32, #tpu.memory_space<vmem>>, vector<16xf32>,
            %mul3A_2255 = arith.mulf %gather3A_2166, %get3A_2254 : vector<16xf32>
            %add3A_2256 = arith.addf %add3A_2144, %mul3A_2255 : vector<16xf32>
            %mul3A_2257 = arith.mulf %gather3A_2170, %get3A_2254 : vector<16xf32>
            %add3A_2258 = arith.addf %add3A_2146, %mul3A_2257 : vector<16xf32>
            %mul3A_2259 = arith.mulf %gather3A_2174, %get3A_2254 : vector<16xf32>
            %add3A_2260 = arith.addf %add3A_2148, %mul3A_2259 : vector<16xf32>
            %mul3A_2261 = arith.mulf %gather3A_2178, %get3A_2254 : vector<16xf32>
            %add3A_2262 = arith.addf %add3A_2150, %mul3A_2261 : vector<16xf32>
            %get3A_2263 = arith.constant 15 : i32
            %get3A_2264 = arith.index_cast %get3A_2263 : i32 to index
            %get3A_2265 = arith.constant 112 : index
            %get3A_2266 = tpu.vector_load %arg11[%get3A_2264, %get3A_2265] {strides = array<i32>} : memref<16x128xf32, #tpu.memory_space<vmem>>, vector<16xf32>,
            %mul3A_2267 = arith.mulf %gather3A_2166, %get3A_2266 : vector<16xf32>
            %add3A_2268 = arith.addf %add3A_2156, %mul3A_2267 : vector<16xf32>
            %mul3A_2269 = arith.mulf %gather3A_2170, %get3A_2266 : vector<16xf32>
            %add3A_2270 = arith.addf %add3A_2158, %mul3A_2269 : vector<16xf32>
            %mul3A_2271 = arith.mulf %gather3A_2174, %get3A_2266 : vector<16xf32>
            %add3A_2272 = arith.addf %add3A_2160, %mul3A_2271 : vector<16xf32>
            %mul3A_2273 = arith.mulf %gather3A_2178, %get3A_2266 : vector<16xf32>
            %add3A_2274 = arith.addf %add3A_2162, %mul3A_2273 : vector<16xf32>
            %get3A_2275 = arith.constant 0 : i32
            %get3A_2276 = arith.index_cast %get3A_2275 : i32 to index
            %get3A_2277 = arith.constant 0 : index
            %get3A_2278 = tpu.vector_load %arg12[%get3A_2276, %get3A_2277] {strides = array<i32>} : memref<4x128xf32, #tpu.memory_space<vmem>>, vector<16xf32>,
            %add3A_2279 = arith.addf %get3A_2278, %add3A_2184 : vector<16xf32>
            %swap3A_2280 = arith.constant 0 : i32
            %swap3A_2281 = arith.index_cast %swap3A_2280 : i32 to index
            %swap3A_2282 = arith.constant 0 : index
            %swap3A_2283 = tpu.vector_load %arg12[%swap3A_2281, %swap3A_2282] {strides = array<i32>} : memref<4x128xf32, #tpu.memory_space<vmem>>, vector<16xf32>,
            tpu.vector_store %arg12[%swap3A_2281, %swap3A_2282], %add3A_2279 {strides = array<i32>} : memref<4x128xf32, #tpu.memory_space<vmem>>, vector<16xf32>,
            %get3A_2284 = arith.constant 0 : i32
            %get3A_2285 = arith.index_cast %get3A_2284 : i32 to index
            %get3A_2286 = arith.constant 16 : index
            %get3A_2287 = tpu.vector_load %arg12[%get3A_2285, %get3A_2286] {strides = array<i32>} : memref<4x128xf32, #tpu.memory_space<vmem>>, vector<16xf32>,
            %add3A_2288 = arith.addf %get3A_2287, %add3A_2196 : vector<16xf32>
            %swap3A_2289 = arith.constant 0 : i32
            %swap3A_2290 = arith.index_cast %swap3A_2289 : i32 to index
            %swap3A_2291 = arith.constant 16 : index
            %swap3A_2292 = tpu.vector_load %arg12[%swap3A_2290, %swap3A_2291] {strides = array<i32>} : memref<4x128xf32, #tpu.memory_space<vmem>>, vector<16xf32>,
            tpu.vector_store %arg12[%swap3A_2290, %swap3A_2291], %add3A_2288 {strides = array<i32>} : memref<4x128xf32, #tpu.memory_space<vmem>>, vector<16xf32>,
            %get3A_2293 = arith.constant 0 : i32
            %get3A_2294 = arith.index_cast %get3A_2293 : i32 to index
            %get3A_2295 = arith.constant 32 : index
            %get3A_2296 = tpu.vector_load %arg12[%get3A_2294, %get3A_2295] {strides = array<i32>} : memref<4x128xf32, #tpu.memory_space<vmem>>, vector<16xf32>,
            %add3A_2297 = arith.addf %get3A_2296, %add3A_2208 : vector<16xf32>
            %swap3A_2298 = arith.constant 0 : i32
            %swap3A_2299 = arith.index_cast %swap3A_2298 : i32 to index
            %swap3A_2300 = arith.constant 32 : index
            %swap3A_2301 = tpu.vector_load %arg12[%swap3A_2299, %swap3A_2300] {strides = array<i32>} : memref<4x128xf32, #tpu.memory_space<vmem>>, vector<16xf32>,
            tpu.vector_store %arg12[%swap3A_2299, %swap3A_2300], %add3A_2297 {strides = array<i32>} : memref<4x128xf32, #tpu.memory_space<vmem>>, vector<16xf32>,
            %get3A_2302 = arith.constant 0 : i32
            %get3A_2303 = arith.index_cast %get3A_2302 : i32 to index
            %get3A_2304 = arith.constant 48 : index
            %get3A_2305 = tpu.vector_load %arg12[%get3A_2303, %get3A_2304] {strides = array<i32>} : memref<4x128xf32, #tpu.memory_space<vmem>>, vector<16xf32>,
            %add3A_2306 = arith.addf %get3A_2305, %add3A_2220 : vector<16xf32>
            %swap3A_2307 = arith.constant 0 : i32
            %swap3A_2308 = arith.index_cast %swap3A_2307 : i32 to index
            %swap3A_2309 = arith.constant 48 : index
            %swap3A_2310 = tpu.vector_load %arg12[%swap3A_2308, %swap3A_2309] {strides = array<i32>} : memref<4x128xf32, #tpu.memory_space<vmem>>, vector<16xf32>,
            tpu.vector_store %arg12[%swap3A_2308, %swap3A_2309], %add3A_2306 {strides = array<i32>} : memref<4x128xf32, #tpu.memory_space<vmem>>, vector<16xf32>,
            %get3A_2311 = arith.constant 0 : i32
            %get3A_2312 = arith.index_cast %get3A_2311 : i32 to index
            %get3A_2313 = arith.constant 64 : index
            %get3A_2314 = tpu.vector_load %arg12[%get3A_2312, %get3A_2313] {strides = array<i32>} : memref<4x128xf32, #tpu.memory_space<vmem>>, vector<16xf32>,
            %add3A_2315 = arith.addf %get3A_2314, %add3A_2232 : vector<16xf32>
            %swap3A_2316 = arith.constant 0 : i32
            %swap3A_2317 = arith.index_cast %swap3A_2316 : i32 to index
            %swap3A_2318 = arith.constant 64 : index
            %swap3A_2319 = tpu.vector_load %arg12[%swap3A_2317, %swap3A_2318] {strides = array<i32>} : memref<4x128xf32, #tpu.memory_space<vmem>>, vector<16xf32>,
            tpu.vector_store %arg12[%swap3A_2317, %swap3A_2318], %add3A_2315 {strides = array<i32>} : memref<4x128xf32, #tpu.memory_space<vmem>>, vector<16xf32>,
            %get3A_2320 = arith.constant 0 : i32
            %get3A_2321 = arith.index_cast %get3A_2320 : i32 to index
            %get3A_2322 = arith.constant 80 : index
            %get3A_2323 = tpu.vector_load %arg12[%get3A_2321, %get3A_2322] {strides = array<i32>} : memref<4x128xf32, #tpu.memory_space<vmem>>, vector<16xf32>,
            %add3A_2324 = arith.addf %get3A_2323, %add3A_2244 : vector<16xf32>
            %swap3A_2325 = arith.constant 0 : i32
            %swap3A_2326 = arith.index_cast %swap3A_2325 : i32 to index
            %swap3A_2327 = arith.constant 80 : index
            %swap3A_2328 = tpu.vector_load %arg12[%swap3A_2326, %swap3A_2327] {strides = array<i32>} : memref<4x128xf32, #tpu.memory_space<vmem>>, vector<16xf32>,
            tpu.vector_store %arg12[%swap3A_2326, %swap3A_2327], %add3A_2324 {strides = array<i32>} : memref<4x128xf32, #tpu.memory_space<vmem>>, vector<16xf32>,
            %get3A_2329 = arith.constant 0 : i32
            %get3A_2330 = arith.index_cast %get3A_2329 : i32 to index
            %get3A_2331 = arith.constant 96 : index
            %get3A_2332 = tpu.vector_load %arg12[%get3A_2330, %get3A_2331] {strides = array<i32>} : memref<4x128xf32, #tpu.memory_space<vmem>>, vector<16xf32>,
            %add3A_2333 = arith.addf %get3A_2332, %add3A_2256 : vector<16xf32>
            %swap3A_2334 = arith.constant 0 : i32
            %swap3A_2335 = arith.index_cast %swap3A_2334 : i32 to index
            %swap3A_2336 = arith.constant 96 : index
            %swap3A_2337 = tpu.vector_load %arg12[%swap3A_2335, %swap3A_2336] {strides = array<i32>} : memref<4x128xf32, #tpu.memory_space<vmem>>, vector<16xf32>,
            tpu.vector_store %arg12[%swap3A_2335, %swap3A_2336], %add3A_2333 {strides = array<i32>} : memref<4x128xf32, #tpu.memory_space<vmem>>, vector<16xf32>,
            %get3A_2338 = arith.constant 0 : i32
            %get3A_2339 = arith.index_cast %get3A_2338 : i32 to index
            %get3A_2340 = arith.constant 112 : index
            %get3A_2341 = tpu.vector_load %arg12[%get3A_2339, %get3A_2340] {strides = array<i32>} : memref<4x128xf32, #tpu.memory_space<vmem>>, vector<16xf32>,
            %add3A_2342 = arith.addf %get3A_2341, %add3A_2268 : vector<16xf32>
            %swap3A_2343 = arith.constant 0 : i32
            %swap3A_2344 = arith.index_cast %swap3A_2343 : i32 to index
            %swap3A_2345 = arith.constant 112 : index
            %swap3A_2346 = tpu.vector_load %arg12[%swap3A_2344, %swap3A_2345] {strides = array<i32>} : memref<4x128xf32, #tpu.memory_space<vmem>>, vector<16xf32>,
            tpu.vector_store %arg12[%swap3A_2344, %swap3A_2345], %add3A_2342 {strides = array<i32>} : memref<4x128xf32, #tpu.memory_space<vmem>>, vector<16xf32>,
            %get3A_2347 = arith.constant 1 : i32
            %get3A_2348 = arith.index_cast %get3A_2347 : i32 to index
            %get3A_2349 = arith.constant 0 : index
            %get3A_2350 = tpu.vector_load %arg12[%get3A_2348, %get3A_2349] {strides = array<i32>} : memref<4x128xf32, #tpu.memory_space<vmem>>, vector<16xf32>,
            %add3A_2351 = arith.addf %get3A_2350, %add3A_2186 : vector<16xf32>
            %swap3A_2352 = arith.constant 1 : i32
            %swap3A_2353 = arith.index_cast %swap3A_2352 : i32 to index
            %swap3A_2354 = arith.constant 0 : index
            %swap3A_2355 = tpu.vector_load %arg12[%swap3A_2353, %swap3A_2354] {strides = array<i32>} : memref<4x128xf32, #tpu.memory_space<vmem>>, vector<16xf32>,
            tpu.vector_store %arg12[%swap3A_2353, %swap3A_2354], %add3A_2351 {strides = array<i32>} : memref<4x128xf32, #tpu.memory_space<vmem>>, vector<16xf32>,
            %get3A_2356 = arith.constant 1 : i32
            %get3A_2357 = arith.index_cast %get3A_2356 : i32 to index
            %get3A_2358 = arith.constant 16 : index
            %get3A_2359 = tpu.vector_load %arg12[%get3A_2357, %get3A_2358] {strides = array<i32>} : memref<4x128xf32, #tpu.memory_space<vmem>>, vector<16xf32>,
            %add3A_2360 = arith.addf %get3A_2359, %add3A_2198 : vector<16xf32>
            %swap3A_2361 = arith.constant 1 : i32
            %swap3A_2362 = arith.index_cast %swap3A_2361 : i32 to index
            %swap3A_2363 = arith.constant 16 : index
            %swap3A_2364 = tpu.vector_load %arg12[%swap3A_2362, %swap3A_2363] {strides = array<i32>} : memref<4x128xf32, #tpu.memory_space<vmem>>, vector<16xf32>,
            tpu.vector_store %arg12[%swap3A_2362, %swap3A_2363], %add3A_2360 {strides = array<i32>} : memref<4x128xf32, #tpu.memory_space<vmem>>, vector<16xf32>,
            %get3A_2365 = arith.constant 1 : i32
            %get3A_2366 = arith.index_cast %get3A_2365 : i32 to index
            %get3A_2367 = arith.constant 32 : index
            %get3A_2368 = tpu.vector_load %arg12[%get3A_2366, %get3A_2367] {strides = array<i32>} : memref<4x128xf32, #tpu.memory_space<vmem>>, vector<16xf32>,
            %add3A_2369 = arith.addf %get3A_2368, %add3A_2210 : vector<16xf32>
            %swap3A_2370 = arith.constant 1 : i32
            %swap3A_2371 = arith.index_cast %swap3A_2370 : i32 to index
            %swap3A_2372 = arith.constant 32 : index
            %swap3A_2373 = tpu.vector_load %arg12[%swap3A_2371, %swap3A_2372] {strides = array<i32>} : memref<4x128xf32, #tpu.memory_space<vmem>>, vector<16xf32>,
            tpu.vector_store %arg12[%swap3A_2371, %swap3A_2372], %add3A_2369 {strides = array<i32>} : memref<4x128xf32, #tpu.memory_space<vmem>>, vector<16xf32>,
            %get3A_2374 = arith.constant 1 : i32
            %get3A_2375 = arith.index_cast %get3A_2374 : i32 to index
            %get3A_2376 = arith.constant 48 : index
            %get3A_2377 = tpu.vector_load %arg12[%get3A_2375, %get3A_2376] {strides = array<i32>} : memref<4x128xf32, #tpu.memory_space<vmem>>, vector<16xf32>,
            %add3A_2378 = arith.addf %get3A_2377, %add3A_2222 : vector<16xf32>
            %swap3A_2379 = arith.constant 1 : i32
            %swap3A_2380 = arith.index_cast %swap3A_2379 : i32 to index
            %swap3A_2381 = arith.constant 48 : index
            %swap3A_2382 = tpu.vector_load %arg12[%swap3A_2380, %swap3A_2381] {strides = array<i32>} : memref<4x128xf32, #tpu.memory_space<vmem>>, vector<16xf32>,
            tpu.vector_store %arg12[%swap3A_2380, %swap3A_2381], %add3A_2378 {strides = array<i32>} : memref<4x128xf32, #tpu.memory_space<vmem>>, vector<16xf32>,
            %get3A_2383 = arith.constant 1 : i32
            %get3A_2384 = arith.index_cast %get3A_2383 : i32 to index
            %get3A_2385 = arith.constant 64 : index
            %get3A_2386 = tpu.vector_load %arg12[%get3A_2384, %get3A_2385] {strides = array<i32>} : memref<4x128xf32, #tpu.memory_space<vmem>>, vector<16xf32>,
            %add3A_2387 = arith.addf %get3A_2386, %add3A_2234 : vector<16xf32>
            %swap3A_2388 = arith.constant 1 : i32
            %swap3A_2389 = arith.index_cast %swap3A_2388 : i32 to index
            %swap3A_2390 = arith.constant 64 : index
            %swap3A_2391 = tpu.vector_load %arg12[%swap3A_2389, %swap3A_2390] {strides = array<i32>} : memref<4x128xf32, #tpu.memory_space<vmem>>, vector<16xf32>,
            tpu.vector_store %arg12[%swap3A_2389, %swap3A_2390], %add3A_2387 {strides = array<i32>} : memref<4x128xf32, #tpu.memory_space<vmem>>, vector<16xf32>,
            %get3A_2392 = arith.constant 1 : i32
            %get3A_2393 = arith.index_cast %get3A_2392 : i32 to index
            %get3A_2394 = arith.constant 80 : index
            %get3A_2395 = tpu.vector_load %arg12[%get3A_2393, %get3A_2394] {strides = array<i32>} : memref<4x128xf32, #tpu.memory_space<vmem>>, vector<16xf32>,
            %add3A_2396 = arith.addf %get3A_2395, %add3A_2246 : vector<16xf32>
            %swap3A_2397 = arith.constant 1 : i32
            %swap3A_2398 = arith.index_cast %swap3A_2397 : i32 to index
            %swap3A_2399 = arith.constant 80 : index
            %swap3A_2400 = tpu.vector_load %arg12[%swap3A_2398, %swap3A_2399] {strides = array<i32>} : memref<4x128xf32, #tpu.memory_space<vmem>>, vector<16xf32>,
            tpu.vector_store %arg12[%swap3A_2398, %swap3A_2399], %add3A_2396 {strides = array<i32>} : memref<4x128xf32, #tpu.memory_space<vmem>>, vector<16xf32>,
            %get3A_2401 = arith.constant 1 : i32
            %get3A_2402 = arith.index_cast %get3A_2401 : i32 to index
            %get3A_2403 = arith.constant 96 : index
            %get3A_2404 = tpu.vector_load %arg12[%get3A_2402, %get3A_2403] {strides = array<i32>} : memref<4x128xf32, #tpu.memory_space<vmem>>, vector<16xf32>,
            %add3A_2405 = arith.addf %get3A_2404, %add3A_2258 : vector<16xf32>
            %swap3A_2406 = arith.constant 1 : i32
            %swap3A_2407 = arith.index_cast %swap3A_2406 : i32 to index
            %swap3A_2408 = arith.constant 96 : index
            %swap3A_2409 = tpu.vector_load %arg12[%swap3A_2407, %swap3A_2408] {strides = array<i32>} : memref<4x128xf32, #tpu.memory_space<vmem>>, vector<16xf32>,
            tpu.vector_store %arg12[%swap3A_2407, %swap3A_2408], %add3A_2405 {strides = array<i32>} : memref<4x128xf32, #tpu.memory_space<vmem>>, vector<16xf32>,
            %get3A_2410 = arith.constant 1 : i32
            %get3A_2411 = arith.index_cast %get3A_2410 : i32 to index
            %get3A_2412 = arith.constant 112 : index
            %get3A_2413 = tpu.vector_load %arg12[%get3A_2411, %get3A_2412] {strides = array<i32>} : memref<4x128xf32, #tpu.memory_space<vmem>>, vector<16xf32>,
            %add3A_2414 = arith.addf %get3A_2413, %add3A_2270 : vector<16xf32>
            %swap3A_2415 = arith.constant 1 : i32
            %swap3A_2416 = arith.index_cast %swap3A_2415 : i32 to index
            %swap3A_2417 = arith.constant 112 : index
            %swap3A_2418 = tpu.vector_load %arg12[%swap3A_2416, %swap3A_2417] {strides = array<i32>} : memref<4x128xf32, #tpu.memory_space<vmem>>, vector<16xf32>,
            tpu.vector_store %arg12[%swap3A_2416, %swap3A_2417], %add3A_2414 {strides = array<i32>} : memref<4x128xf32, #tpu.memory_space<vmem>>, vector<16xf32>,
            %get3A_2419 = arith.constant 2 : i32
            %get3A_2420 = arith.index_cast %get3A_2419 : i32 to index
            %get3A_2421 = arith.constant 0 : index
            %get3A_2422 = tpu.vector_load %arg12[%get3A_2420, %get3A_2421] {strides = array<i32>} : memref<4x128xf32, #tpu.memory_space<vmem>>, vector<16xf32>,
            %add3A_2423 = arith.addf %get3A_2422, %add3A_2188 : vector<16xf32>
            %swap3A_2424 = arith.constant 2 : i32
            %swap3A_2425 = arith.index_cast %swap3A_2424 : i32 to index
            %swap3A_2426 = arith.constant 0 : index
            %swap3A_2427 = tpu.vector_load %arg12[%swap3A_2425, %swap3A_2426] {strides = array<i32>} : memref<4x128xf32, #tpu.memory_space<vmem>>, vector<16xf32>,
            tpu.vector_store %arg12[%swap3A_2425, %swap3A_2426], %add3A_2423 {strides = array<i32>} : memref<4x128xf32, #tpu.memory_space<vmem>>, vector<16xf32>,
            %get3A_2428 = arith.constant 2 : i32
            %get3A_2429 = arith.index_cast %get3A_2428 : i32 to index
            %get3A_2430 = arith.constant 16 : index
            %get3A_2431 = tpu.vector_load %arg12[%get3A_2429, %get3A_2430] {strides = array<i32>} : memref<4x128xf32, #tpu.memory_space<vmem>>, vector<16xf32>,
            %add3A_2432 = arith.addf %get3A_2431, %add3A_2200 : vector<16xf32>
            %swap3A_2433 = arith.constant 2 : i32
            %swap3A_2434 = arith.index_cast %swap3A_2433 : i32 to index
            %swap3A_2435 = arith.constant 16 : index
            %swap3A_2436 = tpu.vector_load %arg12[%swap3A_2434, %swap3A_2435] {strides = array<i32>} : memref<4x128xf32, #tpu.memory_space<vmem>>, vector<16xf32>,
            tpu.vector_store %arg12[%swap3A_2434, %swap3A_2435], %add3A_2432 {strides = array<i32>} : memref<4x128xf32, #tpu.memory_space<vmem>>, vector<16xf32>,
            %get3A_2437 = arith.constant 2 : i32
            %get3A_2438 = arith.index_cast %get3A_2437 : i32 to index
            %get3A_2439 = arith.constant 32 : index
            %get3A_2440 = tpu.vector_load %arg12[%get3A_2438, %get3A_2439] {strides = array<i32>} : memref<4x128xf32, #tpu.memory_space<vmem>>, vector<16xf32>,
            %add3A_2441 = arith.addf %get3A_2440, %add3A_2212 : vector<16xf32>
            %swap3A_2442 = arith.constant 2 : i32
            %swap3A_2443 = arith.index_cast %swap3A_2442 : i32 to index
            %swap3A_2444 = arith.constant 32 : index
            %swap3A_2445 = tpu.vector_load %arg12[%swap3A_2443, %swap3A_2444] {strides = array<i32>} : memref<4x128xf32, #tpu.memory_space<vmem>>, vector<16xf32>,
            tpu.vector_store %arg12[%swap3A_2443, %swap3A_2444], %add3A_2441 {strides = array<i32>} : memref<4x128xf32, #tpu.memory_space<vmem>>, vector<16xf32>,
            %get3A_2446 = arith.constant 2 : i32
            %get3A_2447 = arith.index_cast %get3A_2446 : i32 to index
            %get3A_2448 = arith.constant 48 : index
            %get3A_2449 = tpu.vector_load %arg12[%get3A_2447, %get3A_2448] {strides = array<i32>} : memref<4x128xf32, #tpu.memory_space<vmem>>, vector<16xf32>,
            %add3A_2450 = arith.addf %get3A_2449, %add3A_2224 : vector<16xf32>
            %swap3A_2451 = arith.constant 2 : i32
            %swap3A_2452 = arith.index_cast %swap3A_2451 : i32 to index
            %swap3A_2453 = arith.constant 48 : index
            %swap3A_2454 = tpu.vector_load %arg12[%swap3A_2452, %swap3A_2453] {strides = array<i32>} : memref<4x128xf32, #tpu.memory_space<vmem>>, vector<16xf32>,
            tpu.vector_store %arg12[%swap3A_2452, %swap3A_2453], %add3A_2450 {strides = array<i32>} : memref<4x128xf32, #tpu.memory_space<vmem>>, vector<16xf32>,
            %get3A_2455 = arith.constant 2 : i32
            %get3A_2456 = arith.index_cast %get3A_2455 : i32 to index
            %get3A_2457 = arith.constant 64 : index
            %get3A_2458 = tpu.vector_load %arg12[%get3A_2456, %get3A_2457] {strides = array<i32>} : memref<4x128xf32, #tpu.memory_space<vmem>>, vector<16xf32>,
            %add3A_2459 = arith.addf %get3A_2458, %add3A_2236 : vector<16xf32>
            %swap3A_2460 = arith.constant 2 : i32
            %swap3A_2461 = arith.index_cast %swap3A_2460 : i32 to index
            %swap3A_2462 = arith.constant 64 : index
            %swap3A_2463 = tpu.vector_load %arg12[%swap3A_2461, %swap3A_2462] {strides = array<i32>} : memref<4x128xf32, #tpu.memory_space<vmem>>, vector<16xf32>,
            tpu.vector_store %arg12[%swap3A_2461, %swap3A_2462], %add3A_2459 {strides = array<i32>} : memref<4x128xf32, #tpu.memory_space<vmem>>, vector<16xf32>,
            %get3A_2464 = arith.constant 2 : i32
            %get3A_2465 = arith.index_cast %get3A_2464 : i32 to index
            %get3A_2466 = arith.constant 80 : index
            %get3A_2467 = tpu.vector_load %arg12[%get3A_2465, %get3A_2466] {strides = array<i32>} : memref<4x128xf32, #tpu.memory_space<vmem>>, vector<16xf32>,
            %add3A_2468 = arith.addf %get3A_2467, %add3A_2248 : vector<16xf32>
            %swap3A_2469 = arith.constant 2 : i32
            %swap3A_2470 = arith.index_cast %swap3A_2469 : i32 to index
            %swap3A_2471 = arith.constant 80 : index
            %swap3A_2472 = tpu.vector_load %arg12[%swap3A_2470, %swap3A_2471] {strides = array<i32>} : memref<4x128xf32, #tpu.memory_space<vmem>>, vector<16xf32>,
            tpu.vector_store %arg12[%swap3A_2470, %swap3A_2471], %add3A_2468 {strides = array<i32>} : memref<4x128xf32, #tpu.memory_space<vmem>>, vector<16xf32>,
            %get3A_2473 = arith.constant 2 : i32
            %get3A_2474 = arith.index_cast %get3A_2473 : i32 to index
            %get3A_2475 = arith.constant 96 : index
            %get3A_2476 = tpu.vector_load %arg12[%get3A_2474, %get3A_2475] {strides = array<i32>} : memref<4x128xf32, #tpu.memory_space<vmem>>, vector<16xf32>,
            %add3A_2477 = arith.addf %get3A_2476, %add3A_2260 : vector<16xf32>
            %swap3A_2478 = arith.constant 2 : i32
            %swap3A_2479 = arith.index_cast %swap3A_2478 : i32 to index
            %swap3A_2480 = arith.constant 96 : index
            %swap3A_2481 = tpu.vector_load %arg12[%swap3A_2479, %swap3A_2480] {strides = array<i32>} : memref<4x128xf32, #tpu.memory_space<vmem>>, vector<16xf32>,
            tpu.vector_store %arg12[%swap3A_2479, %swap3A_2480], %add3A_2477 {strides = array<i32>} : memref<4x128xf32, #tpu.memory_space<vmem>>, vector<16xf32>,
            %get3A_2482 = arith.constant 2 : i32
            %get3A_2483 = arith.index_cast %get3A_2482 : i32 to index
            %get3A_2484 = arith.constant 112 : index
            %get3A_2485 = tpu.vector_load %arg12[%get3A_2483, %get3A_2484] {strides = array<i32>} : memref<4x128xf32, #tpu.memory_space<vmem>>, vector<16xf32>,
            %add3A_2486 = arith.addf %get3A_2485, %add3A_2272 : vector<16xf32>
            %swap3A_2487 = arith.constant 2 : i32
            %swap3A_2488 = arith.index_cast %swap3A_2487 : i32 to index
            %swap3A_2489 = arith.constant 112 : index
            %swap3A_2490 = tpu.vector_load %arg12[%swap3A_2488, %swap3A_2489] {strides = array<i32>} : memref<4x128xf32, #tpu.memory_space<vmem>>, vector<16xf32>,
            tpu.vector_store %arg12[%swap3A_2488, %swap3A_2489], %add3A_2486 {strides = array<i32>} : memref<4x128xf32, #tpu.memory_space<vmem>>, vector<16xf32>,
            %get3A_2491 = arith.constant 3 : i32
            %get3A_2492 = arith.index_cast %get3A_2491 : i32 to index
            %get3A_2493 = arith.constant 0 : index
            %get3A_2494 = tpu.vector_load %arg12[%get3A_2492, %get3A_2493] {strides = array<i32>} : memref<4x128xf32, #tpu.memory_space<vmem>>, vector<16xf32>,
            %add3A_2495 = arith.addf %get3A_2494, %add3A_2190 : vector<16xf32>
            %swap3A_2496 = arith.constant 3 : i32
            %swap3A_2497 = arith.index_cast %swap3A_2496 : i32 to index
            %swap3A_2498 = arith.constant 0 : index
            %swap3A_2499 = tpu.vector_load %arg12[%swap3A_2497, %swap3A_2498] {strides = array<i32>} : memref<4x128xf32, #tpu.memory_space<vmem>>, vector<16xf32>,
            tpu.vector_store %arg12[%swap3A_2497, %swap3A_2498], %add3A_2495 {strides = array<i32>} : memref<4x128xf32, #tpu.memory_space<vmem>>, vector<16xf32>,
            %get3A_2500 = arith.constant 3 : i32
            %get3A_2501 = arith.index_cast %get3A_2500 : i32 to index
            %get3A_2502 = arith.constant 16 : index
            %get3A_2503 = tpu.vector_load %arg12[%get3A_2501, %get3A_2502] {strides = array<i32>} : memref<4x128xf32, #tpu.memory_space<vmem>>, vector<16xf32>,
            %add3A_2504 = arith.addf %get3A_2503, %add3A_2202 : vector<16xf32>
            %swap3A_2505 = arith.constant 3 : i32
            %swap3A_2506 = arith.index_cast %swap3A_2505 : i32 to index
            %swap3A_2507 = arith.constant 16 : index
            %swap3A_2508 = tpu.vector_load %arg12[%swap3A_2506, %swap3A_2507] {strides = array<i32>} : memref<4x128xf32, #tpu.memory_space<vmem>>, vector<16xf32>,
            tpu.vector_store %arg12[%swap3A_2506, %swap3A_2507], %add3A_2504 {strides = array<i32>} : memref<4x128xf32, #tpu.memory_space<vmem>>, vector<16xf32>,
            %get3A_2509 = arith.constant 3 : i32
            %get3A_2510 = arith.index_cast %get3A_2509 : i32 to index
            %get3A_2511 = arith.constant 32 : index
            %get3A_2512 = tpu.vector_load %arg12[%get3A_2510, %get3A_2511] {strides = array<i32>} : memref<4x128xf32, #tpu.memory_space<vmem>>, vector<16xf32>,
            %add3A_2513 = arith.addf %get3A_2512, %add3A_2214 : vector<16xf32>
            %swap3A_2514 = arith.constant 3 : i32
            %swap3A_2515 = arith.index_cast %swap3A_2514 : i32 to index
            %swap3A_2516 = arith.constant 32 : index
            %swap3A_2517 = tpu.vector_load %arg12[%swap3A_2515, %swap3A_2516] {strides = array<i32>} : memref<4x128xf32, #tpu.memory_space<vmem>>, vector<16xf32>,
            tpu.vector_store %arg12[%swap3A_2515, %swap3A_2516], %add3A_2513 {strides = array<i32>} : memref<4x128xf32, #tpu.memory_space<vmem>>, vector<16xf32>,
            %get3A_2518 = arith.constant 3 : i32
            %get3A_2519 = arith.index_cast %get3A_2518 : i32 to index
            %get3A_2520 = arith.constant 48 : index
            %get3A_2521 = tpu.vector_load %arg12[%get3A_2519, %get3A_2520] {strides = array<i32>} : memref<4x128xf32, #tpu.memory_space<vmem>>, vector<16xf32>,
            %add3A_2522 = arith.addf %get3A_2521, %add3A_2226 : vector<16xf32>
            %swap3A_2523 = arith.constant 3 : i32
            %swap3A_2524 = arith.index_cast %swap3A_2523 : i32 to index
            %swap3A_2525 = arith.constant 48 : index
            %swap3A_2526 = tpu.vector_load %arg12[%swap3A_2524, %swap3A_2525] {strides = array<i32>} : memref<4x128xf32, #tpu.memory_space<vmem>>, vector<16xf32>,
            tpu.vector_store %arg12[%swap3A_2524, %swap3A_2525], %add3A_2522 {strides = array<i32>} : memref<4x128xf32, #tpu.memory_space<vmem>>, vector<16xf32>,
            %get3A_2527 = arith.constant 3 : i32
            %get3A_2528 = arith.index_cast %get3A_2527 : i32 to index
            %get3A_2529 = arith.constant 64 : index
            %get3A_2530 = tpu.vector_load %arg12[%get3A_2528, %get3A_2529] {strides = array<i32>} : memref<4x128xf32, #tpu.memory_space<vmem>>, vector<16xf32>,
            %add3A_2531 = arith.addf %get3A_2530, %add3A_2238 : vector<16xf32>
            %swap3A_2532 = arith.constant 3 : i32
            %swap3A_2533 = arith.index_cast %swap3A_2532 : i32 to index
            %swap3A_2534 = arith.constant 64 : index
            %swap3A_2535 = tpu.vector_load %arg12[%swap3A_2533, %swap3A_2534] {strides = array<i32>} : memref<4x128xf32, #tpu.memory_space<vmem>>, vector<16xf32>,
            tpu.vector_store %arg12[%swap3A_2533, %swap3A_2534], %add3A_2531 {strides = array<i32>} : memref<4x128xf32, #tpu.memory_space<vmem>>, vector<16xf32>,
            %get3A_2536 = arith.constant 3 : i32
            %get3A_2537 = arith.index_cast %get3A_2536 : i32 to index
            %get3A_2538 = arith.constant 80 : index
            %get3A_2539 = tpu.vector_load %arg12[%get3A_2537, %get3A_2538] {strides = array<i32>} : memref<4x128xf32, #tpu.memory_space<vmem>>, vector<16xf32>,
            %add3A_2540 = arith.addf %get3A_2539, %add3A_2250 : vector<16xf32>
            %swap3A_2541 = arith.constant 3 : i32
            %swap3A_2542 = arith.index_cast %swap3A_2541 : i32 to index
            %swap3A_2543 = arith.constant 80 : index
            %swap3A_2544 = tpu.vector_load %arg12[%swap3A_2542, %swap3A_2543] {strides = array<i32>} : memref<4x128xf32, #tpu.memory_space<vmem>>, vector<16xf32>,
            tpu.vector_store %arg12[%swap3A_2542, %swap3A_2543], %add3A_2540 {strides = array<i32>} : memref<4x128xf32, #tpu.memory_space<vmem>>, vector<16xf32>,
            %get3A_2545 = arith.constant 3 : i32
            %get3A_2546 = arith.index_cast %get3A_2545 : i32 to index
            %get3A_2547 = arith.constant 96 : index
            %get3A_2548 = tpu.vector_load %arg12[%get3A_2546, %get3A_2547] {strides = array<i32>} : memref<4x128xf32, #tpu.memory_space<vmem>>, vector<16xf32>,
            %add3A_2549 = arith.addf %get3A_2548, %add3A_2262 : vector<16xf32>
            %swap3A_2550 = arith.constant 3 : i32
            %swap3A_2551 = arith.index_cast %swap3A_2550 : i32 to index
            %swap3A_2552 = arith.constant 96 : index
            %swap3A_2553 = tpu.vector_load %arg12[%swap3A_2551, %swap3A_2552] {strides = array<i32>} : memref<4x128xf32, #tpu.memory_space<vmem>>, vector<16xf32>,
            tpu.vector_store %arg12[%swap3A_2551, %swap3A_2552], %add3A_2549 {strides = array<i32>} : memref<4x128xf32, #tpu.memory_space<vmem>>, vector<16xf32>,
            %get3A_2554 = arith.constant 3 : i32
            %get3A_2555 = arith.index_cast %get3A_2554 : i32 to index
            %get3A_2556 = arith.constant 112 : index
            %get3A_2557 = tpu.vector_load %arg12[%get3A_2555, %get3A_2556] {strides = array<i32>} : memref<4x128xf32, #tpu.memory_space<vmem>>, vector<16xf32>,
            %add3A_2558 = arith.addf %get3A_2557, %add3A_2274 : vector<16xf32>
            %swap3A_2559 = arith.constant 3 : i32
            %swap3A_2560 = arith.index_cast %swap3A_2559 : i32 to index
            %swap3A_2561 = arith.constant 112 : index
            %swap3A_2562 = tpu.vector_load %arg12[%swap3A_2560, %swap3A_2561] {strides = array<i32>} : memref<4x128xf32, #tpu.memory_space<vmem>>, vector<16xf32>,
            tpu.vector_store %arg12[%swap3A_2560, %swap3A_2561], %add3A_2558 {strides = array<i32>} : memref<4x128xf32, #tpu.memory_space<vmem>>, vector<16xf32>,
          } else {
          }
        }
        %scan3A_360 = arith.constant 25 : i32
      } else {
      }
      %scan3A_355 = arith.constant 0 : i32
      scf.yield %scan3A_355 : i32
    }
    %scan3A_221 = arith.constant 25 : i32
    "tpu.region"() ({
      %run_scoped3A = tpu.sem_alloc : memref<!tpu.dma_semaphore, #tpu.memory_space<semaphore_mem>>
      %dma_start3A_222 = arith.constant 0 : i32
      %dma_start3A_223 = arith.constant 0 : i32
      %dma_start3A_224 = tpu.memref_slice %arg6[%add3A, %dma_start3A_222, %dma_start3A_223] : memref<32x4x128xf32, #tpu.memory_space<hbm>> -> memref<1x4x128xf32, #tpu.memory_space<hbm>>
      %dma_start3A_225 = tpu.memref_squeeze %dma_start3A_224 : memref<1x4x128xf32, #tpu.memory_space<hbm>> -> memref<4x128xf32, #tpu.memory_space<hbm>>
      %dma_start3A_226 = arith.constant 0 : i32
      %dma_start3A_227 = arith.constant 0 : i32
      %dma_start3A_228 = tpu.memref_slice %arg6[%add3A, %dma_start3A_226, %dma_start3A_227] : memref<32x4x128xf32, #tpu.memory_space<hbm>> -> memref<1x4x128xf32, #tpu.memory_space<hbm>>
      %dma_start3A_229 = tpu.memref_squeeze %dma_start3A_228 : memref<1x4x128xf32, #tpu.memory_space<hbm>> -> memref<4x128xf32, #tpu.memory_space<hbm>>
      tpu.enqueue_dma source(%arg12 : memref<4x128xf32, #tpu.memory_space<vmem>>) target(%dma_start3A_229 : memref<4x128xf32, #tpu.memory_space<hbm>>) target_semaphore(%run_scoped3A : memref<!tpu.dma_semaphore, #tpu.memory_space<semaphore_mem>>)
      %dma_wait3A_230 = arith.constant 0 : i32
      %dma_wait3A_231 = arith.constant 0 : i32
      %dma_wait3A_232 = tpu.memref_slice %arg6[%add3A, %dma_wait3A_230, %dma_wait3A_231] : memref<32x4x128xf32, #tpu.memory_space<hbm>> -> memref<1x4x128xf32, #tpu.memory_space<hbm>>
      %dma_wait3A_233 = tpu.memref_squeeze %dma_wait3A_232 : memref<1x4x128xf32, #tpu.memory_space<hbm>> -> memref<4x128xf32, #tpu.memory_space<hbm>>
      %dma_wait3A_234 = arith.constant 0 : i32
      %dma_wait3A_235 = arith.constant 0 : i32
      %dma_wait3A_236 = tpu.memref_slice %arg6[%add3A, %dma_wait3A_234, %dma_wait3A_235] : memref<32x4x128xf32, #tpu.memory_space<hbm>> -> memref<1x4x128xf32, #tpu.memory_space<hbm>>
      %dma_wait3A_237 = tpu.memref_squeeze %dma_wait3A_236 : memref<1x4x128xf32, #tpu.memory_space<hbm>> -> memref<4x128xf32, #tpu.memory_space<hbm>>
      tpu.wait_dma2 semaphore(%run_scoped3A : memref<!tpu.dma_semaphore, #tpu.memory_space<semaphore_mem>>) src(%arg12 : memref<4x128xf32, #tpu.memory_space<vmem>>) dst(%dma_wait3A_237 : memref<4x128xf32, #tpu.memory_space<hbm>>)
      tpu.yield
    }) : () -> ()
    return
  }
}

module attributes {stable_mosaic.version = 14 : i64} {
  func.func @_tc_em_kernel(%arg0: memref<320000xf32, #tpu.memory_space<vmem>>, %arg1: memref<1x2xf32, #tpu.memory_space<smem>>) attributes {dimension_semantics = [], scalar_prefetch = 0 : i64, scratch_operands = 0 : i64, tpu.core_type = #tpu.core_type<tc>} {
    %get3A = arith.constant 0 : index
    %get3A_0 = vector.load %arg0[%get3A] : memref<320000xf32, #tpu.memory_space<vmem>>, vector<320000xf32>
    %logistic3A = arith.negf %get3A_0 : vector<320000xf32>
    %logistic3A_1 = math.exp %logistic3A : vector<320000xf32>
    %logistic3A_2 = arith.constant 1.000000e+00 : f32
    %logistic3A_3 = vector.broadcast %logistic3A_2 : f32 to vector<320000xf32>
    %logistic3A_4 = arith.addf %logistic3A_3, %logistic3A_1 : vector<320000xf32>
    %logistic3A_5 = arith.divf %logistic3A_3, %logistic3A_4 : vector<320000xf32>
    %neg3A = arith.constant 0.000000e+00 : f32
    %neg3A_6 = vector.broadcast %neg3A : f32 to vector<320000xf32>
    %neg3A_7 = arith.subf %neg3A_6, %logistic3A_5 : vector<320000xf32>
    %add3A = arith.constant 1.000000e-15 : f32
    %add3A_8 = vector.broadcast %add3A : f32 to vector<320000xf32>
    %add3A_9 = arith.addf %logistic3A_5, %add3A_8 : vector<320000xf32>
    %log3A = math.log %add3A_9 : vector<320000xf32>
    %mul3A = arith.mulf %neg3A_7, %log3A : vector<320000xf32>
    %sub3A = arith.constant 1.000000e+00 : f32
    %sub3A_10 = vector.broadcast %sub3A : f32 to vector<320000xf32>
    %sub3A_11 = arith.subf %sub3A_10, %logistic3A_5 : vector<320000xf32>
    %sub3A_12 = arith.constant 1.000000e+00 : f32
    %sub3A_13 = vector.broadcast %sub3A_12 : f32 to vector<320000xf32>
    %sub3A_14 = arith.subf %sub3A_13, %logistic3A_5 : vector<320000xf32>
    %add3A_15 = arith.constant 1.000000e-15 : f32
    %add3A_16 = vector.broadcast %add3A_15 : f32 to vector<320000xf32>
    %add3A_17 = arith.addf %sub3A_14, %add3A_16 : vector<320000xf32>
    %log3A_18 = math.log %add3A_17 : vector<320000xf32>
    %mul3A_19 = arith.mulf %sub3A_11, %log3A_18 : vector<320000xf32>
    %sub3A_20 = arith.subf %mul3A, %mul3A_19 : vector<320000xf32>
    %reduce_sum3A = vector.shape_cast %logistic3A_5 : vector<320000xf32> to vector<1x320000xf32>
    %reduce_sum3A_21 = arith.constant dense<0.000000e+00> : vector<1xf32>
    %reduce_sum3A_22 = vector.multi_reduction <add>, %reduce_sum3A, %reduce_sum3A_21 [1] : vector<1x320000xf32> to vector<1xf32>
    %reduce_sum3A_23 = vector.shape_cast %reduce_sum3A_22 : vector<1xf32> to vector<1x1xf32>
    %reduce_sum3A_24 = vector.extract %reduce_sum3A_23[0, 0] : f32 from vector<1x1xf32>
    %swap3A = arith.constant 0 : index
    %swap3A_25 = arith.constant 0 : index
    %swap3A_26 = memref.load %arg1[%swap3A, %swap3A_25] : memref<1x2xf32, #tpu.memory_space<smem>>
    memref.store %reduce_sum3A_24, %arg1[%swap3A, %swap3A_25] : memref<1x2xf32, #tpu.memory_space<smem>>
    %reduce_sum3A_27 = vector.shape_cast %sub3A_20 : vector<320000xf32> to vector<1x320000xf32>
    %reduce_sum3A_28 = arith.constant dense<0.000000e+00> : vector<1xf32>
    %reduce_sum3A_29 = vector.multi_reduction <add>, %reduce_sum3A_27, %reduce_sum3A_28 [1] : vector<1x320000xf32> to vector<1xf32>
    %reduce_sum3A_30 = vector.shape_cast %reduce_sum3A_29 : vector<1xf32> to vector<1x1xf32>
    %reduce_sum3A_31 = vector.extract %reduce_sum3A_30[0, 0] : f32 from vector<1x1xf32>
    %swap3A_32 = arith.constant 0 : index
    %swap3A_33 = arith.constant 1 : index
    %swap3A_34 = memref.load %arg1[%swap3A_32, %swap3A_33] : memref<1x2xf32, #tpu.memory_space<smem>>
    memref.store %reduce_sum3A_31, %arg1[%swap3A_32, %swap3A_33] : memref<1x2xf32, #tpu.memory_space<smem>>
    return
  }
}

module attributes {stable_mosaic.version = 14 : i64} {
  func.func @_tc_combine_kernel(%arg0: memref<1x2xf32, #tpu.memory_space<smem>>, %arg1: memref<1x128xf32, #tpu.memory_space<vmem>>, %arg2: memref<128x128xf32, #tpu.memory_space<vmem>>, %arg3: memref<32x4x128xf32, #tpu.memory_space<vmem>>, %arg4: memref<1x1xf32, #tpu.memory_space<smem>>) attributes {dimension_semantics = [], scalar_prefetch = 0 : i64, scratch_operands = 0 : i64, tpu.core_type = #tpu.core_type<tc>} {
    %get3A = arith.constant 0 : index
    %get3A_0 = arith.constant 0 : index
    %get3A_1 = vector.load %arg1[%get3A, %get3A_0] : memref<1x128xf32, #tpu.memory_space<vmem>>, vector<1x128xf32>
    %logistic3A = arith.negf %get3A_1 : vector<1x128xf32>
    %logistic3A_2 = math.exp %logistic3A : vector<1x128xf32>
    %logistic3A_3 = arith.constant 1.000000e+00 : f32
    %logistic3A_4 = vector.broadcast %logistic3A_3 : f32 to vector<1x128xf32>
    %logistic3A_5 = arith.addf %logistic3A_4, %logistic3A_2 : vector<1x128xf32>
    %logistic3A_6 = arith.divf %logistic3A_4, %logistic3A_5 : vector<1x128xf32>
    %neg3A = arith.constant 0.000000e+00 : f32
    %neg3A_7 = vector.broadcast %neg3A : f32 to vector<1x128xf32>
    %neg3A_8 = arith.subf %neg3A_7, %logistic3A_6 : vector<1x128xf32>
    %add3A = arith.constant 1.000000e-15 : f32
    %add3A_9 = vector.broadcast %add3A : f32 to vector<1x128xf32>
    %add3A_10 = arith.addf %logistic3A_6, %add3A_9 : vector<1x128xf32>
    %log3A = math.log %add3A_10 : vector<1x128xf32>
    %mul3A = arith.mulf %neg3A_8, %log3A : vector<1x128xf32>
    %sub3A = arith.constant 1.000000e+00 : f32
    %sub3A_11 = vector.broadcast %sub3A : f32 to vector<1x128xf32>
    %sub3A_12 = arith.subf %sub3A_11, %logistic3A_6 : vector<1x128xf32>
    %sub3A_13 = arith.constant 1.000000e+00 : f32
    %sub3A_14 = vector.broadcast %sub3A_13 : f32 to vector<1x128xf32>
    %sub3A_15 = arith.subf %sub3A_14, %logistic3A_6 : vector<1x128xf32>
    %add3A_16 = arith.constant 1.000000e-15 : f32
    %add3A_17 = vector.broadcast %add3A_16 : f32 to vector<1x128xf32>
    %add3A_18 = arith.addf %sub3A_15, %add3A_17 : vector<1x128xf32>
    %log3A_19 = math.log %add3A_18 : vector<1x128xf32>
    %mul3A_20 = arith.mulf %sub3A_12, %log3A_19 : vector<1x128xf32>
    %sub3A_21 = arith.subf %mul3A, %mul3A_20 : vector<1x128xf32>
    %get3A_22 = arith.constant 0 : index
    %get3A_23 = arith.constant 0 : index
    %get3A_24 = arith.constant 0 : index
    %get3A_25 = vector.load %arg3[%get3A_22, %get3A_23, %get3A_24] : memref<32x4x128xf32, #tpu.memory_space<vmem>>, vector<32x4x128xf32>
    %reduce_sum3A = arith.constant dense<0.000000e+00> : vector<4x128xf32>
    %reduce_sum3A_26 = vector.multi_reduction <add>, %get3A_25, %reduce_sum3A [0] : vector<32x4x128xf32> to vector<4x128xf32>
    %iota3A = tpu.iota {dimensions = array<i32: 0>} : vector<4x1xi32>
    %ge3A = arith.constant 2 : i32
    %ge3A_27 = vector.broadcast %ge3A : i32 to vector<4x1xi32>
    %ge3A_28 = arith.cmpi sge, %iota3A, %ge3A_27 : vector<4x1xi32>
    %convert_element_type3A = arith.extui %ge3A_28 : vector<4x1xi1> to vector<4x1xi32>
    %convert_element_type3A_29 = arith.sitofp %convert_element_type3A : vector<4x1xi32> to vector<4x1xf32>
    %sub3A_30 = arith.constant 1.000000e+00 : f32
    %sub3A_31 = vector.broadcast %sub3A_30 : f32 to vector<1x128xf32>
    %sub3A_32 = arith.subf %logistic3A_6, %sub3A_31 : vector<1x128xf32>
    %mul3A_33 = vector.broadcast %convert_element_type3A_29 : vector<4x1xf32> to vector<4x128xf32>
    %mul3A_34 = vector.broadcast %sub3A_32 : vector<1x128xf32> to vector<4x128xf32>
    %mul3A_35 = arith.mulf %mul3A_33, %mul3A_34 : vector<4x128xf32>
    %add3A_36 = arith.constant 1.000000e+00 : f32
    %add3A_37 = vector.broadcast %add3A_36 : f32 to vector<4x128xf32>
    %add3A_38 = arith.addf %add3A_37, %mul3A_35 : vector<4x128xf32>
    %mul3A_39 = arith.mulf %reduce_sum3A_26, %add3A_38 : vector<4x128xf32>
    %get3A_40 = arith.constant 0 : index
    %get3A_41 = arith.constant 0 : index
    %get3A_42 = vector.load %arg2[%get3A_40, %get3A_41] : memref<128x128xf32, #tpu.memory_space<vmem>>, vector<128x128xf32>
    %dot_general3A = arith.constant dense<0.000000e+00> : vector<4x128xf32>
    %dot_general3A_43 = tpu.matmul %mul3A_39, %get3A_42, %dot_general3A {dimension_numbers = #tpu.dot_dimension_numbers<[1], [0], [0], [1], [0, 0, 1, 1], [], []>, transpose_lhs_hint = false} : vector<4x128xf32>, vector<128x128xf32>, vector<4x128xf32> -> vector<4x128xf32>
    %slice3A = vector.extract_strided_slice %dot_general3A_43 {offsets = [0, 0], sizes = [1, 128], strides = [1, 1]} : vector<4x128xf32> to vector<1x128xf32>
    %slice3A_44 = vector.extract_strided_slice %dot_general3A_43 {offsets = [1, 0], sizes = [1, 128], strides = [1, 1]} : vector<4x128xf32> to vector<1x128xf32>
    %mul3A_45 = arith.mulf %slice3A, %slice3A_44 : vector<1x128xf32>
    %reduce_sum3A_46 = vector.shape_cast %mul3A_45 : vector<1x128xf32> to vector<1x1x128xf32>
    %reduce_sum3A_47 = arith.constant dense<0.000000e+00> : vector<1xf32>
    %reduce_sum3A_48 = vector.multi_reduction <add>, %reduce_sum3A_46, %reduce_sum3A_47 [1, 2] : vector<1x1x128xf32> to vector<1xf32>
    %reduce_sum3A_49 = vector.shape_cast %reduce_sum3A_48 : vector<1xf32> to vector<1x1x1xf32>
    %reduce_sum3A_50 = vector.extract %reduce_sum3A_49[0, 0, 0] : f32 from vector<1x1x1xf32>
    %slice3A_51 = vector.extract_strided_slice %dot_general3A_43 {offsets = [2, 0], sizes = [1, 128], strides = [1, 1]} : vector<4x128xf32> to vector<1x128xf32>
    %slice3A_52 = vector.extract_strided_slice %dot_general3A_43 {offsets = [3, 0], sizes = [1, 128], strides = [1, 1]} : vector<4x128xf32> to vector<1x128xf32>
    %mul3A_53 = arith.mulf %slice3A_51, %slice3A_52 : vector<1x128xf32>
    %reduce_sum3A_54 = vector.shape_cast %mul3A_53 : vector<1x128xf32> to vector<1x1x128xf32>
    %reduce_sum3A_55 = arith.constant dense<0.000000e+00> : vector<1xf32>
    %reduce_sum3A_56 = vector.multi_reduction <add>, %reduce_sum3A_54, %reduce_sum3A_55 [1, 2] : vector<1x1x128xf32> to vector<1xf32>
    %reduce_sum3A_57 = vector.shape_cast %reduce_sum3A_56 : vector<1xf32> to vector<1x1x1xf32>
    %reduce_sum3A_58 = vector.extract %reduce_sum3A_57[0, 0, 0] : f32 from vector<1x1x1xf32>
    %sub3A_59 = arith.subf %reduce_sum3A_58, %reduce_sum3A_50 : f32
    %get3A_60 = arith.constant 0 : index
    %get3A_61 = arith.constant 0 : index
    %get3A_62 = memref.load %arg0[%get3A_60, %get3A_61] : memref<1x2xf32, #tpu.memory_space<smem>>
    %mul3A_63 = arith.constant 5.000000e-03 : f32
    %mul3A_64 = arith.mulf %mul3A_63, %get3A_62 : f32
    %add3A_65 = arith.addf %sub3A_59, %mul3A_64 : f32
    %get3A_66 = arith.constant 0 : index
    %get3A_67 = arith.constant 1 : index
    %get3A_68 = memref.load %arg0[%get3A_66, %get3A_67] : memref<1x2xf32, #tpu.memory_space<smem>>
    %div3A = arith.constant 3.200000e+05 : f32
    %div3A_69 = arith.divf %get3A_68, %div3A : f32
    %mul3A_70 = arith.constant 1.000000e+00 : f32
    %mul3A_71 = arith.mulf %mul3A_70, %div3A_69 : f32
    %add3A_72 = arith.addf %add3A_65, %mul3A_71 : f32
    %reduce_sum3A_73 = vector.shape_cast %logistic3A_6 : vector<1x128xf32> to vector<1x1x128xf32>
    %reduce_sum3A_74 = arith.constant dense<0.000000e+00> : vector<1xf32>
    %reduce_sum3A_75 = vector.multi_reduction <add>, %reduce_sum3A_73, %reduce_sum3A_74 [1, 2] : vector<1x1x128xf32> to vector<1xf32>
    %reduce_sum3A_76 = vector.shape_cast %reduce_sum3A_75 : vector<1xf32> to vector<1x1x1xf32>
    %reduce_sum3A_77 = vector.extract %reduce_sum3A_76[0, 0, 0] : f32 from vector<1x1x1xf32>
    %div3A_78 = arith.constant 1.280000e+02 : f32
    %div3A_79 = arith.divf %reduce_sum3A_77, %div3A_78 : f32
    %mul3A_80 = arith.constant 1.000000e+00 : f32
    %mul3A_81 = arith.mulf %mul3A_80, %div3A_79 : f32
    %add3A_82 = arith.addf %add3A_72, %mul3A_81 : f32
    %reduce_sum3A_83 = vector.shape_cast %sub3A_21 : vector<1x128xf32> to vector<1x1x128xf32>
    %reduce_sum3A_84 = arith.constant dense<0.000000e+00> : vector<1xf32>
    %reduce_sum3A_85 = vector.multi_reduction <add>, %reduce_sum3A_83, %reduce_sum3A_84 [1, 2] : vector<1x1x128xf32> to vector<1xf32>
    %reduce_sum3A_86 = vector.shape_cast %reduce_sum3A_85 : vector<1xf32> to vector<1x1x1xf32>
    %reduce_sum3A_87 = vector.extract %reduce_sum3A_86[0, 0, 0] : f32 from vector<1x1x1xf32>
    %div3A_88 = arith.constant 1.280000e+02 : f32
    %div3A_89 = arith.divf %reduce_sum3A_87, %div3A_88 : f32
    %mul3A_90 = arith.constant 1.000000e-01 : f32
    %mul3A_91 = arith.mulf %mul3A_90, %div3A_89 : f32
    %add3A_92 = arith.addf %add3A_82, %mul3A_91 : f32
    %swap3A = arith.constant 0 : index
    %swap3A_93 = arith.constant 0 : index
    %swap3A_94 = memref.load %arg4[%swap3A, %swap3A_93] : memref<1x1xf32, #tpu.memory_space<smem>>
    memref.store %add3A_92, %arg4[%swap3A, %swap3A_93] : memref<1x1xf32, #tpu.memory_space<smem>>
    return
  }
}

</mosaic_0001>

<sc_bundles>
// kernel: kernel.5.cloned.1.call-start
scs
__scs_entry_jumppad:
0x0: {  	(pc) =	sbr.rel $0x88, $3  }
0x1: {  	(tag) =	ssettag $0x0;
	lr =	simm.s32 $0x1  }
0x2: {  	[smem:$0x3F9A] =	sst lr;
	_ =	strace $0xD0000000  }
0x3: {  	_ = 	snop  }
0x4: {  	_ = 	snop  }
0x5: {  	_ = 	snop  }
0x6: {  	_ = 	snop  }
0x7: {  	_ = 	snop  }
__scs_overlays_trampoline_lowered:
0x8: {  	[smem:$0x3FA9] =	sst s0  }
0x9: {  	[smem:$0x3FAA] =	sst s1  }
0xa: {  	[smem:$0x3FAB] =	sst s2  }
0xb: {  	[smem:$0x3FAC] =	sst s3  }
0xc: {  	[smem:$0x3FAD] =	sst s4  }
0xd: {  	[smem:$0x3FAE] =	sst s5  }
0xe: {  	[smem:$0x3FAF] =	sst s6  }
0xf: {  	[smem:$0x3FB0] =	sst s7  }
0x10: {  	[smem:$0x3FB1] =	sst s8  }
0x11: {  	[smem:$0x3FB2] =	sst s9;
	s0 =	simm.s32 @!p0 $0x0  }
0x12: {  	s1 =	sld [smem:$0x3F98];
	s0 =	simm.s32 @p0 $0x1  }
0x13: {  	[smem:$0x3FB3] =	sst s0;
	s0 =	simm.s32 @!p1 $0x0  }
0x14: {  	s2 =	sld [smem:$0x3F97];
	s0 =	simm.s32 @p1 $0x1  }
0x15: {  	[smem:$0x3FB4] =	sst s0;
	s0 =	simm.s32 @!p2 $0x0  }
0x16: {  	s3 =	sld [smem:$0x3FDB];
	s0 =	simm.s32 @p2 $0x1  }
0x17: {  	s4 =	simm.s32 $0x1BF5;
	[smem:$0x3FB6] =	sst s0  }
0x18: {  	s0 =	sld [smem:$0x3F99];
	_ =	swait.ge [sflag:s4], $0x0  }
0x19: {  	s7 =	sld [smem:$0x3F9A]  }
0x1a: {  	s8 =	sadd.s32 $0xFFFFE003, lr  }
0x1b: {  	s9 =	sadd.s32 $0xFFFFFEF7, lr;
	s5 =	simm.s32 $0xFFFFFFFF;
	p2 =	slt.u32 s8, $0xFFFFF086  }
0x1c: {  	p1 =	slt.u32 s9, $0xF7A;
	s5 =	simm.s32 @!p2 $0x0  }
0x1d: {  	s5 =	simm.s32 @p1 $0x1;
	p0 =	seq.s32 s7, s2  }
0x1e: {  	s7 =	smul.u32 @!p0 $0xF7A, s2;
	p2 =	seq.s32 @!p0 s5, $0x0  }
0x1f: {  	s9 =	smul.u32 $0xF7A, s1;
	s8 =	simm.s32 @!p0 $0x1BF5;
	p2 =	por !p2, p0  }
0x20: {  	[sflag:s8] =	ssyncset.s32 @!p0 $0xFFFFF086;
	s6 =	sadd.s32 @!p0 s3, s7;
	s7 =	simm.s32 @!p0 $0x108  }
0x21: {  	s3 =	sadd.s32 s3, s9;
	s6 =	sadd.s32 @!p0 $0x88, s6;
	s7 =	simm.s32 @p2 $0x1082  }
0x22: {  	[simem:s7], [sflag:s8] =	dma.local @!p0 [hbm:s6], $0xF7A  }
0x23: {  	s9 =	sor.u32 $0xD0000000, s2;
	s6 =	simm.s32 $0x108;
	_ =	swait.ge @!p0 [sflag:s8], $0x0  }
0x24: {  	s3 =	sadd.s32 $0x88, s3;
	s6 =	simm.s32 @!p1 $0x1082;
	[sflag:s4] =	ssyncset.s32 $0xFFFFF086  }
0x25: {  	[simem:s6], [sflag:s4] =	dma.local [hbm:s3], $0xF7A  }
0x26: {  	[smem:$0x3F9A] =	sst s1;
	(tag) =	ssettag s2;
	_ =	strace s9  }
0x27: {  	s1 =	sld [smem:$0x3FAA]  }
0x28: {  	s2 =	sld [smem:$0x3FAB]  }
0x29: {  	s4 =	sld [smem:$0x3FAD]  }
0x2a: {  	p0 =	seq.s32 s5, $0x0;
	s5 =	sld [smem:$0x3FAE]  }
0x2b: {  	s6 =	sld [smem:$0x3FAF]  }
0x2c: {  	s7 =	sld [smem:$0x3FB0]  }
0x2d: {  	s3 =	simm.s32 $0x108;
	s8 =	sld [smem:$0x3FB1]  }
0x2e: {  	s3 =	simm.s32 @!p0 $0x1082;
	s9 =	sld [smem:$0x3FB2]  }
0x2f: {  	lr =	sadd.s32 s0, s3;
	s0 =	sld [smem:$0x3FA9]  }
0x30: {  	s3 =	sld [smem:$0x3FAC]  }
0x31: {  	[smem:$0x3FB5] =	sst s10  }
0x32: {  	s10 =	sld [smem:$0x3FB3];
	_ =	sdelay $0x3  }
0x33: {  	p0 =	seq.s32 s10, $0x1;
	s10 =	sld [smem:$0x3FB5];
	_ =	sdelay $0x3  }
0x34: {  	[smem:$0x3FB5] =	sst s10  }
0x35: {  	s10 =	sld [smem:$0x3FB4];
	_ =	sdelay $0x3  }
0x36: {  	p1 =	seq.s32 s10, $0x1;
	s10 =	sld [smem:$0x3FB5];
	_ =	sdelay $0x3  }
0x37: {  	[smem:$0x3FB5] =	sst s10  }
0x38: {  	s10 =	sld [smem:$0x3FB6]  }
0x39: {  	_ = 	snop;
	(pc) =	sbr.ind lr, $3  }
0x3a: {  	_ = 	snop  }
0x3b: {  	_ = 	snop  }
0x3c: {  	p2 =	seq.s32 s10, $0x1;
	s10 =	sld [smem:$0x3FB5]  }
0x3d: {  	_ =	shalt  }
0x3e: {  	_ =	shalt  }
0x3f: {  	_ =	shalt  }
0x40: {  	_ =	shalt  }
0x41: {  	_ =	shalt  }
0x42: {  	_ =	shalt  }
0x43: {  	_ =	shalt  }
0x44: {  	_ =	shalt  }
0x45: {  	_ =	shalt  }
0x46: {  	_ =	shalt  }
0x47: {  	_ =	shalt  }
0x48: {  	_ =	shalt  }
0x49: {  	_ =	shalt  }
0x4a: {  	_ =	shalt  }
0x4b: {  	_ =	shalt  }
0x4c: {  	_ =	shalt  }
0x4d: {  	_ =	shalt  }
0x4e: {  	_ =	shalt  }
0x4f: {  	_ =	shalt  }
0x50: {  	_ =	shalt  }
0x51: {  	_ =	shalt  }
0x52: {  	_ =	shalt  }
0x53: {  	_ =	shalt  }
0x54: {  	_ =	shalt  }
0x55: {  	_ =	shalt  }
0x56: {  	_ =	shalt  }
0x57: {  	_ =	shalt  }
0x58: {  	_ =	shalt  }
0x59: {  	_ =	shalt  }
0x5a: {  	_ =	shalt  }
0x5b: {  	_ =	shalt  }
0x5c: {  	_ =	shalt  }
0x5d: {  	_ =	shalt  }
0x5e: {  	_ =	shalt  }
0x5f: {  	_ =	shalt  }
0x60: {  	_ =	shalt  }
0x61: {  	_ =	shalt  }
0x62: {  	_ =	shalt  }
0x63: {  	_ =	shalt  }
0x64: {  	_ =	shalt  }
0x65: {  	_ =	shalt  }
0x66: {  	_ =	shalt  }
0x67: {  	_ =	shalt  }
0x68: {  	_ =	shalt  }
0x69: {  	_ =	shalt  }
0x6a: {  	_ =	shalt  }
0x6b: {  	_ =	shalt  }
0x6c: {  	_ =	shalt  }
0x6d: {  	_ =	shalt  }
0x6e: {  	_ =	shalt  }
0x6f: {  	_ =	shalt  }
0x70: {  	_ =	shalt  }
0x71: {  	_ =	shalt  }
0x72: {  	_ =	shalt  }
0x73: {  	_ =	shalt  }
0x74: {  	_ =	shalt  }
0x75: {  	_ =	shalt  }
0x76: {  	_ =	shalt  }
0x77: {  	_ =	shalt  }
0x78: {  	_ =	shalt  }
0x79: {  	_ =	shalt  }
0x7a: {  	_ =	shalt  }
0x7b: {  	_ =	shalt  }
0x7c: {  	_ =	shalt  }
0x7d: {  	_ =	shalt  }
0x7e: {  	_ =	shalt  }
0x7f: {  	_ =	shalt  }
0x80: {  	_ =	shalt  }
0x81: {  	_ =	shalt  }
0x82: {  	_ =	shalt  }
0x83: {  	_ =	shalt  }
0x84: {  	_ =	shalt  }
0x85: {  	_ =	shalt  }
0x86: {  	_ =	shalt  }
0x87: {  	_ =	shalt  }
.Lfunc_end0:
.L_simem_size_0:
called_computation_lowered:
.L_overlay_start_0:
0x88: {  	s2 =	sld [smem:$0x3FD9]  }
0x89: {  	s3 =	sld [smem:$0x3FFE];
	_ =	sdelay $0x1  }
0x8a: {  	s1 =	srdreg.scid  }
0x8b: {  	s0 =	sand.u32 $0x1, s1  }
0x8c: {  	s17 =	sshll.u32 s0, $0xA;
	s2 =	sadd.s32 s3, s2  }
0x8d: {  	s2 =	sadd.s32 s2, s17  }
0x8e: {  	[smem:$0x3FC1] =	sst s2  }
0x8f: {  	_ = 	snop  }
0x90: {  	s2 =	sld [smem:$0x3FC9]  }
0x91: {  	s18 =	sld [smem:$0x3FC7];
	(tm) =	ssettm $0x1  }
0x92: {  	s4 =	sld [smem:$0x3FFB];
	_ =	sdelay $0x3  }
0x93: {  	_ =	strace s4  }
0x94: {  	s4 =	sld [smem:$0x3FFC];
	_ =	sdelay $0x3  }
0x95: {  	_ =	strace s4  }
0x96: {  	s4 =	sld [smem:$0x3FFD];
	_ =	sdelay $0x3  }
0x97: {  	_ =	strace s4  }
0x98: {  	_ =	strace $0x8FFFFFFF  }
0x99: {  	s19 =	sld [smem:$0x3FDB];
	_ =	sdelay $0x1  }
0x9a: {  	s5 =	simm.s32 $_scs_section_size  }
0x9b: {  	s6 =	simm.s32 $_size__tile_overlayer_lowered;
	s7 =	simm.s32 $_tile_overlayer_lowered  }
0x9c: {  	s22 =	simm.s32 $0x1BFF;
	s21 =	sshll.u32 s7, $0x1;
	s4 =	sadd.s32 s5, s19  }
0x9d: {  	s8 =	simm.s32 $0x0;
	s20 =	sshll.u32 s6, $0x1;
	s6 =	sadd.s32 s21, s4  }
0x9e: {  	[timem:s8], [sflag:s22] =	dma.local [hbm:s6], s20  }
0x9f: {  	_ =	swait.ge [sflag:s22], s20  }
0xa0: {  	s5 =	ssub.s32 $0x0, s20;
	[sflag:s22] =	ssyncset.done $0x0  }
0xa1: {  	[sflag:s22] =	ssyncadd.s32 s5;
	_ =	sdelay $0x1  }
0xa2: {  	s23 =	simm.s32 $0x1B8B  }
0xa3: {  	_ =	swait.ge [sflag:s23], $0x1  }
0xa4: {  	[sflag:s23] =	ssyncset.done $0x0  }
0xa5: {  	s25 =	simm.s32 $0x1B8E;
	s24 =	sld [smem:$0x3FFE];
	[sflag:s23] =	ssyncadd.s32 $0xFFFFFFFF  }
0xa6: {  	s26 =	simm.s32 $execute0_lowered;
	[smem:$0x3FD2] =	sst s25  }
0xa7: {  	s6 =	sshll.u32 s26, $0x1;
	_ =	strace $0x80000046;
	[dreg:$0x1] =	wrdreg $0xFFFFFFFF  }
0xa8: {  	s28 =	simm.s32 $_size_execute0_lowered;
	s4 =	sadd.s32 s4, s6;
	[dreg:$0x0] =	wrdreg $0x0  }
0xa9: {  	s6 =	sshll.u32 s28, $0x1;
	[dreg:$0x2] =	wrdreg s4  }
0xaa: {  	[dreg:$0x3] =	wrdreg s6  }
0xab: {  	[dreg:$0x4] =	wrdreg $0xC0  }
0xac: {  	_ =	task [dreg:s8], $0x5FFFF  }
0xad: {  	[dreg:$0x1] =	wrdreg $0xFFFFFFFF  }
0xae: {  	[dreg:$0x0] =	wrdreg $0x60  }
0xaf: {  	[dreg:$0x2] =	wrdreg s24  }
0xb0: {  	[dreg:$0x3] =	wrdreg s18  }
0xb1: {  	[dreg:$0x4] =	wrdreg s2  }
0xb2: {  	[dreg:$0x5] =	wrdreg $0x9  }
0xb3: {  	_ =	task.clear_ibuf [dreg:s8], $0x6FFFF;
	_ =	strace $0x90000046  }
0xb4: {  	s29 =	simm.s32 $0x9;
	_ =	strace $0x80000048  }
0xb5: {  	_ =	swait.ge [sflag:s29], $0x1  }
0xb6: {  	[sflag:s29] =	ssyncadd.s32 $0xFFFFFFFF  }
0xb7: {  	_ =	strace $0x90000048  }
0xb8: {  	_ =	sfence  }
0xb9: {  	s30 =	sld [smem:$0x0];
	_ =	sdelay $0x2  }
0xba: {  	s31 =	sshll.u32 s1, $0xD;
	s1 =	sshrl.u32 s1, $0x2  }
0xbb: {  	s3 =	sand.u32 $0x4000, s31;
	s1 =	sadd.s32 s1, s30  }
0xbc: {  	s0 =	sor.u32 s3, s0;
	s1 =	sshll.u32 s1, $0x11  }
0xbd: {  	s0 =	sor.u32 s1, s0  }
0xbe: {  	s0 =	sadd.s32 $0x8F2B, s0  }
0xbf: {  	[sflag:s0] =	ssyncadd.remote.s32 $0x1  }
0xc0: {  	_ =	sfence.sel $0xFFFF  }
0xc1: {  	[dreg:$0x0] =	wrdreg $0xFFFFFFFF;
	(pc) =	sbr.abs _section_cstart, $3  }
0xc2: {  	[dreg:$0x1] =	wrdreg $0xFFFFFFFF  }
0xc3: {  	_ =	task.clear_ibuf [dreg:s8], $0x2FFFF;
	_ =	strace $0x9FFFFFFF  }
0xc4: {  	(tm) =	ssettm $0x7FFFFFFF  }
0xc5: {  	_ =	shalt  }
tec
execute0_lowered:
.L_overlay_start_1:
0x0: {  	(tag) =	ssettag $0x1  }
0x1: {  	s5 =	rddreg [dreg:$0x0]  }
0x2: {  	s8 =	rddreg [dreg:$0x1]  }
0x3: {  	s2 =	rddreg [dreg:$0x2]  }
0x4: {  	s0 =	rddreg [dreg:$0x3]  }
0x5: {  	s4 =	srdreg.scid;
	s1 =	stileid.u32  }
0x6: {  	s3 =	simm.s32 $0x0;
	s13 =	simm.s32 $0x2F40;
	s14 =	simm.s32 $0x2720  }
0x7: {  	s15 =	simm.s32 $0x2730;
	s16 =	simm.s32 $0x10;
	s17 =	simm.s32 $0x2740  }
0x8: {  	s18 =	simm.s32 $0x2;
	s19 =	simm.s32 $0x0;
	s6 =	sand.u32 $0x1, s4  }
0x9: {  	s29 =	sshll.u32 s1, $0x1;
	[smem:$0x7FF] =	sst s3;
	s9 =	sadd.s32 $0xC00, s5  }
0xa: {  	s4 =	sadd.s32 $0x14800, s5;
	s11 =	smul.u32 $0x4E20, s1;
	s7 =	sor.u32 s6, s29  }
0xb: {  	_ =	strace $0x80000047;
	s12 =	ssub.s32 $0x2, s6;
	s6 =	smul.u32 $0x2710, s6  }
0xc: {  	s10 =	smul.u32 $0x2710, s7;
	s7 =	sshll.u32 s7, $0x6;
	s30 =	sshrl.u32 s12, $0x1  }
.Ltmp0:
0xd: {  	s7 =	sadd.s32 s7, s5;
	s12 =	ssub.s32 s12, s30;
	(pc) =	sbr.rel .LBB2_1-.Ltmp0, $4  }
0xe: {  	s31 =	sadd.s32 s6, s11;
	s11 =	simm.s32 $0x3;
	s10 =	sshrl.u32 s10, $0x3  }
0xf: {  	v0 =	vimm.s32 $0x0;
	v9 =	vimm.s32 $0x8;
	v10 =	vimm.s32 $0x9;
	s6 =	sadd.s32 $0x14A00, s7;
	s7 =	smax.u32 s12, $0x1;
	s10 =	sadd.s32 s9, s10  }
0x10: {  	v11 =	vimm.s32 $0xA;
	v12 =	vimm.s32 $0xB;
	v13 =	vimm.s32 $0xC;
	s12 =	simm.s32 $0x1;
	s5 =	sadd.s32 $0x9C40, s10;
	s10 =	sshrl.u32 s31, $0x3  }
0x11: {  	v14 =	vimm.s32 $0xD;
	v15 =	vimm.s32 $0xE;
	v16 =	vimm.s32 $0xF;
	s8 =	sadd.s32 s10, s8;
	s9 =	sadd.s32 s10, s9;
	s10 =	simm.s32 $0x2710  }
.LBB2_7:
0x12: {  	s19 =	sadd.s32 $0x1, s19  }
0x13: {  	p0 =	sne.s32 s19, s7  }
.Ltmp1:
0x14: {  	_ = 	snop;
	(pc) =	sbr.rel @!p0 .LBB2_8-.Ltmp1, $4  }
0x15: {  	[hbm4b:s6+s3] =	stream.linear.scatter [tilespmem:s13], [sflag:$0x3], $0x200, $0x38;
	[tilespmem:$0x3140] =	vst v63  }
0x16: {  	_ =	swait.ge [sflag:s11], $0x200  }
0x17: {  	[sflag:s11] =	ssyncset.done $0x0  }
0x18: {  	[sflag:s11] =	ssyncadd.s32 $0xFFFFFE00  }
.LBB2_1:
0x19: {  	[tilespmem:s3], [sflag:$0x1] =	stream.linear.gather [hbm4b:s5+s3], $0x2710, $0x38;
	[tilespmem:$0x3140] =	vst v63  }
0x1a: {  	_ = 	snop  }
0x1b: {  	[tilespmem:s10], [sflag:$0x3] =	stream.linear.gather [hbm4b:s4+s3], $0x2, $0x38;
	[tilespmem:$0x3140] =	vst v63  }
0x1c: {  	_ =	swait.ge [sflag:s11], $0x2  }
0x1d: {  	[sflag:s11] =	ssyncset.done $0x0  }
0x1e: {  	[sflag:s11] =	ssyncadd.s32 $0xFFFFFFFE  }
0x1f: {  	v2 =	vimm.f32 $0.0e+00;
	v18 =	vld [tilespmem:$0x2710]  }
0x20: {  	[tilespmem:$0x2F40] =	vst v2  }
0x21: {  	[tilespmem:$0x2F50] =	vst v2  }
0x22: {  	[tilespmem:$0x2F60] =	vst v2  }
0x23: {  	v1 =	vimm.s32 $0x1;
	[tilespmem:$0x2F70] =	vst v2  }
0x24: {  	[tilespmem:$0x2F80] =	vst v2;
	v17 =	vperm.xlane v18, v0;
	v18 =	vperm.xlane v18, v1  }
0x25: {  	[tilespmem:$0x2F90] =	vst v2  }
0x26: {  	[tilespmem:$0x2FA0] =	vst v2;
	vm0 =	vgt.s32 v17, v18  }
0x27: {  	[tilespmem:$0x2FB0] =	vst v2;
	v19 =	vsel vm0, v17, v18  }
0x28: {  	[tilespmem:$0x2FC0] =	vst v2;
	v19 =	vxor.u32 $0x80000000, v19  }
0x29: {  	[tilespmem:$0x2FD0] =	vst v2;
	(xrf0) =	vmax.scan.msk.u32 $0xffff, v19  }
0x2a: {  	[tilespmem:$0x2FE0] =	vst v2  }
0x2b: {  	[tilespmem:$0x2FF0] =	vst v2  }
0x2c: {  	[tilespmem:$0x3000] =	vst v2  }
0x2d: {  	[tilespmem:$0x3010] =	vst v2  }
0x2e: {  	[tilespmem:$0x3020] =	vst v2  }
0x2f: {  	[tilespmem:$0x3030] =	vst v2;
	v19, _, _ =	vpop (xrf0)  }
0x30: {  	[tilespmem:$0x3040] =	vst v2;
	(v2sf) =	vpush v19, $0xF  }
0x31: {  	[tilespmem:$0x3050] =	vst v2  }
0x32: {  	[tilespmem:$0x3060] =	vst v2  }
0x33: {  	[tilespmem:$0x3070] =	vst v2  }
0x34: {  	[tilespmem:$0x3080] =	vst v2  }
0x35: {  	[tilespmem:$0x3090] =	vst v2  }
0x36: {  	[tilespmem:$0x30A0] =	vst v2  }
0x37: {  	[tilespmem:$0x30B0] =	vst v2  }
0x38: {  	[tilespmem:$0x30C0] =	vst v2  }
0x39: {  	[tilespmem:$0x30D0] =	vst v2  }
0x3a: {  	[tilespmem:$0x30E0] =	vst v2  }
0x3b: {  	[tilespmem:$0x30F0] =	vst v2  }
0x3c: {  	[tilespmem:$0x3100] =	vst v2  }
0x3d: {  	[tilespmem:$0x3110] =	vst v2  }
.Ltmp2:
0x3e: {  	[tilespmem:$0x3120] =	vst v2;
	(pc) =	sbr.rel .LBB2_2-.Ltmp2, $4  }
0x3f: {  	[tilespmem:$0x3130] =	vst v2;
	s20 =	spop (v2sf)  }
0x40: {  	_ =	swait.ge [sflag:s12], $0x2710  }
0x41: {  	s21 =	smov.u32 s9;
	s22 =	smov.u32 s8;
	[sflag:s12] =	ssyncset.done $0x0  }
0x42: {  	s23 =	simm.s32 $0x0;
	s24 =	simm.s32 $0x0;
	[sflag:s12] =	ssyncadd.s32 $0xFFFFD8F0  }
.LBB2_6:
0x43: {  	s24 =	sadd.s32 $0x1, s24  }
0x44: {  	p0 =	sne.s32 s24, $0x19  }
.Ltmp3:
0x45: {  	_ = 	snop;
	(pc) =	sbr.rel @!p0 .LBB2_7-.Ltmp3, $2  }
0x46: {  	_ =	sdelay $0x2  }
0x47: {  	s23 =	sadd.s32 $0x190, s23;
	s22 =	sadd.s32 $0x32, s22;
	s21 =	sadd.s32 $0x32, s21  }
.LBB2_2:
0x48: {  	s25 =	smul.u32 $0x190, s24;
	_ =	sdelay $0x1  }
0x49: {  	v19 =	vld [tilespmem:s25+$0x0]  }
0x4a: {  	v20 =	vld [tilespmem:s25+$0x10];
	_ =	sdelay $0x1  }
0x4b: {  	v21 =	vld [tilespmem:s25+$0x20];
	_ =	sdelay $0x1  }
0x4c: {  	v22 =	vld [tilespmem:s25+$0x30]  }
0x4d: {  	vm0 =	vlt.s32 v19, v20  }
0x4e: {  	v19 =	vsel vm0, v19, v20;
	v20 =	vld [tilespmem:s25+$0x40]  }
0x4f: {  	vm0 =	vlt.s32 v19, v21  }
0x50: {  	v50 =	vld [tilespmem:s25+$0x50];
	v19 =	vsel vm0, v19, v21  }
0x51: {  	vm0 =	vlt.s32 v19, v22  }
0x52: {  	v51 =	vld [tilespmem:s25+$0x60];
	v19 =	vsel vm0, v19, v22  }
0x53: {  	vm0 =	vlt.s32 v19, v20  }
0x54: {  	v19 =	vsel vm0, v19, v20;
	v20 =	vld [tilespmem:s25+$0x70]  }
0x55: {  	vm0 =	vlt.s32 v19, v50  }
0x56: {  	v52 =	vld [tilespmem:s25+$0x80];
	v19 =	vsel vm0, v19, v50  }
0x57: {  	vm0 =	vlt.s32 v19, v51  }
0x58: {  	v53 =	vld [tilespmem:s25+$0x90];
	v19 =	vsel vm0, v19, v51  }
0x59: {  	vm0 =	vlt.s32 v19, v20  }
0x5a: {  	v19 =	vsel vm0, v19, v20;
	v20 =	vld [tilespmem:s25+$0xA0]  }
0x5b: {  	vm0 =	vlt.s32 v19, v52  }
0x5c: {  	v54 =	vld [tilespmem:s25+$0xB0];
	v19 =	vsel vm0, v19, v52  }
0x5d: {  	vm0 =	vlt.s32 v19, v53  }
0x5e: {  	v55 =	vld [tilespmem:s25+$0xC0];
	v19 =	vsel vm0, v19, v53  }
0x5f: {  	vm0 =	vlt.s32 v19, v20  }
0x60: {  	v19 =	vsel vm0, v19, v20;
	v20 =	vld [tilespmem:s25+$0xD0]  }
0x61: {  	vm0 =	vlt.s32 v19, v54  }
0x62: {  	v56 =	vld [tilespmem:s25+$0xE0];
	v19 =	vsel vm0, v19, v54  }
0x63: {  	vm0 =	vlt.s32 v19, v55  }
0x64: {  	v57 =	vld [tilespmem:s25+$0xF0];
	v19 =	vsel vm0, v19, v55  }
0x65: {  	vm0 =	vlt.s32 v19, v20  }
0x66: {  	v19 =	vsel vm0, v19, v20;
	v20 =	vld [tilespmem:s25+$0x100]  }
0x67: {  	vm0 =	vlt.s32 v19, v56  }
0x68: {  	v58 =	vld [tilespmem:s25+$0x110];
	v19 =	vsel vm0, v19, v56  }
0x69: {  	vm0 =	vlt.s32 v19, v57  }
0x6a: {  	v59 =	vld [tilespmem:s25+$0x120];
	v19 =	vsel vm0, v19, v57  }
0x6b: {  	vm0 =	vlt.s32 v19, v20  }
0x6c: {  	v19 =	vsel vm0, v19, v20;
	v20 =	vld [tilespmem:s25+$0x130]  }
0x6d: {  	vm0 =	vlt.s32 v19, v58  }
0x6e: {  	v60 =	vld [tilespmem:s25+$0x140];
	v19 =	vsel vm0, v19, v58  }
0x6f: {  	vm0 =	vlt.s32 v19, v59  }
0x70: {  	v61 =	vld [tilespmem:s25+$0x150];
	v19 =	vsel vm0, v19, v59  }
0x71: {  	vm0 =	vlt.s32 v19, v20  }
0x72: {  	v19 =	vsel vm0, v19, v20;
	v20 =	vld [tilespmem:s25+$0x160]  }
0x73: {  	vm0 =	vlt.s32 v19, v60  }
0x74: {  	v62 =	vld [tilespmem:s25+$0x170];
	v19 =	vsel vm0, v19, v60  }
0x75: {  	vm0 =	vlt.s32 v19, v61  }
0x76: {  	v63 =	vld [tilespmem:s25+$0x180];
	v19 =	vsel vm0, v19, v61  }
0x77: {  	vm0 =	vlt.s32 v19, v20  }
0x78: {  	v19 =	vsel vm0, v19, v20  }
0x79: {  	vm0 =	vlt.s32 v19, v62  }
0x7a: {  	v19 =	vsel vm0, v19, v62  }
0x7b: {  	vm0 =	vlt.s32 v19, v63  }
0x7c: {  	v19 =	vsel vm0, v19, v63  }
0x7d: {  	v19 =	vxor.u32 $0x80000000, v19  }
0x7e: {  	(xrf0) =	vmin.scan.msk.u32 $0xffff, v19;
	_ =	sdelay $0x5  }
0x7f: {  	v19, _, _ =	vpop (xrf0)  }
0x80: {  	(v2sf) =	vpush v19, $0xF;
	_ =	sdelay $0xe  }
0x81: {  	s31 =	spop (v2sf)  }
0x82: {  	p0 =	sgt.u32 s31, s20  }
.Ltmp4:
0x83: {  	_ = 	snop;
	(pc) =	sbr.rel @p0 .LBB2_6-.Ltmp4, $4  }
.Ltmp5:
0x84: {  	_ = 	snop;
	(pc) =	sbr.rel @!p0 .LBB2_3-.Ltmp5, $4  }
0x85: {  	_ = 	snop  }
0x86: {  	_ = 	snop  }
0x87: {  	s26 =	smov.u32 s23;
	s25 =	simm.s32 $0x0  }
0x88: {  	_ = 	snop  }
.LBB2_5:
0x89: {  	s25 =	sadd.s32 $0x2, s25  }
0x8a: {  	p0 =	sne.s32 s25, $0x32  }
.Ltmp6:
0x8b: {  	_ = 	snop;
	(pc) =	sbr.rel @!p0 .LBB2_6-.Ltmp6, $2  }
0x8c: {  	_ =	sdelay $0x2  }
0x8d: {  	s26 =	sadd.s32 $0x10, s26  }
.LBB2_3:
0x8e: {  	v19 =	vld [tilespmem:s26+$0x0];
	_ =	sdelay $0x4  }
0x8f: {  	vm0 =	veq.s32 v19, v17;
	vm1 =	veq.s32 v19, v18  }
0x90: {  	vm0 =	vmor vm0, vm1  }
0x91: {  	v19 =	vsel vm0, $0x1, v0  }
0x92: {  	v19 =	vor.u32 $0x80000000, v19  }
0x93: {  	(xrf0) =	vmax.scan.msk.u32 $0xffff, v19;
	_ =	sdelay $0x5  }
0x94: {  	v19, _, _ =	vpop (xrf0)  }
0x95: {  	(v2sf) =	vpush v19, $0xF;
	_ =	sdelay $0xe  }
0x96: {  	s28 =	spop (v2sf)  }
0x97: {  	p0 =	slt.u32 s28, $0x80000001  }
.Ltmp7:
0x98: {  	_ = 	snop;
	(pc) =	sbr.rel @p0 .LBB2_5-.Ltmp7, $1  }
0x99: {  	_ =	sdelay $0x3  }
0x9a: {  	s28 =	sadd.s32 s25, s21  }
0x9b: {  	[tilespmem:s14], [sflag:$0x1] =	stream.linear.gather [hbm4b:s28+s3], $0x10, $0x38;
	[tilespmem:$0x3140] =	vst v63  }
0x9c: {  	s31 =	sadd.s32 s25, s22  }
0x9d: {  	[tilespmem:s15], [sflag:$0x2] =	stream.linear.gather [hbm4b:s31+s3], $0x10, $0x38;
	[tilespmem:$0x3140] =	vst v63  }
0x9e: {  	_ =	swait.ge [sflag:s12], $0x10  }
0x9f: {  	[sflag:s12] =	ssyncset.done $0x0  }
0xa0: {  	[sflag:s12] =	ssyncadd.s32 $0xFFFFFFF0  }
0xa1: {  	[tilespmem:s17], [sflag:$0x1] =	stream.indirect.gather [hbm4b:s2+s16], $0x80, s14, s16, $0xb8;
	[tilespmem:$0x3140] =	vst v63  }
0xa2: {  	_ =	swait.ge [sflag:s18], $0x10  }
0xa3: {  	[sflag:s18] =	ssyncset.done $0x0  }
0xa4: {  	[sflag:s18] =	ssyncadd.s32 $0xFFFFFFF0  }
0xa5: {  	_ =	swait.ge [sflag:s12], $0x800  }
0xa6: {  	[sflag:s12] =	ssyncset.done $0x0  }
0xa7: {  	[sflag:s12] =	ssyncadd.s32 $0xFFFFF800  }
0xa8: {  	v19 =	vld [tilespmem:s26+$0x0]  }
0xa9: {  	v20 =	vld [tilespmem:$0x2730];
	_ =	sdelay $0x4  }
0xaa: {  	v23 =	vld [tilespmem:$0x2740];
	vm0 =	veq.s32 v19, v17;
	vm1 =	vge.f32 v20, $0.0e+00;
	vm15 =	veq.s32 v19, v18  }
0xab: {  	v25 =	vld [tilespmem:$0x2750];
	v21 =	vsel vm0, $0x3F800000, v0;
	v24 =	vsel vm1, $0x3F800000, v0;
	v22 =	vsel vm15, $0x3F800000, v0  }
0xac: {  	v31 =	vld [tilespmem:$0x2760];
	v20 =	vmul.f32 v24, v21;
	v19 =	vmul.f32 v24, v22  }
0xad: {  	v1 =	vimm.s32 $0x1;
	v35 =	vld [tilespmem:$0x2770];
	v6 =	vperm.xlane v21, v0;
	v26 =	vperm.xlane v22, v0  }
0xae: {  	v39 =	vld [tilespmem:$0x2780];
	v57 =	vperm.xlane v22, v1;
	v27 =	vperm.xlane v20, v0  }
0xaf: {  	v43 =	vld [tilespmem:$0x2790];
	v28 =	vperm.xlane v19, v0;
	v29 =	vmul.f32 v23, v6  }
0xb0: {  	v47 =	vld [tilespmem:$0x27A0];
	v30 =	vmul.f32 v23, v26;
	v33 =	vmul.f32 v25, v6  }
0xb1: {  	v51 =	vld [tilespmem:$0x27B0];
	v34 =	vmul.f32 v25, v26;
	v37 =	vmul.f32 v31, v6  }
0xb2: {  	v38 =	vmul.f32 v31, v26;
	v41 =	vmul.f32 v35, v6  }
0xb3: {  	v56 =	vld [tilespmem:$0x27C0];
	v42 =	vmul.f32 v35, v26;
	v45 =	vmul.f32 v39, v6  }
0xb4: {  	v58 =	vld [tilespmem:$0x27D0];
	v46 =	vmul.f32 v39, v26;
	v49 =	vmul.f32 v43, v6  }
0xb5: {  	v50 =	vmul.f32 v43, v26;
	v53 =	vmul.f32 v47, v6  }
0xb6: {  	v54 =	vmul.f32 v47, v26;
	v24 =	vmul.f32 v51, v6  }
0xb7: {  	v26 =	vmul.f32 v51, v26;
	v59 =	vperm.xlane v20, v1  }
0xb8: {  	v3 =	vimm.s32 $0x2;
	v60 =	vperm.xlane v19, v1;
	v62 =	vmul.f32 v56, v57  }
0xb9: {  	v4 =	vmul.f32 v58, v57;
	v29 =	vadd.f32 $0.0e+00, v29;
	v32 =	vmul.f32 v23, v27  }
0xba: {  	v23 =	vmul.f32 v23, v28;
	v30 =	vadd.f32 $0.0e+00, v30;
	v36 =	vmul.f32 v25, v27  }
0xbb: {  	v33 =	vadd.f32 $0.0e+00, v33;
	v34 =	vadd.f32 $0.0e+00, v34;
	v25 =	vmul.f32 v25, v28  }
0xbc: {  	v40 =	vmul.f32 v31, v27;
	v31 =	vmul.f32 v31, v28;
	v37 =	vadd.f32 $0.0e+00, v37  }
0xbd: {  	v38 =	vadd.f32 $0.0e+00, v38;
	v41 =	vadd.f32 $0.0e+00, v41;
	v44 =	vmul.f32 v35, v27  }
0xbe: {  	v35 =	vmul.f32 v35, v28;
	v42 =	vadd.f32 $0.0e+00, v42;
	v48 =	vmul.f32 v39, v27  }
0xbf: {  	v45 =	vadd.f32 $0.0e+00, v45;
	v46 =	vadd.f32 $0.0e+00, v46;
	v39 =	vmul.f32 v39, v28  }
0xc0: {  	v52 =	vmul.f32 v43, v27;
	v49 =	vadd.f32 $0.0e+00, v49;
	v50 =	vadd.f32 $0.0e+00, v50  }
0xc1: {  	v43 =	vmul.f32 v43, v28;
	v53 =	vadd.f32 $0.0e+00, v53;
	v54 =	vadd.f32 $0.0e+00, v54  }
0xc2: {  	v55 =	vmul.f32 v47, v27;
	v24 =	vadd.f32 $0.0e+00, v24;
	v26 =	vadd.f32 $0.0e+00, v26  }
0xc3: {  	v47 =	vmul.f32 v47, v28;
	v32 =	vadd.f32 $0.0e+00, v32;
	v23 =	vadd.f32 $0.0e+00, v23  }
0xc4: {  	v27 =	vmul.f32 v51, v27;
	v36 =	vadd.f32 $0.0e+00, v36;
	v25 =	vadd.f32 $0.0e+00, v25  }
0xc5: {  	v28 =	vmul.f32 v51, v28;
	v40 =	vadd.f32 $0.0e+00, v40;
	v31 =	vadd.f32 $0.0e+00, v31  }
0xc6: {  	v51 =	vperm.xlane v21, v1;
	v44 =	vadd.f32 $0.0e+00, v44;
	v35 =	vadd.f32 $0.0e+00, v35  }
0xc7: {  	v2 =	vmul.f32 v56, v59;
	v48 =	vadd.f32 $0.0e+00, v48;
	v39 =	vadd.f32 $0.0e+00, v39  }
0xc8: {  	v63 =	vld [tilespmem:$0x27E0];
	v5 =	vmul.f32 v58, v59;
	v52 =	vadd.f32 $0.0e+00, v52;
	v43 =	vadd.f32 $0.0e+00, v43  }
0xc9: {  	v55 =	vadd.f32 $0.0e+00, v55;
	v47 =	vadd.f32 $0.0e+00, v47;
	v61 =	vmul.f32 v56, v51  }
0xca: {  	v27 =	vadd.f32 $0.0e+00, v27;
	v28 =	vadd.f32 $0.0e+00, v28;
	v56 =	vmul.f32 v56, v60  }
0xcb: {  	v1 =	vld [tilespmem:$0x2810];
	v30 =	vadd.f32 v62, v30;
	v7 =	vmul.f32 v58, v51;
	v29 =	vadd.f32 v61, v29  }
0xcc: {  	v62 =	vld [tilespmem:$0x27F0];
	v58 =	vmul.f32 v58, v60;
	v2 =	vadd.f32 v2, v32;
	v23 =	vadd.f32 v56, v23  }
0xcd: {  	v6 =	vmul.f32 v63, v51;
	v32 =	vadd.f32 v7, v33;
	v33 =	vadd.f32 v4, v34  }
0xce: {  	v25 =	vadd.f32 v58, v25;
	v7 =	vmul.f32 v63, v57;
	v58 =	vld [tilespmem:$0x2800];
	v4 =	vmul.f32 v63, v59  }
0xcf: {  	v36 =	vadd.f32 v5, v36;
	v34 =	vadd.f32 v6, v37;
	v5 =	vmul.f32 v63, v60  }
0xd0: {  	v63 =	vmul.f32 v1, v57;
	v38 =	vadd.f32 v7, v38;
	v37 =	vadd.f32 v4, v40  }
0xd1: {  	v31 =	vadd.f32 v5, v31;
	v6 =	vmul.f32 v62, v51;
	v7 =	vmul.f32 v62, v57  }
0xd2: {  	v61 =	vmul.f32 v62, v59;
	v4 =	vmul.f32 v62, v60;
	v50 =	vadd.f32 v63, v50  }
0xd3: {  	v62 =	vld [tilespmem:$0x2820];
	v41 =	vadd.f32 v6, v41;
	v5 =	vmul.f32 v58, v51;
	v6 =	vmul.f32 v58, v57  }
0xd4: {  	v42 =	vadd.f32 v7, v42;
	v7 =	vmul.f32 v58, v59;
	v58 =	vmul.f32 v58, v60  }
0xd5: {  	v40 =	vadd.f32 v61, v44;
	v35 =	vadd.f32 v4, v35;
	v61 =	vmul.f32 v1, v51  }
0xd6: {  	v4 =	vmul.f32 v1, v59;
	v44 =	vadd.f32 v5, v45;
	v39 =	vadd.f32 v58, v39;
	v58 =	vld [tilespmem:$0x2830]  }
0xd7: {  	v1 =	vmul.f32 v1, v60;
	v45 =	vadd.f32 v6, v46;
	v48 =	vadd.f32 v7, v48  }
0xd8: {  	v46 =	vadd.f32 v61, v49;
	v49 =	vadd.f32 v4, v52;
	v7 =	vmul.f32 v62, v59  }
0xd9: {  	v1 =	vadd.f32 v1, v43;
	v52 =	vld [tilespmem:$0x2840];
	v5 =	vmul.f32 v62, v51;
	v6 =	vmul.f32 v62, v57  }
0xda: {  	v62 =	vmul.f32 v62, v60;
	v43 =	vadd.f32 v7, v55;
	v55 =	vperm.xlane v20, v3  }
0xdb: {  	v53 =	vadd.f32 v5, v53;
	v51 =	vmul.f32 v58, v51;
	v63 =	vmul.f32 v58, v57  }
0xdc: {  	v54 =	vadd.f32 v6, v54;
	v56 =	vmul.f32 v58, v59;
	v57 =	vperm.xlane v21, v3;
	v59 =	vld [tilespmem:$0x2850]  }
0xdd: {  	v47 =	vadd.f32 v62, v47;
	v6 =	vmul.f32 v58, v60;
	v58 =	vperm.xlane v22, v3  }
0xde: {  	v5 =	vmul.f32 v52, v55;
	v24 =	vadd.f32 v51, v24;
	v26 =	vadd.f32 v63, v26  }
0xdf: {  	v62 =	vld [tilespmem:$0x2860];
	v7 =	vmul.f32 v52, v57;
	v27 =	vadd.f32 v56, v27;
	v56 =	vperm.xlane v19, v3  }
0xe0: {  	v4 =	vmul.f32 v52, v58;
	v28 =	vadd.f32 v6, v28;
	v2 =	vadd.f32 v5, v2  }
0xe1: {  	v61 =	vld [tilespmem:$0x2870];
	v3 =	vimm.s32 $0x3;
	v29 =	vadd.f32 v7, v29;
	v6 =	vmul.f32 v59, v57  }
0xe2: {  	v30 =	vadd.f32 v4, v30;
	v7 =	vmul.f32 v59, v58;
	v4 =	vmul.f32 v59, v55  }
0xe3: {  	v52 =	vmul.f32 v52, v56;
	v5 =	vmul.f32 v59, v56;
	v32 =	vadd.f32 v6, v32  }
0xe4: {  	v59 =	vld [tilespmem:$0x2880];
	v33 =	vadd.f32 v7, v33;
	v36 =	vadd.f32 v4, v36;
	v6 =	vmul.f32 v62, v57  }
0xe5: {  	v25 =	vadd.f32 v5, v25;
	v7 =	vmul.f32 v62, v58;
	v4 =	vmul.f32 v62, v55  }
0xe6: {  	v5 =	vmul.f32 v62, v56;
	v34 =	vadd.f32 v6, v34;
	v6 =	vmul.f32 v61, v57  }
0xe7: {  	v60 =	vld [tilespmem:$0x2890];
	v38 =	vadd.f32 v7, v38;
	v37 =	vadd.f32 v4, v37;
	v7 =	vmul.f32 v61, v58  }
0xe8: {  	v31 =	vadd.f32 v5, v31;
	v4 =	vmul.f32 v61, v55;
	v5 =	vmul.f32 v61, v56  }
0xe9: {  	v62 =	vld [tilespmem:$0x28A0];
	v41 =	vadd.f32 v6, v41;
	v42 =	vadd.f32 v7, v42;
	v6 =	vmul.f32 v59, v57  }
0xea: {  	v40 =	vadd.f32 v4, v40;
	v7 =	vmul.f32 v59, v58;
	v4 =	vmul.f32 v59, v55  }
0xeb: {  	v35 =	vadd.f32 v5, v35;
	v5 =	vmul.f32 v59, v56;
	v44 =	vadd.f32 v6, v44  }
0xec: {  	v59 =	vld [tilespmem:$0x28B0];
	v45 =	vadd.f32 v7, v45;
	v48 =	vadd.f32 v4, v48;
	v6 =	vmul.f32 v60, v57  }
0xed: {  	v39 =	vadd.f32 v5, v39;
	v7 =	vmul.f32 v60, v58;
	v4 =	vmul.f32 v60, v55  }
0xee: {  	v5 =	vmul.f32 v60, v56;
	v46 =	vadd.f32 v6, v46;
	v6 =	vmul.f32 v62, v57  }
0xef: {  	v50 =	vadd.f32 v7, v50;
	v49 =	vadd.f32 v4, v49;
	v7 =	vmul.f32 v62, v58  }
0xf0: {  	v1 =	vadd.f32 v5, v1;
	v4 =	vmul.f32 v62, v55;
	v5 =	vmul.f32 v62, v56  }
0xf1: {  	v23 =	vadd.f32 v52, v23;
	v60 =	vld [tilespmem:$0x28C0];
	v57 =	vmul.f32 v59, v57;
	v55 =	vmul.f32 v59, v55  }
0xf2: {  	v63 =	vld [tilespmem:$0x28F0];
	v51 =	vadd.f32 v6, v53;
	v52 =	vadd.f32 v7, v54;
	v6 =	vmul.f32 v59, v58  }
0xf3: {  	v43 =	vadd.f32 v4, v43;
	v7 =	vmul.f32 v59, v56;
	v56 =	vperm.xlane v21, v3  }
0xf4: {  	v47 =	vadd.f32 v5, v47;
	v58 =	vld [tilespmem:$0x28D0];
	v59 =	vperm.xlane v20, v3;
	v53 =	vperm.xlane v19, v3  }
0xf5: {  	v24 =	vadd.f32 v57, v24;
	v57 =	vperm.xlane v22, v3;
	v3 =	vimm.s32 $0x4  }
0xf6: {  	v26 =	vadd.f32 v6, v26;
	v6 =	vmul.f32 v60, v56;
	v4 =	vmul.f32 v60, v59  }
0xf7: {  	v27 =	vadd.f32 v55, v27;
	v55 =	vld [tilespmem:$0x28E0];
	v62 =	vmul.f32 v63, v56;
	v54 =	vperm.xlane v20, v3  }
0xf8: {  	v28 =	vadd.f32 v7, v28;
	v7 =	vmul.f32 v60, v57;
	v60 =	vmul.f32 v60, v53  }
0xf9: {  	v29 =	vadd.f32 v6, v29;
	v2 =	vadd.f32 v4, v2;
	v5 =	vmul.f32 v58, v56  }
0xfa: {  	v41 =	vadd.f32 v62, v41;
	v30 =	vadd.f32 v7, v30;
	v6 =	vmul.f32 v58, v57  }
0xfb: {  	v7 =	vmul.f32 v58, v59;
	v4 =	vmul.f32 v58, v53;
	v32 =	vadd.f32 v5, v32  }
0xfc: {  	v61 =	vld [tilespmem:$0x2900];
	v33 =	vadd.f32 v6, v33;
	v5 =	vmul.f32 v55, v56;
	v6 =	vmul.f32 v55, v57  }
0xfd: {  	v36 =	vadd.f32 v7, v36;
	v7 =	vmul.f32 v55, v59;
	v55 =	vmul.f32 v55, v53  }
0xfe: {  	v23 =	vadd.f32 v60, v23;
	v58 =	vperm.xlane v22, v3;
	v25 =	vadd.f32 v4, v25  }
0xff: {  	v4 =	vmul.f32 v63, v57;
	v34 =	vadd.f32 v5, v34;
	v31 =	vadd.f32 v55, v31;
	v55 =	vld [tilespmem:$0x2910]  }
0x100: {  	v38 =	vadd.f32 v6, v38;
	v37 =	vadd.f32 v7, v37;
	v5 =	vmul.f32 v63, v59  }
0x101: {  	v6 =	vmul.f32 v63, v53;
	v42 =	vadd.f32 v4, v42;
	v7 =	vmul.f32 v61, v56;
	v63 =	vld [tilespmem:$0x2920]  }
0x102: {  	v4 =	vmul.f32 v61, v57;
	v40 =	vadd.f32 v5, v40;
	v5 =	vmul.f32 v61, v59  }
0x103: {  	v35 =	vadd.f32 v6, v35;
	v44 =	vadd.f32 v7, v44;
	v6 =	vmul.f32 v61, v53  }
0x104: {  	v45 =	vadd.f32 v4, v45;
	v61 =	vld [tilespmem:$0x2930];
	v48 =	vadd.f32 v5, v48;
	v7 =	vmul.f32 v55, v56  }
0x105: {  	v39 =	vadd.f32 v6, v39;
	v4 =	vmul.f32 v55, v57;
	v5 =	vmul.f32 v55, v59  }
0x106: {  	v55 =	vmul.f32 v55, v53;
	v6 =	vmul.f32 v63, v56;
	v46 =	vadd.f32 v7, v46  }
0x107: {  	v50 =	vadd.f32 v4, v50;
	v49 =	vadd.f32 v5, v49;
	v7 =	vmul.f32 v63, v57  }
0x108: {  	v60 =	vld [tilespmem:$0x2940];
	v1 =	vadd.f32 v55, v1;
	v4 =	vmul.f32 v63, v59;
	v5 =	vmul.f32 v63, v53  }
0x109: {  	v51 =	vadd.f32 v6, v51;
	v63 =	vmul.f32 v61, v56;
	v6 =	vmul.f32 v61, v57  }
0x10a: {  	v53 =	vmul.f32 v61, v53;
	v57 =	vperm.xlane v21, v3;
	v52 =	vadd.f32 v7, v52  }
0x10b: {  	v43 =	vadd.f32 v4, v43;
	v7 =	vmul.f32 v61, v59;
	v47 =	vadd.f32 v5, v47;
	v59 =	vld [tilespmem:$0x2950]  }
0x10c: {  	v24 =	vadd.f32 v63, v24;
	v61 =	vperm.xlane v19, v3;
	v26 =	vadd.f32 v6, v26  }
0x10d: {  	v4 =	vmul.f32 v60, v57;
	v5 =	vmul.f32 v60, v58;
	v63 =	vld [tilespmem:$0x2960];
	v3 =	vimm.s32 $0x5  }
0x10e: {  	v28 =	vadd.f32 v53, v28;
	v6 =	vmul.f32 v60, v54;
	v55 =	vperm.xlane v21, v3  }
0x10f: {  	v27 =	vadd.f32 v7, v27;
	v29 =	vadd.f32 v4, v29;
	v7 =	vmul.f32 v60, v61  }
0x110: {  	v30 =	vadd.f32 v5, v30;
	v2 =	vadd.f32 v6, v2;
	v60 =	vld [tilespmem:$0x2970];
	v4 =	vmul.f32 v59, v57  }
0x111: {  	v23 =	vadd.f32 v7, v23;
	v5 =	vmul.f32 v59, v58;
	v6 =	vmul.f32 v59, v54  }
0x112: {  	v59 =	vmul.f32 v59, v61;
	v7 =	vmul.f32 v63, v57;
	v32 =	vadd.f32 v4, v32  }
0x113: {  	v56 =	vld [tilespmem:$0x2980];
	v62 =	vmul.f32 v63, v58;
	v33 =	vadd.f32 v5, v33;
	v36 =	vadd.f32 v6, v36  }
0x114: {  	v25 =	vadd.f32 v59, v25;
	v4 =	vmul.f32 v63, v54;
	v5 =	vmul.f32 v63, v61  }
0x115: {  	v34 =	vadd.f32 v7, v34;
	v38 =	vadd.f32 v62, v38;
	v6 =	vmul.f32 v60, v57;
	v63 =	vld [tilespmem:$0x2990]  }
0x116: {  	v7 =	vmul.f32 v60, v58;
	v37 =	vadd.f32 v4, v37;
	v31 =	vadd.f32 v5, v31  }
0x117: {  	v4 =	vmul.f32 v60, v54;
	v41 =	vadd.f32 v6, v41;
	v5 =	vmul.f32 v60, v61  }
0x118: {  	v42 =	vadd.f32 v7, v42;
	v6 =	vmul.f32 v56, v57;
	v7 =	vmul.f32 v56, v58;
	v60 =	vld [tilespmem:$0x29A0]  }
0x119: {  	v40 =	vadd.f32 v4, v40;
	v35 =	vadd.f32 v5, v35;
	v4 =	vmul.f32 v56, v54  }
0x11a: {  	v56 =	vmul.f32 v56, v61;
	v44 =	vadd.f32 v6, v44;
	v5 =	vmul.f32 v63, v57  }
0x11b: {  	v59 =	vld [tilespmem:$0x29C0];
	v45 =	vadd.f32 v7, v45;
	v6 =	vmul.f32 v63, v58;
	v7 =	vmul.f32 v63, v54  }
0x11c: {  	v48 =	vadd.f32 v4, v48;
	v39 =	vadd.f32 v56, v39;
	v56 =	vld [tilespmem:$0x29B0];
	v4 =	vmul.f32 v63, v61  }
0x11d: {  	v46 =	vadd.f32 v5, v46;
	v50 =	vadd.f32 v6, v50;
	v5 =	vmul.f32 v60, v57  }
0x11e: {  	v6 =	vmul.f32 v60, v58;
	v49 =	vadd.f32 v7, v49;
	v7 =	vmul.f32 v60, v54  }
0x11f: {  	v62 =	vmul.f32 v60, v61;
	v1 =	vadd.f32 v4, v1;
	v51 =	vadd.f32 v5, v51  }
0x120: {  	v4 =	vmul.f32 v59, v55;
	v52 =	vadd.f32 v6, v52;
	v43 =	vadd.f32 v7, v43  }
0x121: {  	v47 =	vadd.f32 v62, v47;
	v62 =	vld [tilespmem:$0x29E0];
	v63 =	vmul.f32 v56, v57;
	v6 =	vmul.f32 v56, v58  }
0x122: {  	v29 =	vadd.f32 v4, v29;
	v54 =	vmul.f32 v56, v54;
	v58 =	vld [tilespmem:$0x29D0];
	v7 =	vmul.f32 v56, v61  }
0x123: {  	v56 =	vperm.xlane v22, v3;
	v57 =	vperm.xlane v20, v3;
	v24 =	vadd.f32 v63, v24  }
0x124: {  	v26 =	vadd.f32 v6, v26;
	v27 =	vadd.f32 v54, v27;
	v54 =	vperm.xlane v19, v3  }
0x125: {  	v61 =	vld [tilespmem:$0x29F0];
	v5 =	vmul.f32 v59, v56;
	v6 =	vmul.f32 v59, v57;
	v3 =	vimm.s32 $0x6  }
0x126: {  	v28 =	vadd.f32 v7, v28;
	v53 =	vperm.xlane v19, v3;
	v59 =	vmul.f32 v59, v54  }
0x127: {  	v2 =	vadd.f32 v6, v2;
	v6 =	vmul.f32 v62, v55;
	v7 =	vmul.f32 v58, v55  }
0x128: {  	v30 =	vadd.f32 v5, v30;
	v4 =	vmul.f32 v58, v56;
	v5 =	vmul.f32 v58, v57  }
0x129: {  	v58 =	vmul.f32 v58, v54;
	v23 =	vadd.f32 v59, v23;
	v34 =	vadd.f32 v6, v34  }
0x12a: {  	v59 =	vld [tilespmem:$0x2A00];
	v6 =	vmul.f32 v61, v55;
	v32 =	vadd.f32 v7, v32;
	v33 =	vadd.f32 v4, v33  }
0x12b: {  	v36 =	vadd.f32 v5, v36;
	v7 =	vmul.f32 v62, v56;
	v4 =	vmul.f32 v62, v57  }
0x12c: {  	v25 =	vadd.f32 v58, v25;
	v5 =	vmul.f32 v62, v54;
	v41 =	vadd.f32 v6, v41  }
0x12d: {  	v60 =	vld [tilespmem:$0x2A10];
	v38 =	vadd.f32 v7, v38;
	v37 =	vadd.f32 v4, v37;
	v7 =	vmul.f32 v61, v56  }
0x12e: {  	v31 =	vadd.f32 v5, v31;
	v4 =	vmul.f32 v61, v57;
	v5 =	vmul.f32 v61, v54  }
0x12f: {  	v62 =	vld [tilespmem:$0x2A20];
	v42 =	vadd.f32 v7, v42;
	v6 =	vmul.f32 v59, v55;
	v7 =	vmul.f32 v59, v56  }
0x130: {  	v40 =	vadd.f32 v4, v40;
	v4 =	vmul.f32 v59, v57;
	v35 =	vadd.f32 v5, v35  }
0x131: {  	v5 =	vmul.f32 v59, v54;
	v59 =	vld [tilespmem:$0x2A30];
	v44 =	vadd.f32 v6, v44;
	v45 =	vadd.f32 v7, v45  }
0x132: {  	v48 =	vadd.f32 v4, v48;
	v6 =	vmul.f32 v60, v55;
	v7 =	vmul.f32 v60, v56  }
0x133: {  	v39 =	vadd.f32 v5, v39;
	v4 =	vmul.f32 v60, v57;
	v5 =	vmul.f32 v60, v54  }
0x134: {  	v46 =	vadd.f32 v6, v46;
	v6 =	vmul.f32 v62, v55;
	v50 =	vadd.f32 v7, v50  }
0x135: {  	v63 =	vld [tilespmem:$0x2A70];
	v49 =	vadd.f32 v4, v49;
	v7 =	vmul.f32 v62, v56;
	v4 =	vmul.f32 v62, v57  }
0x136: {  	v60 =	vld [tilespmem:$0x2A40];
	v1 =	vadd.f32 v5, v1;
	v5 =	vmul.f32 v62, v54;
	v55 =	vmul.f32 v59, v55  }
0x137: {  	v58 =	vld [tilespmem:$0x2A50];
	v54 =	vmul.f32 v59, v54;
	v51 =	vadd.f32 v6, v51;
	v52 =	vadd.f32 v7, v52  }
0x138: {  	v43 =	vadd.f32 v4, v43;
	v6 =	vmul.f32 v59, v56;
	v7 =	vmul.f32 v59, v57  }
0x139: {  	v47 =	vadd.f32 v5, v47;
	v57 =	vperm.xlane v21, v3;
	v59 =	vperm.xlane v20, v3  }
0x13a: {  	v24 =	vadd.f32 v55, v24;
	v55 =	vperm.xlane v22, v3;
	v28 =	vadd.f32 v54, v28  }
0x13b: {  	v26 =	vadd.f32 v6, v26;
	v6 =	vmul.f32 v60, v57;
	v4 =	vmul.f32 v60, v59  }
0x13c: {  	v56 =	vld [tilespmem:$0x2A60];
	v3 =	vimm.s32 $0x7;
	v5 =	vmul.f32 v58, v57;
	v62 =	vmul.f32 v63, v57  }
0x13d: {  	v27 =	vadd.f32 v7, v27;
	v54 =	vperm.xlane v20, v3;
	v7 =	vmul.f32 v60, v55  }
0x13e: {  	v60 =	vmul.f32 v60, v53;
	v29 =	vadd.f32 v6, v29;
	v6 =	vmul.f32 v58, v55  }
0x13f: {  	v2 =	vadd.f32 v4, v2;
	v32 =	vadd.f32 v5, v32;
	v4 =	vmul.f32 v58, v53  }
0x140: {  	v61 =	vld [tilespmem:$0x2A80];
	v41 =	vadd.f32 v62, v41;
	v30 =	vadd.f32 v7, v30;
	v7 =	vmul.f32 v58, v59  }
0x141: {  	v5 =	vmul.f32 v56, v57;
	v33 =	vadd.f32 v6, v33;
	v6 =	vmul.f32 v56, v55  }
0x142: {  	v25 =	vadd.f32 v4, v25;
	v4 =	vmul.f32 v63, v55;
	v36 =	vadd.f32 v7, v36  }
0x143: {  	v7 =	vmul.f32 v56, v59;
	v56 =	vmul.f32 v56, v53;
	v34 =	vadd.f32 v5, v34  }
0x144: {  	v5 =	vmul.f32 v63, v59;
	v38 =	vadd.f32 v6, v38;
	v6 =	vmul.f32 v63, v53;
	v63 =	vld [tilespmem:$0x2AA0]  }
0x145: {  	v42 =	vadd.f32 v4, v42;
	v4 =	vmul.f32 v61, v55;
	v31 =	vadd.f32 v56, v31;
	v56 =	vld [tilespmem:$0x2A90]  }
0x146: {  	v37 =	vadd.f32 v7, v37;
	v7 =	vmul.f32 v61, v57;
	v40 =	vadd.f32 v5, v40  }
0x147: {  	v5 =	vmul.f32 v61, v59;
	v35 =	vadd.f32 v6, v35;
	v6 =	vmul.f32 v61, v53;
	v61 =	vld [tilespmem:$0x2AB0]  }
0x148: {  	v23 =	vadd.f32 v60, v23;
	v58 =	vperm.xlane v22, v3;
	v45 =	vadd.f32 v4, v45  }
0x149: {  	v44 =	vadd.f32 v7, v44;
	v39 =	vadd.f32 v6, v39;
	v6 =	vmul.f32 v63, v57  }
0x14a: {  	v48 =	vadd.f32 v5, v48;
	v7 =	vmul.f32 v56, v57;
	v4 =	vmul.f32 v56, v55  }
0x14b: {  	v60 =	vld [tilespmem:$0x2AC0];
	v5 =	vmul.f32 v56, v59;
	v56 =	vmul.f32 v56, v53;
	v51 =	vadd.f32 v6, v51  }
0x14c: {  	v6 =	vmul.f32 v61, v57;
	v57 =	vperm.xlane v21, v3;
	v46 =	vadd.f32 v7, v46  }
0x14d: {  	v50 =	vadd.f32 v4, v50;
	v49 =	vadd.f32 v5, v49;
	v7 =	vmul.f32 v63, v55  }
0x14e: {  	v1 =	vadd.f32 v56, v1;
	v4 =	vmul.f32 v63, v59;
	v5 =	vmul.f32 v63, v53  }
0x14f: {  	v55 =	vmul.f32 v61, v55;
	v53 =	vmul.f32 v61, v53;
	v24 =	vadd.f32 v6, v24  }
0x150: {  	v63 =	vld [tilespmem:$0x2AE0];
	v6 =	vmul.f32 v60, v54;
	v52 =	vadd.f32 v7, v52;
	v43 =	vadd.f32 v4, v43  }
0x151: {  	v7 =	vmul.f32 v61, v59;
	v47 =	vadd.f32 v5, v47;
	v59 =	vld [tilespmem:$0x2AD0];
	v61 =	vperm.xlane v19, v3  }
0x152: {  	v26 =	vadd.f32 v55, v26;
	v4 =	vmul.f32 v60, v57;
	v5 =	vmul.f32 v60, v58  }
0x153: {  	v28 =	vadd.f32 v53, v28;
	v27 =	vadd.f32 v7, v27;
	v7 =	vmul.f32 v60, v61  }
0x154: {  	v55 =	vperm.xlane v21, v9;
	v2 =	vadd.f32 v6, v2;
	v29 =	vadd.f32 v4, v29  }
0x155: {  	v60 =	vld [tilespmem:$0x2AF0];
	v62 =	vmul.f32 v63, v58;
	v23 =	vadd.f32 v7, v23;
	v7 =	vmul.f32 v63, v57  }
0x156: {  	v30 =	vadd.f32 v5, v30;
	v4 =	vmul.f32 v59, v57;
	v5 =	vmul.f32 v59, v58  }
0x157: {  	v6 =	vmul.f32 v59, v54;
	v38 =	vadd.f32 v62, v38;
	v34 =	vadd.f32 v7, v34  }
0x158: {  	v56 =	vld [tilespmem:$0x2B00];
	v59 =	vmul.f32 v59, v61;
	v32 =	vadd.f32 v4, v32;
	v33 =	vadd.f32 v5, v33  }
0x159: {  	v36 =	vadd.f32 v6, v36;
	v4 =	vmul.f32 v63, v54;
	v5 =	vmul.f32 v63, v61  }
0x15a: {  	v25 =	vadd.f32 v59, v25;
	v6 =	vmul.f32 v60, v57;
	v7 =	vmul.f32 v60, v58  }
0x15b: {  	v63 =	vld [tilespmem:$0x2B10];
	v37 =	vadd.f32 v4, v37;
	v31 =	vadd.f32 v5, v31;
	v4 =	vmul.f32 v60, v54  }
0x15c: {  	v41 =	vadd.f32 v6, v41;
	v42 =	vadd.f32 v7, v42;
	v5 =	vmul.f32 v60, v61  }
0x15d: {  	v6 =	vmul.f32 v56, v57;
	v7 =	vmul.f32 v56, v58;
	v60 =	vld [tilespmem:$0x2B20];
	v40 =	vadd.f32 v4, v40  }
0x15e: {  	v35 =	vadd.f32 v5, v35;
	v4 =	vmul.f32 v56, v54;
	v56 =	vmul.f32 v56, v61  }
0x15f: {  	v53 =	vperm.xlane v19, v10;
	v59 =	vld [tilespmem:$0x2B40];
	v44 =	vadd.f32 v6, v44;
	v45 =	vadd.f32 v7, v45  }
0x160: {  	v5 =	vmul.f32 v63, v57;
	v6 =	vmul.f32 v63, v58;
	v39 =	vadd.f32 v56, v39;
	v56 =	vld [tilespmem:$0x2B30]  }
0x161: {  	v7 =	vmul.f32 v63, v54;
	v48 =	vadd.f32 v4, v48;
	v4 =	vmul.f32 v63, v61  }
0x162: {  	v46 =	vadd.f32 v5, v46;
	v50 =	vadd.f32 v6, v50;
	v5 =	vmul.f32 v60, v57  }
0x163: {  	v6 =	vmul.f32 v60, v58;
	v49 =	vadd.f32 v7, v49;
	v7 =	vmul.f32 v60, v54  }
0x164: {  	v63 =	vmul.f32 v60, v61;
	v1 =	vadd.f32 v4, v1;
	v51 =	vadd.f32 v5, v51  }
0x165: {  	v43 =	vadd.f32 v7, v43;
	v7 =	vmul.f32 v59, v55;
	v4 =	vmul.f32 v56, v57  }
0x166: {  	v62 =	vld [tilespmem:$0x2B60];
	v52 =	vadd.f32 v6, v52;
	v5 =	vmul.f32 v56, v58;
	v54 =	vmul.f32 v56, v54  }
0x167: {  	v47 =	vadd.f32 v63, v47;
	v58 =	vld [tilespmem:$0x2B50];
	v6 =	vmul.f32 v56, v61;
	v57 =	vperm.xlane v20, v9  }
0x168: {  	v56 =	vperm.xlane v22, v9;
	v29 =	vadd.f32 v7, v29;
	v26 =	vadd.f32 v5, v26  }
0x169: {  	v61 =	vld [tilespmem:$0x2B70];
	v27 =	vadd.f32 v54, v27;
	v54 =	vperm.xlane v19, v9;
	v5 =	vmul.f32 v59, v57  }
0x16a: {  	v24 =	vadd.f32 v4, v24;
	v4 =	vmul.f32 v59, v56;
	v28 =	vadd.f32 v6, v28  }
0x16b: {  	v59 =	vmul.f32 v59, v54;
	v2 =	vadd.f32 v5, v2;
	v5 =	vmul.f32 v62, v55  }
0x16c: {  	v30 =	vadd.f32 v4, v30;
	v6 =	vmul.f32 v58, v55;
	v7 =	vmul.f32 v58, v56  }
0x16d: {  	v4 =	vmul.f32 v58, v57;
	v58 =	vmul.f32 v58, v54;
	v23 =	vadd.f32 v59, v23  }
0x16e: {  	v59 =	vld [tilespmem:$0x2B80];
	v34 =	vadd.f32 v5, v34;
	v5 =	vmul.f32 v61, v55;
	v32 =	vadd.f32 v6, v32  }
0x16f: {  	v33 =	vadd.f32 v7, v33;
	v36 =	vadd.f32 v4, v36;
	v6 =	vmul.f32 v62, v56  }
0x170: {  	v25 =	vadd.f32 v58, v25;
	v7 =	vmul.f32 v62, v57;
	v4 =	vmul.f32 v62, v54  }
0x171: {  	v62 =	vld [tilespmem:$0x2BA0];
	v41 =	vadd.f32 v5, v41;
	v38 =	vadd.f32 v6, v38;
	v6 =	vmul.f32 v61, v56  }
0x172: {  	v60 =	vld [tilespmem:$0x2B90];
	v37 =	vadd.f32 v7, v37;
	v31 =	vadd.f32 v4, v31;
	v7 =	vmul.f32 v61, v57  }
0x173: {  	v4 =	vmul.f32 v61, v54;
	v42 =	vadd.f32 v6, v42;
	v5 =	vmul.f32 v59, v55  }
0x174: {  	v40 =	vadd.f32 v7, v40;
	v6 =	vmul.f32 v59, v56;
	v7 =	vmul.f32 v59, v57  }
0x175: {  	v35 =	vadd.f32 v4, v35;
	v4 =	vmul.f32 v59, v54;
	v44 =	vadd.f32 v5, v44  }
0x176: {  	v59 =	vld [tilespmem:$0x2BB0];
	v63 =	vmul.f32 v62, v54;
	v45 =	vadd.f32 v6, v45;
	v48 =	vadd.f32 v7, v48  }
0x177: {  	v5 =	vmul.f32 v60, v55;
	v39 =	vadd.f32 v4, v39;
	v6 =	vmul.f32 v60, v56  }
0x178: {  	v7 =	vmul.f32 v60, v57;
	v4 =	vmul.f32 v60, v54;
	v47 =	vadd.f32 v63, v47  }
0x179: {  	v46 =	vadd.f32 v5, v46;
	v5 =	vmul.f32 v62, v55;
	v50 =	vadd.f32 v6, v50  }
0x17a: {  	v60 =	vld [tilespmem:$0x2BC0];
	v49 =	vadd.f32 v7, v49;
	v6 =	vmul.f32 v62, v56;
	v7 =	vmul.f32 v62, v57  }
0x17b: {  	v58 =	vld [tilespmem:$0x2BD0];
	v1 =	vadd.f32 v4, v1;
	v55 =	vmul.f32 v59, v55;
	v4 =	vmul.f32 v59, v56  }
0x17c: {  	v63 =	vld [tilespmem:$0x2BF0];
	v54 =	vmul.f32 v59, v54;
	v51 =	vadd.f32 v5, v51;
	v5 =	vmul.f32 v59, v57  }
0x17d: {  	v52 =	vadd.f32 v6, v52;
	v57 =	vperm.xlane v21, v10;
	v59 =	vperm.xlane v20, v10  }
0x17e: {  	v24 =	vadd.f32 v55, v24;
	v55 =	vperm.xlane v22, v10;
	v26 =	vadd.f32 v4, v26  }
0x17f: {  	v56 =	vld [tilespmem:$0x2BE0];
	v28 =	vadd.f32 v54, v28;
	v54 =	vperm.xlane v20, v11;
	v6 =	vmul.f32 v60, v57  }
0x180: {  	v27 =	vadd.f32 v5, v27;
	v4 =	vmul.f32 v60, v59;
	v5 =	vmul.f32 v58, v57  }
0x181: {  	v43 =	vadd.f32 v7, v43;
	v62 =	vmul.f32 v63, v57;
	v7 =	vmul.f32 v60, v55  }
0x182: {  	v60 =	vmul.f32 v60, v53;
	v29 =	vadd.f32 v6, v29;
	v6 =	vmul.f32 v58, v55  }
0x183: {  	v2 =	vadd.f32 v4, v2;
	v32 =	vadd.f32 v5, v32;
	v4 =	vmul.f32 v58, v53  }
0x184: {  	v61 =	vld [tilespmem:$0x2C00];
	v5 =	vmul.f32 v56, v57;
	v41 =	vadd.f32 v62, v41;
	v30 =	vadd.f32 v7, v30  }
0x185: {  	v7 =	vmul.f32 v58, v59;
	v33 =	vadd.f32 v6, v33;
	v6 =	vmul.f32 v56, v55  }
0x186: {  	v25 =	vadd.f32 v4, v25;
	v34 =	vadd.f32 v5, v34;
	v4 =	vmul.f32 v63, v55  }
0x187: {  	v36 =	vadd.f32 v7, v36;
	v7 =	vmul.f32 v56, v59;
	v56 =	vmul.f32 v56, v53  }
0x188: {  	v5 =	vmul.f32 v63, v59;
	v38 =	vadd.f32 v6, v38;
	v6 =	vmul.f32 v63, v53;
	v63 =	vld [tilespmem:$0x2C20]  }
0x189: {  	v42 =	vadd.f32 v4, v42;
	v4 =	vmul.f32 v61, v55;
	v31 =	vadd.f32 v56, v31;
	v56 =	vld [tilespmem:$0x2C10]  }
0x18a: {  	v40 =	vadd.f32 v5, v40;
	v5 =	vmul.f32 v61, v59;
	v37 =	vadd.f32 v7, v37  }
0x18b: {  	v7 =	vmul.f32 v61, v57;
	v35 =	vadd.f32 v6, v35;
	v6 =	vmul.f32 v61, v53;
	v61 =	vld [tilespmem:$0x2C30]  }
0x18c: {  	v23 =	vadd.f32 v60, v23;
	v58 =	vperm.xlane v22, v11;
	v45 =	vadd.f32 v4, v45  }
0x18d: {  	v48 =	vadd.f32 v5, v48;
	v39 =	vadd.f32 v6, v39;
	v6 =	vmul.f32 v63, v57  }
0x18e: {  	v44 =	vadd.f32 v7, v44;
	v7 =	vmul.f32 v56, v57;
	v4 =	vmul.f32 v56, v55  }
0x18f: {  	v60 =	vld [tilespmem:$0x2C40];
	v5 =	vmul.f32 v56, v59;
	v56 =	vmul.f32 v56, v53;
	v51 =	vadd.f32 v6, v51  }
0x190: {  	v6 =	vmul.f32 v61, v57;
	v57 =	vperm.xlane v21, v11;
	v46 =	vadd.f32 v7, v46  }
0x191: {  	v50 =	vadd.f32 v4, v50;
	v49 =	vadd.f32 v5, v49;
	v7 =	vmul.f32 v63, v55  }
0x192: {  	v1 =	vadd.f32 v56, v1;
	v4 =	vmul.f32 v63, v59;
	v5 =	vmul.f32 v63, v53  }
0x193: {  	v55 =	vmul.f32 v61, v55;
	v53 =	vmul.f32 v61, v53;
	v24 =	vadd.f32 v6, v24  }
0x194: {  	v63 =	vld [tilespmem:$0x2C60];
	v6 =	vmul.f32 v60, v54;
	v52 =	vadd.f32 v7, v52;
	v43 =	vadd.f32 v4, v43  }
0x195: {  	v7 =	vmul.f32 v61, v59;
	v47 =	vadd.f32 v5, v47;
	v59 =	vld [tilespmem:$0x2C50];
	v61 =	vperm.xlane v19, v11  }
0x196: {  	v26 =	vadd.f32 v55, v26;
	v4 =	vmul.f32 v60, v57;
	v5 =	vmul.f32 v60, v58  }
0x197: {  	v28 =	vadd.f32 v53, v28;
	v27 =	vadd.f32 v7, v27;
	v7 =	vmul.f32 v60, v61  }
0x198: {  	v55 =	vperm.xlane v21, v12;
	v2 =	vadd.f32 v6, v2;
	v29 =	vadd.f32 v4, v29  }
0x199: {  	v60 =	vld [tilespmem:$0x2C70];
	v62 =	vmul.f32 v63, v58;
	v23 =	vadd.f32 v7, v23;
	v7 =	vmul.f32 v63, v57  }
0x19a: {  	v30 =	vadd.f32 v5, v30;
	v4 =	vmul.f32 v59, v57;
	v5 =	vmul.f32 v59, v58  }
0x19b: {  	v6 =	vmul.f32 v59, v54;
	v38 =	vadd.f32 v62, v38;
	v34 =	vadd.f32 v7, v34  }
0x19c: {  	v56 =	vld [tilespmem:$0x2C80];
	v59 =	vmul.f32 v59, v61;
	v32 =	vadd.f32 v4, v32;
	v33 =	vadd.f32 v5, v33  }
0x19d: {  	v36 =	vadd.f32 v6, v36;
	v4 =	vmul.f32 v63, v54;
	v5 =	vmul.f32 v63, v61  }
0x19e: {  	v25 =	vadd.f32 v59, v25;
	v6 =	vmul.f32 v60, v57;
	v7 =	vmul.f32 v60, v58  }
0x19f: {  	v63 =	vld [tilespmem:$0x2C90];
	v37 =	vadd.f32 v4, v37;
	v31 =	vadd.f32 v5, v31;
	v4 =	vmul.f32 v60, v54  }
0x1a0: {  	v41 =	vadd.f32 v6, v41;
	v42 =	vadd.f32 v7, v42;
	v5 =	vmul.f32 v60, v61  }
0x1a1: {  	v6 =	vmul.f32 v56, v57;
	v7 =	vmul.f32 v56, v58;
	v60 =	vld [tilespmem:$0x2CA0];
	v40 =	vadd.f32 v4, v40  }
0x1a2: {  	v35 =	vadd.f32 v5, v35;
	v4 =	vmul.f32 v56, v54;
	v56 =	vmul.f32 v56, v61  }
0x1a3: {  	v53 =	vperm.xlane v19, v13;
	v59 =	vld [tilespmem:$0x2CC0];
	v44 =	vadd.f32 v6, v44;
	v45 =	vadd.f32 v7, v45  }
0x1a4: {  	v5 =	vmul.f32 v63, v57;
	v6 =	vmul.f32 v63, v58;
	v39 =	vadd.f32 v56, v39;
	v56 =	vld [tilespmem:$0x2CB0]  }
0x1a5: {  	v7 =	vmul.f32 v63, v54;
	v48 =	vadd.f32 v4, v48;
	v4 =	vmul.f32 v63, v61  }
0x1a6: {  	v46 =	vadd.f32 v5, v46;
	v50 =	vadd.f32 v6, v50;
	v5 =	vmul.f32 v60, v57  }
0x1a7: {  	v6 =	vmul.f32 v60, v58;
	v49 =	vadd.f32 v7, v49;
	v7 =	vmul.f32 v60, v54  }
0x1a8: {  	v63 =	vmul.f32 v60, v61;
	v1 =	vadd.f32 v4, v1;
	v51 =	vadd.f32 v5, v51  }
0x1a9: {  	v43 =	vadd.f32 v7, v43;
	v7 =	vmul.f32 v59, v55;
	v4 =	vmul.f32 v56, v57  }
0x1aa: {  	v62 =	vld [tilespmem:$0x2CE0];
	v52 =	vadd.f32 v6, v52;
	v5 =	vmul.f32 v56, v58;
	v54 =	vmul.f32 v56, v54  }
0x1ab: {  	v47 =	vadd.f32 v63, v47;
	v58 =	vld [tilespmem:$0x2CD0];
	v6 =	vmul.f32 v56, v61;
	v57 =	vperm.xlane v20, v12  }
0x1ac: {  	v56 =	vperm.xlane v22, v12;
	v29 =	vadd.f32 v7, v29;
	v26 =	vadd.f32 v5, v26  }
0x1ad: {  	v61 =	vld [tilespmem:$0x2CF0];
	v27 =	vadd.f32 v54, v27;
	v54 =	vperm.xlane v19, v12;
	v5 =	vmul.f32 v59, v57  }
0x1ae: {  	v24 =	vadd.f32 v4, v24;
	v4 =	vmul.f32 v59, v56;
	v28 =	vadd.f32 v6, v28  }
0x1af: {  	v59 =	vmul.f32 v59, v54;
	v2 =	vadd.f32 v5, v2;
	v5 =	vmul.f32 v62, v55  }
0x1b0: {  	v30 =	vadd.f32 v4, v30;
	v6 =	vmul.f32 v58, v55;
	v7 =	vmul.f32 v58, v56  }
0x1b1: {  	v4 =	vmul.f32 v58, v57;
	v58 =	vmul.f32 v58, v54;
	v23 =	vadd.f32 v59, v23  }
0x1b2: {  	v59 =	vld [tilespmem:$0x2D00];
	v34 =	vadd.f32 v5, v34;
	v5 =	vmul.f32 v61, v55;
	v32 =	vadd.f32 v6, v32  }
0x1b3: {  	v33 =	vadd.f32 v7, v33;
	v36 =	vadd.f32 v4, v36;
	v6 =	vmul.f32 v62, v56  }
0x1b4: {  	v25 =	vadd.f32 v58, v25;
	v7 =	vmul.f32 v62, v57;
	v4 =	vmul.f32 v62, v54  }
0x1b5: {  	v62 =	vld [tilespmem:$0x2D20];
	v41 =	vadd.f32 v5, v41;
	v38 =	vadd.f32 v6, v38;
	v6 =	vmul.f32 v61, v56  }
0x1b6: {  	v60 =	vld [tilespmem:$0x2D10];
	v37 =	vadd.f32 v7, v37;
	v31 =	vadd.f32 v4, v31;
	v7 =	vmul.f32 v61, v57  }
0x1b7: {  	v4 =	vmul.f32 v61, v54;
	v42 =	vadd.f32 v6, v42;
	v5 =	vmul.f32 v59, v55  }
0x1b8: {  	v40 =	vadd.f32 v7, v40;
	v6 =	vmul.f32 v59, v56;
	v7 =	vmul.f32 v59, v57  }
0x1b9: {  	v35 =	vadd.f32 v4, v35;
	v4 =	vmul.f32 v59, v54;
	v44 =	vadd.f32 v5, v44  }
0x1ba: {  	v59 =	vld [tilespmem:$0x2D30];
	v63 =	vmul.f32 v62, v54;
	v45 =	vadd.f32 v6, v45;
	v48 =	vadd.f32 v7, v48  }
0x1bb: {  	v5 =	vmul.f32 v60, v55;
	v39 =	vadd.f32 v4, v39;
	v6 =	vmul.f32 v60, v56  }
0x1bc: {  	v7 =	vmul.f32 v60, v57;
	v4 =	vmul.f32 v60, v54;
	v47 =	vadd.f32 v63, v47  }
0x1bd: {  	v46 =	vadd.f32 v5, v46;
	v5 =	vmul.f32 v62, v55;
	v50 =	vadd.f32 v6, v50  }
0x1be: {  	v60 =	vld [tilespmem:$0x2D40];
	v49 =	vadd.f32 v7, v49;
	v6 =	vmul.f32 v62, v56;
	v7 =	vmul.f32 v62, v57  }
0x1bf: {  	v58 =	vld [tilespmem:$0x2D50];
	v1 =	vadd.f32 v4, v1;
	v55 =	vmul.f32 v59, v55;
	v4 =	vmul.f32 v59, v56  }
0x1c0: {  	v63 =	vld [tilespmem:$0x2D70];
	v54 =	vmul.f32 v59, v54;
	v51 =	vadd.f32 v5, v51;
	v5 =	vmul.f32 v59, v57  }
0x1c1: {  	v52 =	vadd.f32 v6, v52;
	v57 =	vperm.xlane v21, v13;
	v59 =	vperm.xlane v20, v13  }
0x1c2: {  	v24 =	vadd.f32 v55, v24;
	v55 =	vperm.xlane v22, v13;
	v26 =	vadd.f32 v4, v26  }
0x1c3: {  	v56 =	vld [tilespmem:$0x2D60];
	v28 =	vadd.f32 v54, v28;
	v54 =	vperm.xlane v20, v14;
	v6 =	vmul.f32 v60, v57  }
0x1c4: {  	v27 =	vadd.f32 v5, v27;
	v4 =	vmul.f32 v60, v59;
	v5 =	vmul.f32 v58, v57  }
0x1c5: {  	v43 =	vadd.f32 v7, v43;
	v62 =	vmul.f32 v63, v57;
	v7 =	vmul.f32 v60, v55  }
0x1c6: {  	v60 =	vmul.f32 v60, v53;
	v29 =	vadd.f32 v6, v29;
	v6 =	vmul.f32 v58, v55  }
0x1c7: {  	v2 =	vadd.f32 v4, v2;
	v32 =	vadd.f32 v5, v32;
	v4 =	vmul.f32 v58, v53  }
0x1c8: {  	v61 =	vld [tilespmem:$0x2D80];
	v5 =	vmul.f32 v56, v57;
	v41 =	vadd.f32 v62, v41;
	v30 =	vadd.f32 v7, v30  }
0x1c9: {  	v7 =	vmul.f32 v58, v59;
	v33 =	vadd.f32 v6, v33;
	v6 =	vmul.f32 v56, v55  }
0x1ca: {  	v25 =	vadd.f32 v4, v25;
	v34 =	vadd.f32 v5, v34;
	v4 =	vmul.f32 v63, v55  }
0x1cb: {  	v36 =	vadd.f32 v7, v36;
	v7 =	vmul.f32 v56, v59;
	v56 =	vmul.f32 v56, v53  }
0x1cc: {  	v5 =	vmul.f32 v63, v59;
	v38 =	vadd.f32 v6, v38;
	v6 =	vmul.f32 v63, v53;
	v63 =	vld [tilespmem:$0x2DA0]  }
0x1cd: {  	v42 =	vadd.f32 v4, v42;
	v4 =	vmul.f32 v61, v55;
	v31 =	vadd.f32 v56, v31;
	v56 =	vld [tilespmem:$0x2D90]  }
0x1ce: {  	v40 =	vadd.f32 v5, v40;
	v5 =	vmul.f32 v61, v59;
	v37 =	vadd.f32 v7, v37  }
0x1cf: {  	v7 =	vmul.f32 v61, v57;
	v35 =	vadd.f32 v6, v35;
	v6 =	vmul.f32 v61, v53;
	v61 =	vld [tilespmem:$0x2DB0]  }
0x1d0: {  	v23 =	vadd.f32 v60, v23;
	v58 =	vperm.xlane v22, v14;
	v45 =	vadd.f32 v4, v45  }
0x1d1: {  	v48 =	vadd.f32 v5, v48;
	v39 =	vadd.f32 v6, v39;
	v6 =	vmul.f32 v63, v57  }
0x1d2: {  	v44 =	vadd.f32 v7, v44;
	v7 =	vmul.f32 v56, v57;
	v4 =	vmul.f32 v56, v55  }
0x1d3: {  	v60 =	vld [tilespmem:$0x2DC0];
	v5 =	vmul.f32 v56, v59;
	v56 =	vmul.f32 v56, v53;
	v51 =	vadd.f32 v6, v51  }
0x1d4: {  	v6 =	vmul.f32 v61, v57;
	v57 =	vperm.xlane v21, v14;
	v46 =	vadd.f32 v7, v46  }
0x1d5: {  	v50 =	vadd.f32 v4, v50;
	v49 =	vadd.f32 v5, v49;
	v7 =	vmul.f32 v63, v55  }
0x1d6: {  	v1 =	vadd.f32 v56, v1;
	v4 =	vmul.f32 v63, v59;
	v5 =	vmul.f32 v63, v53  }
0x1d7: {  	v55 =	vmul.f32 v61, v55;
	v53 =	vmul.f32 v61, v53;
	v63 =	vld [tilespmem:$0x2DE0];
	v24 =	vadd.f32 v6, v24  }
0x1d8: {  	v6 =	vmul.f32 v60, v54;
	v52 =	vadd.f32 v7, v52;
	v7 =	vmul.f32 v61, v59;
	v59 =	vld [tilespmem:$0x2DD0]  }
0x1d9: {  	v43 =	vadd.f32 v4, v43;
	v47 =	vadd.f32 v5, v47;
	v61 =	vperm.xlane v19, v14  }
0x1da: {  	v26 =	vadd.f32 v55, v26;
	v4 =	vmul.f32 v60, v57;
	v5 =	vmul.f32 v60, v58  }
0x1db: {  	v28 =	vadd.f32 v53, v28;
	v27 =	vadd.f32 v7, v27;
	v7 =	vmul.f32 v60, v61  }
0x1dc: {  	v2 =	vadd.f32 v6, v2;
	v29 =	vadd.f32 v4, v29;
	v60 =	vld [tilespmem:$0x2DF0];
	v62 =	vmul.f32 v63, v58  }
0x1dd: {  	v23 =	vadd.f32 v7, v23;
	v7 =	vmul.f32 v63, v57;
	v4 =	vmul.f32 v59, v57  }
0x1de: {  	v30 =	vadd.f32 v5, v30;
	v5 =	vmul.f32 v59, v58;
	v6 =	vmul.f32 v59, v54  }
0x1df: {  	v56 =	vld [tilespmem:$0x2E00];
	v59 =	vmul.f32 v59, v61;
	v34 =	vadd.f32 v7, v34;
	v32 =	vadd.f32 v4, v32  }
0x1e0: {  	v33 =	vadd.f32 v5, v33;
	v4 =	vmul.f32 v63, v54;
	v5 =	vmul.f32 v63, v61  }
0x1e1: {  	v36 =	vadd.f32 v6, v36;
	v6 =	vmul.f32 v60, v57;
	v7 =	vmul.f32 v60, v58;
	v63 =	vld [tilespmem:$0x2E10]  }
0x1e2: {  	v37 =	vadd.f32 v4, v37;
	v31 =	vadd.f32 v5, v31;
	v4 =	vmul.f32 v60, v54  }
0x1e3: {  	v41 =	vadd.f32 v6, v41;
	v42 =	vadd.f32 v7, v42;
	v5 =	vmul.f32 v60, v61  }
0x1e4: {  	v6 =	vmul.f32 v56, v57;
	v7 =	vmul.f32 v56, v58;
	v60 =	vld [tilespmem:$0x2E20];
	v40 =	vadd.f32 v4, v40  }
0x1e5: {  	v35 =	vadd.f32 v5, v35;
	v4 =	vmul.f32 v56, v54;
	v56 =	vmul.f32 v56, v61  }
0x1e6: {  	v44 =	vadd.f32 v6, v44;
	v45 =	vadd.f32 v7, v45;
	v5 =	vmul.f32 v63, v57  }
0x1e7: {  	v6 =	vmul.f32 v63, v58;
	v7 =	vmul.f32 v63, v54;
	v48 =	vadd.f32 v4, v48  }
0x1e8: {  	v55 =	vadd.f32 v56, v39;
	v56 =	vld [tilespmem:$0x2E30];
	v4 =	vmul.f32 v63, v61;
	v46 =	vadd.f32 v5, v46  }
0x1e9: {  	v50 =	vadd.f32 v6, v50;
	v5 =	vmul.f32 v60, v57;
	v6 =	vmul.f32 v60, v58  }
0x1ea: {  	v49 =	vadd.f32 v7, v49;
	v7 =	vmul.f32 v60, v54;
	v60 =	vmul.f32 v60, v61  }
0x1eb: {  	v38 =	vadd.f32 v62, v38;
	v25 =	vadd.f32 v59, v25;
	v59 =	vld [tilespmem:$0x2E40]  }
0x1ec: {  	v1 =	vadd.f32 v4, v1;
	v47 =	vadd.f32 v60, v47;
	v60 =	vperm.xlane v20, v15  }
0x1ed: {  	v51 =	vadd.f32 v5, v51;
	v62 =	vmul.f32 v56, v57;
	v63 =	vmul.f32 v56, v58  }
0x1ee: {  	v39 =	vld [tilespmem:$0x2E60];
	v52 =	vadd.f32 v6, v52;
	v4 =	vmul.f32 v56, v54;
	v54 =	vperm.xlane v21, v15  }
0x1ef: {  	v43 =	vadd.f32 v7, v43;
	v58 =	vld [tilespmem:$0x2E50];
	v5 =	vmul.f32 v56, v61;
	v56 =	vperm.xlane v22, v15  }
0x1f0: {  	v53 =	vadd.f32 v62, v24;
	v57 =	vadd.f32 v63, v26;
	v6 =	vmul.f32 v59, v54  }
0x1f1: {  	v61 =	vadd.f32 v4, v27;
	v62 =	vperm.xlane v19, v15;
	v7 =	vmul.f32 v59, v56  }
0x1f2: {  	v63 =	vadd.f32 v5, v28;
	v24 =	vmul.f32 v59, v60;
	v3 =	vadd.f32 v6, v29  }
0x1f3: {  	v28 =	vld [tilespmem:$0x2E70];
	v4 =	vadd.f32 v7, v30;
	v6 =	vmul.f32 v59, v62;
	v27 =	vmul.f32 v39, v62  }
0x1f4: {  	v30 =	vadd.f32 v24, v2;
	v2 =	vmul.f32 v58, v56;
	v29 =	vmul.f32 v58, v60  }
0x1f5: {  	v7 =	vmul.f32 v58, v54;
	v5 =	vmul.f32 v58, v62;
	v23 =	vadd.f32 v6, v23  }
0x1f6: {  	v6 =	vmul.f32 v39, v54;
	v2 =	vadd.f32 v2, v33;
	v33 =	vadd.f32 v29, v36;
	v29 =	vld [tilespmem:$0x2E80]  }
0x1f7: {  	v59 =	vadd.f32 v7, v32;
	v24 =	vadd.f32 v5, v25;
	v7 =	vmul.f32 v39, v56  }
0x1f8: {  	v36 =	vmul.f32 v39, v60;
	v32 =	vmul.f32 v28, v54;
	v58 =	vadd.f32 v6, v34;
	v34 =	vld [tilespmem:$0x2E90]  }
0x1f9: {  	v39 =	vmul.f32 v28, v56;
	v25 =	vadd.f32 v27, v31;
	v5 =	vadd.f32 v7, v38  }
0x1fa: {  	v38 =	vadd.f32 v36, v37;
	v6 =	vadd.f32 v32, v41;
	v41 =	vmul.f32 v28, v60  }
0x1fb: {  	v31 =	vld [tilespmem:$0x2EA0];
	v7 =	vadd.f32 v39, v42;
	v36 =	vmul.f32 v28, v62;
	v37 =	vmul.f32 v29, v54  }
0x1fc: {  	v40 =	vadd.f32 v41, v40;
	v39 =	vmul.f32 v29, v56;
	v41 =	vmul.f32 v29, v60  }
0x1fd: {  	v8 =	vld [tilespmem:$0x2EB0];
	v26 =	vadd.f32 v36, v35;
	v35 =	vmul.f32 v29, v62;
	v29 =	vmul.f32 v34, v54  }
0x1fe: {  	v32 =	vld [tilespmem:$0x2F10];
	v42 =	vmul.f32 v34, v60;
	v44 =	vadd.f32 v37, v44;
	v45 =	vadd.f32 v39, v45  }
0x1ff: {  	v36 =	vld [tilespmem:$0x2EE0];
	v41 =	vadd.f32 v41, v48;
	v27 =	vadd.f32 v35, v55;
	v48 =	vmul.f32 v34, v56  }
0x200: {  	v39 =	vld [tilespmem:$0x2EC0];
	v55 =	vmul.f32 v31, v54;
	v46 =	vadd.f32 v29, v46;
	v29 =	vmul.f32 v34, v62  }
0x201: {  	v37 =	vld [tilespmem:$0x2ED0];
	v42 =	vadd.f32 v42, v49;
	v48 =	vadd.f32 v48, v50;
	v50 =	vmul.f32 v31, v56  }
0x202: {  	v35 =	vld [tilespmem:$0x2EF0];
	v28 =	vadd.f32 v29, v1;
	v1 =	vadd.f32 v55, v51;
	v55 =	vmul.f32 v31, v60  }
0x203: {  	v34 =	vld [tilespmem:$0x2F00];
	v51 =	vmul.f32 v8, v54;
	v49 =	vadd.f32 v50, v52;
	v50 =	vmul.f32 v31, v62  }
0x204: {  	v60 =	vmul.f32 v8, v60;
	v52 =	vmul.f32 v8, v56;
	v31 =	vld [tilespmem:$0x2F20]  }
0x205: {  	v51 =	vadd.f32 v51, v53;
	v53 =	vld [tilespmem:$0x2F40];
	v29 =	vadd.f32 v50, v47;
	v50 =	vperm.xlane v22, v16  }
0x206: {  	v8 =	vmul.f32 v8, v62;
	v54 =	vadd.f32 v60, v61;
	v61 =	vld [tilespmem:$0x2F60];
	v47 =	vperm.xlane v21, v16  }
0x207: {  	v43 =	vadd.f32 v55, v43;
	v21 =	vld [tilespmem:$0x2F30];
	v52 =	vadd.f32 v52, v57;
	v56 =	vmul.f32 v39, v50  }
0x208: {  	v57 =	vld [tilespmem:$0x2F50];
	v22 =	vadd.f32 v8, v63;
	v55 =	vmul.f32 v39, v47;
	v60 =	vmul.f32 v37, v50  }
0x209: {  	v8 =	vmul.f32 v37, v47;
	v62 =	vmul.f32 v34, v47;
	v4 =	vadd.f32 v56, v4;
	v56 =	vld [tilespmem:$0x2F70]  }
0x20a: {  	v3 =	vadd.f32 v55, v3;
	v55 =	vmul.f32 v36, v47;
	v2 =	vadd.f32 v60, v2;
	v60 =	vld [tilespmem:$0x2F80]  }
0x20b: {  	v8 =	vadd.f32 v8, v59;
	v59 =	vmul.f32 v35, v47;
	v44 =	vadd.f32 v62, v44;
	v62 =	vld [tilespmem:$0x2FD0]  }
0x20c: {  	v55 =	vadd.f32 v55, v58;
	v3 =	vadd.f32 v53, v3;
	v53 =	vld [tilespmem:$0x2F90]  }
0x20d: {  	v63 =	vmul.f32 v32, v47;
	v6 =	vadd.f32 v59, v6;
	v8 =	vadd.f32 v57, v8;
	v57 =	vld [tilespmem:$0x2FA0]  }
0x20e: {  	v58 =	vld [tilespmem:$0x2FB0];
	[tilespmem:$0x2F40] =	vst v3;
	v3 =	vmul.f32 v31, v47;
	v55 =	vadd.f32 v61, v55  }
0x20f: {  	v46 =	vadd.f32 v63, v46;
	[tilespmem:$0x2F50] =	vst v8;
	v8 =	vmul.f32 v21, v47;
	v6 =	vadd.f32 v56, v6  }
0x210: {  	v61 =	vld [tilespmem:$0x2FC0];
	v44 =	vadd.f32 v60, v44;
	v1 =	vadd.f32 v3, v1;
	[tilespmem:$0x2F60] =	vst v55  }
0x211: {  	v56 =	vld [tilespmem:$0x2FE0];
	v2 =	vadd.f32 v62, v2;
	v8 =	vadd.f32 v8, v51;
	[tilespmem:$0x2F70] =	vst v6  }
0x212: {  	v20 =	vperm.xlane v20, v16;
	v3 =	vmul.f32 v36, v50;
	[tilespmem:$0x2F80] =	vst v44;
	v1 =	vadd.f32 v57, v1;
	v57 =	vld [tilespmem:$0x2FF0]  }
0x213: {  	v63 =	vmul.f32 v35, v50;
	v46 =	vadd.f32 v53, v46;
	[tilespmem:$0x2FD0] =	vst v2;
	v59 =	vadd.f32 v58, v8;
	v8 =	vld [tilespmem:$0x3000]  }
0x214: {  	v19 =	vperm.xlane v19, v16;
	v60 =	vld [tilespmem:$0x3010];
	v3 =	vadd.f32 v3, v5;
	[tilespmem:$0x2FA0] =	vst v1;
	v1 =	vmul.f32 v34, v50  }
0x215: {  	v62 =	vld [tilespmem:$0x3020];
	v6 =	vadd.f32 v63, v7;
	[tilespmem:$0x2F90] =	vst v46;
	v4 =	vadd.f32 v61, v4;
	v61 =	vmul.f32 v32, v50  }
0x216: {  	v51 =	vld [tilespmem:$0x3030];
	v63 =	vmul.f32 v31, v50;
	[tilespmem:$0x2FB0] =	vst v59;
	v3 =	vadd.f32 v56, v3;
	v1 =	vadd.f32 v1, v45  }
0x217: {  	v55 =	vld [tilespmem:$0x3040];
	v53 =	vmul.f32 v21, v50;
	[tilespmem:$0x2FC0] =	vst v4;
	v7 =	vadd.f32 v61, v48;
	v2 =	vadd.f32 v57, v6  }
0x218: {  	v56 =	vmul.f32 v39, v20;
	v45 =	vadd.f32 v63, v49;
	[tilespmem:$0x2FE0] =	vst v3;
	v3 =	vld [tilespmem:$0x3050];
	v1 =	vadd.f32 v8, v1  }
0x219: {  	v47 =	vadd.f32 v53, v52;
	v57 =	vld [tilespmem:$0x3060];
	v8 =	vmul.f32 v37, v20;
	[tilespmem:$0x2FF0] =	vst v2;
	v2 =	vadd.f32 v60, v7  }
0x21a: {  	v58 =	vmul.f32 v36, v20;
	v59 =	vld [tilespmem:$0x3070];
	v6 =	vadd.f32 v56, v30;
	[tilespmem:$0x3000] =	vst v1;
	v1 =	vadd.f32 v62, v45  }
0x21b: {  	v61 =	vld [tilespmem:$0x3080];
	v60 =	vmul.f32 v35, v20;
	v8 =	vadd.f32 v8, v33;
	[tilespmem:$0x3010] =	vst v2;
	v2 =	vadd.f32 v51, v47  }
0x21c: {  	v63 =	vld [tilespmem:$0x3090];
	v30 =	vadd.f32 v58, v38;
	v62 =	vmul.f32 v34, v20;
	[tilespmem:$0x3020] =	vst v1;
	v1 =	vadd.f32 v55, v6  }
0x21d: {  	v45 =	vmul.f32 v32, v20;
	v40 =	vadd.f32 v60, v40;
	[tilespmem:$0x3030] =	vst v2;
	v2 =	vadd.f32 v3, v8;
	v3 =	vld [tilespmem:$0x30A0]  }
0x21e: {  	v46 =	vmul.f32 v31, v20;
	v47 =	vld [tilespmem:$0x30B0];
	v8 =	vadd.f32 v62, v41;
	[tilespmem:$0x3040] =	vst v1;
	v1 =	vadd.f32 v57, v30  }
0x21f: {  	v49 =	vld [tilespmem:$0x30C0];
	v20 =	vmul.f32 v21, v20;
	v48 =	vadd.f32 v45, v42;
	[tilespmem:$0x3050] =	vst v2;
	v2 =	vadd.f32 v59, v40  }
0x220: {  	v50 =	vmul.f32 v39, v19;
	v38 =	vadd.f32 v46, v43;
	v51 =	vld [tilespmem:$0x30D0];
	[tilespmem:$0x3060] =	vst v1;
	v1 =	vadd.f32 v61, v8  }
0x221: {  	v52 =	vld [tilespmem:$0x30E0];
	v20 =	vadd.f32 v20, v54;
	v8 =	vmul.f32 v37, v19;
	[tilespmem:$0x3070] =	vst v2;
	v2 =	vadd.f32 v63, v48  }
0x222: {  	v53 =	vmul.f32 v36, v19;
	v23 =	vadd.f32 v50, v23;
	[tilespmem:$0x3080] =	vst v1;
	v1 =	vadd.f32 v3, v38;
	v3 =	vld [tilespmem:$0x30F0]  }
0x223: {  	v54 =	vmul.f32 v35, v19;
	v55 =	vld [tilespmem:$0x3100];
	v8 =	vadd.f32 v8, v24;
	[tilespmem:$0x3090] =	vst v2;
	v2 =	vadd.f32 v47, v20  }
0x224: {  	v56 =	vmul.f32 v34, v19;
	v57 =	vld [tilespmem:$0x3110];
	v20 =	vadd.f32 v53, v25;
	[tilespmem:$0x30A0] =	vst v1;
	v1 =	vadd.f32 v49, v23  }
0x225: {  	v60 =	vld [tilespmem:$0x3120];
	v58 =	vadd.f32 v54, v26;
	v59 =	vmul.f32 v32, v19;
	[tilespmem:$0x30B0] =	vst v2;
	v2 =	vadd.f32 v51, v8  }
0x226: {  	v62 =	vld [tilespmem:$0x3130];
	v61 =	vmul.f32 v31, v19;
	v8 =	vadd.f32 v56, v27;
	[tilespmem:$0x30C0] =	vst v1;
	v1 =	vadd.f32 v52, v20  }
0x227: {  	v19 =	vmul.f32 v21, v19;
	v20 =	vadd.f32 v59, v28;
	[tilespmem:$0x30D0] =	vst v2;
	v2 =	vadd.f32 v3, v58  }
0x228: {  	v3 =	vadd.f32 v61, v29;
	[tilespmem:$0x30E0] =	vst v1;
	v1 =	vadd.f32 v55, v8  }
.Ltmp8:
0x229: {  	v63 =	vadd.f32 v19, v22;
	[tilespmem:$0x30F0] =	vst v2;
	v2 =	vadd.f32 v57, v20;
	(pc) =	sbr.rel .LBB2_5-.Ltmp8, $4  }
0x22a: {  	[tilespmem:$0x3100] =	vst v1;
	v1 =	vadd.f32 v60, v3  }
0x22b: {  	[tilespmem:$0x3110] =	vst v2;
	v2 =	vadd.f32 v62, v63  }
0x22c: {  	[tilespmem:$0x3120] =	vst v1  }
0x22d: {  	[tilespmem:$0x3130] =	vst v2  }
.LBB2_8:
0x22e: {  	_ =	sfence.sel $0x180000  }
0x22f: {  	[bflag:$0x0] =	sbarrier.arrive $0xFFFF  }
0x230: {  	p0 =	sne.s32 s1, $0x0;
	_ =	strace $0x90000047  }
0x231: {  	s0 =	sadd.s32 @!p0 $0x100000, s0;
	[bflag:$0x2] =	sbarrier.arrive $0xFFFF  }
0x232: {  	[sflag:s0] =	ssyncadd.tile.s32 @!p0 $0x1;
	_ =	shalt  }
.Lfunc_end2:
_tile_overlayer_lowered:
.L_overlay_start_2:
0x233: {  	(tag) =	ssettag $0x2  }
0x234: {  	s0 =	rddreg [dreg:$0x0];
	s2 =	stileid.u32  }
0x235: {  	s1 =	rddreg [dreg:$0x1];
	p0 =	sne.s32 s2, $0x0  }
0x236: {  	s3 =	rddreg [dreg:$0x2];
	[bflag:$0x3] =	sbarrier.arrive $0xFFFF;
	s2 =	simm.s32 @!p0 $0x1C03  }
0x237: {  	[timem:s3], [sflag:s2] =	dma.local @!p0 [hbm:s0], s1  }
0x238: {  	s0 =	simm.s32 @!p0 $0x3  }
0x239: {  	_ =	swait.ge @!p0 [sflag:s0], s1  }
0x23a: {  	s1 =	ssub.s32 @!p0 $0x0, s1;
	[sflag:s0] =	ssyncset.done @!p0 $0x0  }
0x23b: {  	[sflag:s0] =	ssyncadd.s32 @!p0 s1  }
0x23c: {  	[bflag:$0x3] =	sbarrier.arrive $0xFFFF  }
0x23d: {  	_ =	shalt  }

</sc_bundles>
